<compile_context>
chip_gen: v7x
topology: tpu7x:2x2x1
jax: 0.10.2.dev20260603
libtpu: 0.0.44.dev20260713+nightly
codegen_flags: <defaults>
</compile_context>

<pallas_src>
import functools

import jax
import jax.numpy as jnp
import numpy as np
from jax import lax
from jax.experimental import pallas as pl
from jax.experimental.pallas import tpu as pltpu
from jax.experimental.pallas import tpu_sc as plsc

NN = 10000
NE = 320000
D = 128
C = 128
NCH = NE // C
NW = 32
JMAX = -(-NCH // NW)
NSUB = 16
NCH0 = NCH // 2
NCH1 = NCH - NCH0
ZR = 624
ZTAIL = NN - NSUB * ZR

_mesh = plsc.VectorSubcoreMesh(core_axis_name="c", subcore_axis_name="s")


@functools.partial(
    pl.kernel,
    out_type=jax.ShapeDtypeStruct((2 * NN, D), jnp.float32),
    mesh=_mesh,
    scratch_types=[
        pltpu.VMEM((1, C), jnp.int32),
        pltpu.VMEM((1, C), jnp.int32),
        pltpu.VMEM((C, D), jnp.float32),
        pltpu.VMEM((C, D), jnp.float32),
        pltpu.VMEM_SHARED((NN, D), jnp.float32),
        pltpu.SemaphoreType.DMA,
        pltpu.SemaphoreType.DMA,
        pltpu.SemaphoreType.DMA,
        pltpu.SemaphoreType.DMA,
    ],
)
def _sc_scatter(edges_hbm, dst3d_hbm, zeros_hbm, out_hbm,
                idx0, idx1, ed0, ed1, acc_sh, sem0, sem1, isem0, isem1):
    c = lax.axis_index("c")
    s = lax.axis_index("s")
    w = s * 2 + c
    ed = [ed0, ed1]
    sem = [sem0, sem1]
    idx = [idx0, idx1]
    isem = [isem0, isem1]
    pltpu.sync_copy(zeros_hbm.at[pl.ds(s * ZR, ZR)],
                    acc_sh.at[pl.ds(s * ZR, ZR)])

    @pl.when(s == NSUB - 1)
    def _():
        pltpu.sync_copy(zeros_hbm.at[pl.ds(NSUB * ZR, ZTAIL)],
                        acc_sh.at[pl.ds(NSUB * ZR, ZTAIL)])

    plsc.subcore_barrier()

    def issue(j, p):
        k = w + NW * j
        pltpu.async_copy(edges_hbm.at[pl.ds(k * C, C)], ed[p], sem[p])

    def wait(j, p):
        k = w + NW * j
        pltpu.make_async_copy(edges_hbm.at[pl.ds(k * C, C)], ed[p],
                              sem[p]).wait()

    def issue_idx(j, p):
        pltpu.async_copy(dst3d_hbm.at[w + NW * j], idx[p], isem[p])

    def wait_idx(j, p):
        pltpu.make_async_copy(dst3d_hbm.at[w + NW * j], idx[p],
                              isem[p]).wait()

    pltpu.sync_copy(dst3d_hbm.at[w], idx[0])
    issue(0, 0)
    issue_idx(1, 1)

    def outer(t, carry):
        for b in range(2):
            j = 2 * t + b
            p = b
            wait(j, p)

            @pl.when(w + NW * (j + 1) < NCH)
            def _():
                wait_idx(j + 1, 1 - p)
                issue(j + 1, 1 - p)

            pltpu.sync_copy(ed[p], acc_sh.at[idx[p].at[0]], add=True)

            @pl.when(w + NW * (j + 2) < NCH)
            def _():
                issue_idx(j + 2, p)
        return carry

    lax.fori_loop(0, (JMAX - 1) // 2, outer, 0)

    @pl.when(w + NW * (JMAX - 1) < NCH)
    def _():
        wait(JMAX - 1, 0)
        pltpu.sync_copy(ed[0], acc_sh.at[idx[0].at[0]], add=True)

    plsc.subcore_barrier()
    pltpu.sync_copy(acc_sh.at[pl.ds(s * ZR, ZR)],
                    out_hbm.at[pl.ds(c * NN + s * ZR, ZR)])

    @pl.when(s == NSUB - 1)
    def _():
        pltpu.sync_copy(acc_sh.at[pl.ds(NSUB * ZR, ZTAIL)],
                        out_hbm.at[pl.ds(c * NN + NSUB * ZR, ZTAIL)])


def _make_gather(kb, nchh):
    jh = 2 * (-(-nchh // NW // 2))

    @functools.partial(
        pl.kernel,
        out_type=jax.ShapeDtypeStruct((nchh * C, D), jnp.float32),
        mesh=_mesh,
        scratch_types=[
            pltpu.VMEM((1, C), jnp.int32),
            pltpu.VMEM((1, C), jnp.int32),
            pltpu.VMEM((1, C), jnp.int32),
            pltpu.VMEM((1, C), jnp.int32),
            pltpu.VMEM((C, D), jnp.float32),
            pltpu.VMEM((C, D), jnp.float32),
            pltpu.VMEM((C, D), jnp.float32),
            pltpu.VMEM((C, D), jnp.float32),
            pltpu.SemaphoreType.DMA,
            pltpu.SemaphoreType.DMA,
            pltpu.SemaphoreType.DMA,
            pltpu.SemaphoreType.DMA,
            pltpu.SemaphoreType.DMA,
            pltpu.SemaphoreType.DMA,
            pltpu.SemaphoreType.DMA,
            pltpu.SemaphoreType.DMA,
            pltpu.SemaphoreType.DMA,
            pltpu.SemaphoreType.DMA,
        ],
    )
    def gather_k(a_hbm, b_hbm, src3d_hbm, dst3d_hbm, out_hbm,
                 idxa0, idxa1, idxb0, idxb1, bufa0, bufa1, bufb0, bufb1,
                 sema0, sema1, semb0, semb1, semo0, semo1,
                 isa0, isa1, isb0, isb1):
        c = lax.axis_index("c")
        s = lax.axis_index("s")
        w = s * 2 + c
        idxa = [idxa0, idxa1]
        idxb = [idxb0, idxb1]
        bufa = [bufa0, bufa1]
        bufb = [bufb0, bufb1]
        sema = [sema0, sema1]
        semb = [semb0, semb1]
        semo = [semo0, semo1]
        isa = [isa0, isa1]
        isb = [isb0, isb1]

        def kof(j):
            return jnp.minimum(w + NW * j, nchh - 1)

        def issue_idx(j, p):
            pltpu.async_copy(src3d_hbm.at[kb + kof(j)], idxa[p], isa[p])
            pltpu.async_copy(dst3d_hbm.at[kb + kof(j)], idxb[p], isb[p])

        def wait_idx(j, p):
            pltpu.make_async_copy(src3d_hbm.at[kb + kof(j)], idxa[p],
                                  isa[p]).wait()
            pltpu.make_async_copy(dst3d_hbm.at[kb + kof(j)], idxb[p],
                                  isb[p]).wait()

        def issue(j, p):
            pltpu.async_copy(a_hbm.at[idxa[p].at[0]], bufa[p], sema[p])
            pltpu.async_copy(b_hbm.at[idxb[p].at[0]], bufb[p], semb[p])

        def wait(j, p):
            pltpu.make_async_copy(a_hbm.at[idxa[p].at[0]], bufa[p],
                                  sema[p]).wait()
            pltpu.make_async_copy(b_hbm.at[idxb[p].at[0]], bufb[p],
                                  semb[p]).wait()

        def wait_out(j, p):
            pltpu.make_async_copy(
                bufa[p], out_hbm.at[pl.ds(kof(j) * C, C)], semo[p]).wait()

        pltpu.sync_copy(src3d_hbm.at[kb + kof(0)], idxa[0])
        pltpu.sync_copy(dst3d_hbm.at[kb + kof(0)], idxb[0])
        issue(0, 0)
        issue_idx(1, 1)

        def outer(t, carry):
            for b in range(2):
                j = 2 * t + b
                p = b
                wait(j, p)

                @pl.when(j + 1 < jh)
                def _():
                    @pl.when(j >= 1)
                    def _():
                        wait_out(j - 1, 1 - p)

                    wait_idx(j + 1, 1 - p)
                    issue(j + 1, 1 - p)

                @pl.when(j + 2 < jh)
                def _():
                    issue_idx(j + 2, p)

                def addrow(r, cr):
                    for u in range(D // 16):
                        plsc.addupdate(bufa[p].at[r, pl.ds(u * 16, 16)],
                                       bufb[p][r, pl.ds(u * 16, 16)])
                    return cr

                lax.fori_loop(0, C, addrow, 0)
                pltpu.async_copy(bufa[p], out_hbm.at[pl.ds(kof(j) * C, C)],
                                 semo[p])
            return carry

        lax.fori_loop(0, jh // 2, outer, 0)
        wait_out(jh - 2, 0)
        wait_out(jh - 1, 1)

    return gather_k


_sc_gather0 = _make_gather(0, NCH0)
_sc_gather1 = _make_gather(NCH0, NCH1)


def _ln(x, g, b):
    m = jnp.mean(x, axis=-1, keepdims=True)
    xc = x - m
    v = jnp.mean(xc * xc, axis=-1, keepdims=True)
    return xc * lax.rsqrt(v + 1e-5) * g + b


def _silu(x):
    return x * jax.nn.sigmoid(x)


def _unpack_bf16_pairs(xp, nrows):
    u = jax.lax.bitcast_convert_type(xp, jnp.uint32)
    lo = jax.lax.bitcast_convert_type(u << 16, jnp.float32)
    hi = jax.lax.bitcast_convert_type(u & jnp.uint32(0xFFFF0000), jnp.float32)
    return jnp.concatenate([lo.reshape(nrows, DP), hi.reshape(nrows, DP)],
                           axis=1)


def _node_body(p_ref, n_ref, w1a, w1b, b1, g1, bb1, w2, b2, g2, bb2, ws, wd,
               nn_ref, a_ref, b_ref):
    msg = p_ref[0:NN, :] + p_ref[NN:2 * NN, :]
    nodes = n_ref[...]
    x = (jnp.dot(nodes, w1a[...], preferred_element_type=jnp.float32)
         + jnp.dot(msg, w1b[...], preferred_element_type=jnp.float32)
         + b1[...])
    x = _silu(_ln(x, g1[...], bb1[...]))
    x = jnp.dot(x, w2[...], preferred_element_type=jnp.float32) + b2[...]
    x = _silu(_ln(x, g2[...], bb2[...]))
    nn = x + nodes
    nn_ref[...] = nn
    a_ref[...] = jnp.dot(nn, ws[...], preferred_element_type=jnp.float32)
    b_ref[...] = jnp.dot(nn, wd[...], preferred_element_type=jnp.float32)


BLK = 2000


def _edge_body(g_ref, e_ref, we, b1, g1, bb1, w2, b2, g2, bb2, out_ref):
    e = e_ref[...]
    h = (g_ref[...]
         + jnp.dot(e, we[...], preferred_element_type=jnp.float32)
         + b1[...])
    h = _silu(_ln(h, g1[...], bb1[...]))
    h = jnp.dot(h, w2[...], preferred_element_type=jnp.float32) + b2[...]
    h = _ln(h, g2[...], bb2[...])
    out_ref[...] = jnp.tanh(h) + e


def _edge_body2(car_ref, g_ref, e_ref, we, b1, g1, bb1, w2, b2, g2, bb2,
                out_ref):
    del car_ref
    _edge_body(g_ref, e_ref, we, b1, g1, bb1, w2, b2, g2, bb2, out_ref)


def _row2d(v):
    return v.reshape(1, D)


def kernel(nodes, edges, node_params, edge_params, graph):
    graph = graph.astype(jnp.int32)
    src3d = graph[0].reshape(NCH, 1, C)
    dst3d = graph[1].reshape(NCH, 1, C)
    zeros = jnp.zeros((NN, D), jnp.float32)

    partials = _sc_scatter(edges, dst3d, zeros)

    np0, np1 = node_params
    ep0, ep1 = edge_params
    w1a, w1b = np0['W'][:D], np0['W'][D:]
    ws, wd, we = ep0['W'][:D], ep0['W'][D:2 * D], ep0['W'][2 * D:]

    full = pl.BlockSpec((D, D), lambda i: (0, 0))
    row = pl.BlockSpec((1, D), lambda i: (0, 0))

    nodes_new, a_arr, b_arr = pl.pallas_call(
        _node_body,
        out_shape=[jax.ShapeDtypeStruct((NN, D), jnp.float32)] * 3,
    )(partials, nodes, w1a, w1b, _row2d(np0['b']), _row2d(np0['g']),
      _row2d(np0['beta']), np1['W'], _row2d(np1['b']), _row2d(np1['g']),
      _row2d(np1['beta']), ws, wd)

    g0 = _sc_gather0(a_arr, b_arr, src3d, dst3d)
    g1 = _sc_gather1(a_arr, b_arr, src3d, dst3d)

    nblk0 = (NCH0 * C) // BLK
    nblk1 = (NCH1 * C) // BLK
    blk = pl.BlockSpec((BLK, D), lambda i: (i, 0))
    blk_hi = pl.BlockSpec((BLK, D), lambda i: (i + nblk0, 0))
    ewts = (we, _row2d(ep0['b']), _row2d(ep0['g']), _row2d(ep0['beta']),
            ep1['W'], _row2d(ep1['b']), _row2d(ep1['g']), _row2d(ep1['beta']))
    wspecs = [full, row, row, row, full, row, row, row]

    o0 = pl.pallas_call(
        _edge_body,
        grid=(nblk0,),
        in_specs=[blk, blk] + wspecs,
        out_specs=blk,
        out_shape=jax.ShapeDtypeStruct((NE, D), jnp.float32),
    )(g0, edges, *ewts)

    edges_new = pl.pallas_call(
        _edge_body2,
        grid=(nblk1,),
        in_specs=[pl.BlockSpec(memory_space=pl.ANY), blk, blk_hi] + wspecs,
        out_specs=blk_hi,
        out_shape=jax.ShapeDtypeStruct((NE, D), jnp.float32),
        input_output_aliases={0: 0},
    )(o0, g1, edges, *ewts)

    return nodes_new, edges_new

# --- scband reference (transcript-rebuilt; emitter-appended) ---
"""Pipeline reference for scband-interaction-gnncell-80753975099945 (READ-ONLY COPY).

The authoritative reference and input builder live on the scoring server;
editing this copy changes nothing except your own understanding.
"""

import jax, jax.numpy as jnp
import numpy as np

LATENT = 128
HIDDEN = 128
N_NODES = 10000
N_EDGES = 320000
NB_EDGE_LAYER = 2
NB_NODE_LAYER = 2


def init_mlp(key, in_dim, hidden, out_dim, n_layers):
    sizes = [in_dim] + [hidden] * (n_layers - 1) + [out_dim]
    params = []
    for i in range(n_layers):
        key, k1 = jax.random.split(key)
        W = jax.random.normal(k1, (sizes[i], sizes[i + 1]), dtype=jnp.float32) * (1.0 / np.sqrt(sizes[i]))
        b = jnp.zeros((sizes[i + 1],), dtype=jnp.float32)
        g = jnp.ones((sizes[i + 1],), dtype=jnp.float32)
        beta = jnp.zeros((sizes[i + 1],), dtype=jnp.float32)
        params.append({'W': W, 'b': b, 'g': g, 'beta': beta})
    return params


def layer_norm(x, g, b):
    m = jnp.mean(x, axis=-1, keepdims=True)
    v = jnp.var(x, axis=-1, keepdims=True)
    return (x - m) / jnp.sqrt(v + 1e-5) * g + b


def apply_mlp(params, x, hidden_act, out_act):
    n = len(params)
    for i, p in enumerate(params):
        x = x @ p['W'] + p['b']
        x = layer_norm(x, p['g'], p['beta'])
        x = hidden_act(x) if i < n - 1 else out_act(x)
    return x


def setup_inputs(seed: int = 0) -> dict:
    key = jax.random.key(seed)
    k1, k2, k3, k4, k5 = jax.random.split(key, 5)
    nodes = jax.random.normal(k1, (N_NODES, LATENT), dtype=jnp.float32)
    edges = jax.random.normal(k2, (N_EDGES, LATENT), dtype=jnp.float32)
    graph = jax.random.randint(k3, (2, N_EDGES), 0, N_NODES, dtype=jnp.int64 if jax.config.jax_enable_x64 else jnp.int32)
    # node_network: make_mlp(2*latent, hidden, latent, nb_node_layer, layer_norm=True,
    #                        output_activation=hidden_activation, hidden_activation='SiLU')
    node_params = init_mlp(k4, 2 * LATENT, HIDDEN, LATENT, NB_NODE_LAYER)
    # edge_network: make_mlp(3*latent, hidden, latent, nb_edge_layer, layer_norm=True,
    #                        output_activation='Tanh', hidden_activation='SiLU')
    edge_params = init_mlp(k5, 3 * LATENT, HIDDEN, LATENT, NB_EDGE_LAYER)
    return {'nodes': nodes, 'edges': edges, 'node_params': node_params, 'edge_params': edge_params, 'graph': graph}


def reference(nodes, edges, node_params, edge_params, graph):
    # node update: scatter_add edge messages to destination nodes (graph[1])
    edge_messages = jax.ops.segment_sum(edges, graph[1], num_segments=nodes.shape[0])
    node_input = jnp.concatenate([nodes, edge_messages], axis=-1)
    nodes = apply_mlp(node_params, node_input, jax.nn.silu, jax.nn.silu) + nodes
    # edge update: gather updated node features for both endpoints
    edge_input = jnp.concatenate([nodes[graph[0]], nodes[graph[1]], edges], axis=-1)
    edges = apply_mlp(edge_params, edge_input, jax.nn.silu, jnp.tanh) + edges
    return (nodes, edges)

if __name__ == "__main__":
    import jax
    _d = setup_inputs()
    print(jax.jit(kernel)(*tuple(_d.values())))

</pallas_src>

<mosaic_0001>
#map = affine_map<(d0, d1) -> (0, 0)>
#map1 = affine_map<(d0, d1) -> (0, 0, 0)>
module attributes {stable_mosaic.version = 14 : i64} {
  func.func @_sc_scatter(%arg0: i32, %arg1: i32, %arg2: memref<320000x128xf32, #tpu.memory_space<hbm>>, %arg3: memref<2500x1x128xi32, #tpu.memory_space<hbm>>, %arg4: memref<10000x128xf32, #tpu.memory_space<hbm>>, %arg5: memref<20000x128xf32, #tpu.memory_space<hbm>>, %arg6: memref<1x128xi32, #tpu.memory_space<vmem>>, %arg7: memref<1x128xi32, #tpu.memory_space<vmem>>, %arg8: memref<128x128xf32, #tpu.memory_space<vmem>>, %arg9: memref<128x128xf32, #tpu.memory_space<vmem>>, %arg10: memref<10000x128xf32, #tpu.memory_space<vmem_shared>>, %arg11: memref<!tpu.dma_semaphore, #tpu.memory_space<semaphore_mem>>, %arg12: memref<!tpu.dma_semaphore, #tpu.memory_space<semaphore_mem>>, %arg13: memref<!tpu.dma_semaphore, #tpu.memory_space<semaphore_mem>>, %arg14: memref<!tpu.dma_semaphore, #tpu.memory_space<semaphore_mem>>) attributes {dimension_semantics = [#tpu.dimension_semantics<core_parallel>, #tpu.dimension_semantics<subcore_parallel>], iteration_bounds = array<i64: 2, 16>, scalar_prefetch = 0 : i64, scratch_operands = 9 : i64, tpu.core_type = #tpu.core_type<sc_vector_subcore>, window_params = [{transform_indices = #map}, {transform_indices = #map1}, {transform_indices = #map}, {transform_indices = #map}]} {
    %mul3A = arith.constant 2 : i32
    %mul3A_0 = arith.muli %arg1, %mul3A : i32
    %add3A = arith.addi %mul3A_0, %arg0 : i32
    %mul3A_1 = arith.constant 624 : i32
    %mul3A_2 = arith.muli %arg1, %mul3A_1 : i32
    %mul3A_3 = arith.constant 624 : i32
    %mul3A_4 = arith.muli %arg1, %mul3A_3 : i32
    "tpu.region"() ({
      %run_scoped3A = tpu.sem_alloc : memref<!tpu.dma_semaphore, #tpu.memory_space<semaphore_mem>>
      %dma_start3A_48 = arith.constant 0 : i32
      %dma_start3A_49 = tpu.memref_slice %arg10[%mul3A_4, %dma_start3A_48] : memref<10000x128xf32, #tpu.memory_space<vmem_shared>> -> memref<624x128xf32, #tpu.memory_space<vmem_shared>>
      %dma_start3A_50 = arith.constant 0 : i32
      %dma_start3A_51 = tpu.memref_slice %arg4[%mul3A_2, %dma_start3A_50] : memref<10000x128xf32, #tpu.memory_space<hbm>> -> memref<624x128xf32, #tpu.memory_space<hbm>>
      tpu.enqueue_dma source(%dma_start3A_51 : memref<624x128xf32, #tpu.memory_space<hbm>>) target(%dma_start3A_49 : memref<624x128xf32, #tpu.memory_space<vmem_shared>>) target_semaphore(%run_scoped3A : memref<!tpu.dma_semaphore, #tpu.memory_space<semaphore_mem>>)
      %dma_wait3A = arith.constant 0 : i32
      %dma_wait3A_52 = tpu.memref_slice %arg10[%mul3A_4, %dma_wait3A] : memref<10000x128xf32, #tpu.memory_space<vmem_shared>> -> memref<624x128xf32, #tpu.memory_space<vmem_shared>>
      %dma_wait3A_53 = arith.constant 0 : i32
      %dma_wait3A_54 = tpu.memref_slice %arg4[%mul3A_2, %dma_wait3A_53] : memref<10000x128xf32, #tpu.memory_space<hbm>> -> memref<624x128xf32, #tpu.memory_space<hbm>>
      tpu.wait_dma2 semaphore(%run_scoped3A : memref<!tpu.dma_semaphore, #tpu.memory_space<semaphore_mem>>) src(%dma_wait3A_54 : memref<624x128xf32, #tpu.memory_space<hbm>>) dst(%dma_wait3A_52 : memref<624x128xf32, #tpu.memory_space<vmem_shared>>)
      tpu.yield
    }) : () -> ()
    %eq3A = arith.constant 15 : i32
    %eq3A_5 = arith.cmpi eq, %arg1, %eq3A : i32
    %convert_element_type3A = arith.extui %eq3A_5 : i1 to i32
    %cond3A = arith.constant 0 : i32
    %cond3A_6 = arith.cmpi ne, %convert_element_type3A, %cond3A : i32
    scf.if %cond3A_6 {
      "tpu.region"() ({
        %run_scoped3A = tpu.sem_alloc : memref<!tpu.dma_semaphore, #tpu.memory_space<semaphore_mem>>
        %dma_start3A_48 = arith.constant 9984 : i32
        %dma_start3A_49 = arith.constant 0 : i32
        %dma_start3A_50 = tpu.memref_slice %arg10[%dma_start3A_48, %dma_start3A_49] : memref<10000x128xf32, #tpu.memory_space<vmem_shared>> -> memref<16x128xf32, #tpu.memory_space<vmem_shared>>
        %dma_start3A_51 = arith.constant 9984 : i32
        %dma_start3A_52 = arith.constant 0 : i32
        %dma_start3A_53 = tpu.memref_slice %arg4[%dma_start3A_51, %dma_start3A_52] : memref<10000x128xf32, #tpu.memory_space<hbm>> -> memref<16x128xf32, #tpu.memory_space<hbm>>
        tpu.enqueue_dma source(%dma_start3A_53 : memref<16x128xf32, #tpu.memory_space<hbm>>) target(%dma_start3A_50 : memref<16x128xf32, #tpu.memory_space<vmem_shared>>) target_semaphore(%run_scoped3A : memref<!tpu.dma_semaphore, #tpu.memory_space<semaphore_mem>>)
        %dma_wait3A = arith.constant 9984 : i32
        %dma_wait3A_54 = arith.constant 0 : i32
        %dma_wait3A_55 = tpu.memref_slice %arg10[%dma_wait3A, %dma_wait3A_54] : memref<10000x128xf32, #tpu.memory_space<vmem_shared>> -> memref<16x128xf32, #tpu.memory_space<vmem_shared>>
        %dma_wait3A_56 = arith.constant 9984 : i32
        %dma_wait3A_57 = arith.constant 0 : i32
        %dma_wait3A_58 = tpu.memref_slice %arg4[%dma_wait3A_56, %dma_wait3A_57] : memref<10000x128xf32, #tpu.memory_space<hbm>> -> memref<16x128xf32, #tpu.memory_space<hbm>>
        tpu.wait_dma2 semaphore(%run_scoped3A : memref<!tpu.dma_semaphore, #tpu.memory_space<semaphore_mem>>) src(%dma_wait3A_58 : memref<16x128xf32, #tpu.memory_space<hbm>>) dst(%dma_wait3A_55 : memref<16x128xf32, #tpu.memory_space<vmem_shared>>)
        tpu.yield
      }) : () -> ()
    } else {
    }
    %barrier3A = arith.constant 0 : index
    tpu.barrier barrier_id(%barrier3A)
    "tpu.region"() ({
      %run_scoped3A = tpu.sem_alloc : memref<!tpu.dma_semaphore, #tpu.memory_space<semaphore_mem>>
      %dma_start3A_48 = arith.constant 0 : i32
      %dma_start3A_49 = arith.constant 0 : i32
      %dma_start3A_50 = tpu.memref_slice %arg3[%add3A, %dma_start3A_48, %dma_start3A_49] : memref<2500x1x128xi32, #tpu.memory_space<hbm>> -> memref<1x1x128xi32, #tpu.memory_space<hbm>>
      %dma_start3A_51 = tpu.memref_squeeze %dma_start3A_50 : memref<1x1x128xi32, #tpu.memory_space<hbm>> -> memref<1x128xi32, #tpu.memory_space<hbm>>
      %dma_start3A_52 = arith.constant 0 : i32
      %dma_start3A_53 = arith.constant 0 : i32
      %dma_start3A_54 = tpu.memref_slice %arg3[%add3A, %dma_start3A_52, %dma_start3A_53] : memref<2500x1x128xi32, #tpu.memory_space<hbm>> -> memref<1x1x128xi32, #tpu.memory_space<hbm>>
      %dma_start3A_55 = tpu.memref_squeeze %dma_start3A_54 : memref<1x1x128xi32, #tpu.memory_space<hbm>> -> memref<1x128xi32, #tpu.memory_space<hbm>>
      tpu.enqueue_dma source(%dma_start3A_55 : memref<1x128xi32, #tpu.memory_space<hbm>>) target(%arg6 : memref<1x128xi32, #tpu.memory_space<vmem>>) target_semaphore(%run_scoped3A : memref<!tpu.dma_semaphore, #tpu.memory_space<semaphore_mem>>)
      %dma_wait3A = arith.constant 0 : i32
      %dma_wait3A_56 = arith.constant 0 : i32
      %dma_wait3A_57 = tpu.memref_slice %arg3[%add3A, %dma_wait3A, %dma_wait3A_56] : memref<2500x1x128xi32, #tpu.memory_space<hbm>> -> memref<1x1x128xi32, #tpu.memory_space<hbm>>
      %dma_wait3A_58 = tpu.memref_squeeze %dma_wait3A_57 : memref<1x1x128xi32, #tpu.memory_space<hbm>> -> memref<1x128xi32, #tpu.memory_space<hbm>>
      %dma_wait3A_59 = arith.constant 0 : i32
      %dma_wait3A_60 = arith.constant 0 : i32
      %dma_wait3A_61 = tpu.memref_slice %arg3[%add3A, %dma_wait3A_59, %dma_wait3A_60] : memref<2500x1x128xi32, #tpu.memory_space<hbm>> -> memref<1x1x128xi32, #tpu.memory_space<hbm>>
      %dma_wait3A_62 = tpu.memref_squeeze %dma_wait3A_61 : memref<1x1x128xi32, #tpu.memory_space<hbm>> -> memref<1x128xi32, #tpu.memory_space<hbm>>
      tpu.wait_dma2 semaphore(%run_scoped3A : memref<!tpu.dma_semaphore, #tpu.memory_space<semaphore_mem>>) src(%dma_wait3A_62 : memref<1x128xi32, #tpu.memory_space<hbm>>) dst(%arg6 : memref<1x128xi32, #tpu.memory_space<vmem>>)
      tpu.yield
    }) : () -> ()
    %add3A_7 = arith.constant 0 : i32
    %add3A_8 = arith.addi %add3A, %add3A_7 : i32
    %mul3A_9 = arith.constant 128 : i32
    %mul3A_10 = arith.muli %add3A_8, %mul3A_9 : i32
    %dma_start3A = arith.constant 0 : i32
    %dma_start3A_11 = tpu.memref_slice %arg2[%mul3A_10, %dma_start3A] : memref<320000x128xf32, #tpu.memory_space<hbm>> -> memref<128x128xf32, #tpu.memory_space<hbm>>
    %dma_start3A_12 = arith.constant 0 : i32
    %dma_start3A_13 = tpu.memref_slice %arg2[%mul3A_10, %dma_start3A_12] : memref<320000x128xf32, #tpu.memory_space<hbm>> -> memref<128x128xf32, #tpu.memory_space<hbm>>
    tpu.enqueue_dma source(%dma_start3A_13 : memref<128x128xf32, #tpu.memory_space<hbm>>) target(%arg8 : memref<128x128xf32, #tpu.memory_space<vmem>>) target_semaphore(%arg11 : memref<!tpu.dma_semaphore, #tpu.memory_space<semaphore_mem>>)
    %add3A_14 = arith.constant 32 : i32
    %add3A_15 = arith.addi %add3A, %add3A_14 : i32
    %dma_start3A_16 = arith.constant 0 : i32
    %dma_start3A_17 = arith.constant 0 : i32
    %dma_start3A_18 = tpu.memref_slice %arg3[%add3A_15, %dma_start3A_16, %dma_start3A_17] : memref<2500x1x128xi32, #tpu.memory_space<hbm>> -> memref<1x1x128xi32, #tpu.memory_space<hbm>>
    %dma_start3A_19 = tpu.memref_squeeze %dma_start3A_18 : memref<1x1x128xi32, #tpu.memory_space<hbm>> -> memref<1x128xi32, #tpu.memory_space<hbm>>
    %dma_start3A_20 = arith.constant 0 : i32
    %dma_start3A_21 = arith.constant 0 : i32
    %dma_start3A_22 = tpu.memref_slice %arg3[%add3A_15, %dma_start3A_20, %dma_start3A_21] : memref<2500x1x128xi32, #tpu.memory_space<hbm>> -> memref<1x1x128xi32, #tpu.memory_space<hbm>>
    %dma_start3A_23 = tpu.memref_squeeze %dma_start3A_22 : memref<1x1x128xi32, #tpu.memory_space<hbm>> -> memref<1x128xi32, #tpu.memory_space<hbm>>
    tpu.enqueue_dma source(%dma_start3A_23 : memref<1x128xi32, #tpu.memory_space<hbm>>) target(%arg7 : memref<1x128xi32, #tpu.memory_space<vmem>>) target_semaphore(%arg14 : memref<!tpu.dma_semaphore, #tpu.memory_space<semaphore_mem>>)
    %scan3A = arith.constant 0 : i32
    %scan3A_24 = arith.constant 0 : i32
    %scan3A_25 = arith.constant 39 : i32
    %scan3A_26 = arith.addi %scan3A_24, %scan3A_25 : i32
    %scan3A_27 = arith.constant 1 : i32
    scf.for %scan3A_48 = %scan3A_24 to %scan3A_26 step %scan3A_27  : i32 {
      %mul3A_49 = arith.constant 2 : i32
      %mul3A_50 = arith.muli %mul3A_49, %scan3A_48 : i32
      %add3A_51 = arith.constant 0 : i32
      %add3A_52 = arith.addi %mul3A_50, %add3A_51 : i32
      %mul3A_53 = arith.constant 32 : i32
      %mul3A_54 = arith.muli %mul3A_53, %add3A_52 : i32
      %add3A_55 = arith.addi %add3A, %mul3A_54 : i32
      %mul3A_56 = arith.constant 128 : i32
      %mul3A_57 = arith.muli %add3A_55, %mul3A_56 : i32
      %dma_wait3A = arith.constant 0 : i32
      %dma_wait3A_58 = tpu.memref_slice %arg2[%mul3A_57, %dma_wait3A] : memref<320000x128xf32, #tpu.memory_space<hbm>> -> memref<128x128xf32, #tpu.memory_space<hbm>>
      %dma_wait3A_59 = arith.constant 0 : i32
      %dma_wait3A_60 = tpu.memref_slice %arg2[%mul3A_57, %dma_wait3A_59] : memref<320000x128xf32, #tpu.memory_space<hbm>> -> memref<128x128xf32, #tpu.memory_space<hbm>>
      tpu.wait_dma2 semaphore(%arg11 : memref<!tpu.dma_semaphore, #tpu.memory_space<semaphore_mem>>) src(%dma_wait3A_60 : memref<128x128xf32, #tpu.memory_space<hbm>>) dst(%arg8 : memref<128x128xf32, #tpu.memory_space<vmem>>)
      %add3A_61 = arith.constant 1 : i32
      %add3A_62 = arith.addi %add3A_52, %add3A_61 : i32
      %mul3A_63 = arith.constant 32 : i32
      %mul3A_64 = arith.muli %mul3A_63, %add3A_62 : i32
      %add3A_65 = arith.addi %add3A, %mul3A_64 : i32
      %lt3A_66 = arith.constant 2500 : i32
      %lt3A_67 = arith.cmpi slt, %add3A_65, %lt3A_66 : i32
      %convert_element_type3A_68 = arith.extui %lt3A_67 : i1 to i32
      %cond3A_69 = arith.constant 0 : i32
      %cond3A_70 = arith.cmpi ne, %convert_element_type3A_68, %cond3A_69 : i32
      scf.if %cond3A_70 {
        %add3A_115 = arith.constant 1 : i32
        %add3A_116 = arith.addi %add3A_52, %add3A_115 : i32
        %mul3A_117 = arith.constant 32 : i32
        %mul3A_118 = arith.muli %mul3A_117, %add3A_116 : i32
        %add3A_119 = arith.addi %add3A, %mul3A_118 : i32
        %dma_wait3A_120 = arith.constant 0 : i32
        %dma_wait3A_121 = arith.constant 0 : i32
        %dma_wait3A_122 = tpu.memref_slice %arg3[%add3A_119, %dma_wait3A_120, %dma_wait3A_121] : memref<2500x1x128xi32, #tpu.memory_space<hbm>> -> memref<1x1x128xi32, #tpu.memory_space<hbm>>
        %dma_wait3A_123 = tpu.memref_squeeze %dma_wait3A_122 : memref<1x1x128xi32, #tpu.memory_space<hbm>> -> memref<1x128xi32, #tpu.memory_space<hbm>>
        %dma_wait3A_124 = arith.constant 0 : i32
        %dma_wait3A_125 = arith.constant 0 : i32
        %dma_wait3A_126 = tpu.memref_slice %arg3[%add3A_119, %dma_wait3A_124, %dma_wait3A_125] : memref<2500x1x128xi32, #tpu.memory_space<hbm>> -> memref<1x1x128xi32, #tpu.memory_space<hbm>>
        %dma_wait3A_127 = tpu.memref_squeeze %dma_wait3A_126 : memref<1x1x128xi32, #tpu.memory_space<hbm>> -> memref<1x128xi32, #tpu.memory_space<hbm>>
        tpu.wait_dma2 semaphore(%arg14 : memref<!tpu.dma_semaphore, #tpu.memory_space<semaphore_mem>>) src(%dma_wait3A_127 : memref<1x128xi32, #tpu.memory_space<hbm>>) dst(%arg7 : memref<1x128xi32, #tpu.memory_space<vmem>>)
        %add3A_128 = arith.constant 1 : i32
        %add3A_129 = arith.addi %add3A_52, %add3A_128 : i32
        %mul3A_130 = arith.constant 32 : i32
        %mul3A_131 = arith.muli %mul3A_130, %add3A_129 : i32
        %add3A_132 = arith.addi %add3A, %mul3A_131 : i32
        %mul3A_133 = arith.constant 128 : i32
        %mul3A_134 = arith.muli %add3A_132, %mul3A_133 : i32
        %dma_start3A_135 = arith.constant 0 : i32
        %dma_start3A_136 = tpu.memref_slice %arg2[%mul3A_134, %dma_start3A_135] : memref<320000x128xf32, #tpu.memory_space<hbm>> -> memref<128x128xf32, #tpu.memory_space<hbm>>
        %dma_start3A_137 = arith.constant 0 : i32
        %dma_start3A_138 = tpu.memref_slice %arg2[%mul3A_134, %dma_start3A_137] : memref<320000x128xf32, #tpu.memory_space<hbm>> -> memref<128x128xf32, #tpu.memory_space<hbm>>
        tpu.enqueue_dma source(%dma_start3A_138 : memref<128x128xf32, #tpu.memory_space<hbm>>) target(%arg9 : memref<128x128xf32, #tpu.memory_space<vmem>>) target_semaphore(%arg12 : memref<!tpu.dma_semaphore, #tpu.memory_space<semaphore_mem>>)
      } else {
      }
      %run_scoped3A = arith.constant 0 : i32
      "tpu.region"() ({
        %run_scoped3A_115 = tpu.sem_alloc : memref<!tpu.dma_semaphore, #tpu.memory_space<semaphore_mem>>
        %dma_start3A_116 = arith.constant 0 : i32
        %dma_start3A_117 = tpu.memref_slice %arg6[%run_scoped3A, %dma_start3A_116] : memref<1x128xi32, #tpu.memory_space<vmem>> -> memref<1x128xi32, #tpu.memory_space<vmem>>
        %dma_start3A_118 = tpu.memref_squeeze %dma_start3A_117 : memref<1x128xi32, #tpu.memory_space<vmem>> -> memref<128xi32, #tpu.memory_space<vmem>>
        %dma_start3A_119 = arith.constant 0 : i32
        %dma_start3A_120 = arith.constant 0 : i32
        %dma_start3A_121 = tpu.memref_slice %arg10[%dma_start3A_119, %dma_start3A_120] : memref<10000x128xf32, #tpu.memory_space<vmem_shared>> -> memref<10000x128xf32, #tpu.memory_space<vmem_shared>>
        tpu.enqueue_indirect_dma source(%arg8 : memref<128x128xf32, #tpu.memory_space<vmem>>) target(%dma_start3A_121 : memref<10000x128xf32, #tpu.memory_space<vmem_shared>>) offsets(%dma_start3A_118 : memref<128xi32, #tpu.memory_space<vmem>>) semaphore(%run_scoped3A_115 : memref<!tpu.dma_semaphore, #tpu.memory_space<semaphore_mem>>) {add = true}
        %dma_wait3A_122 = arith.constant 0 : i32
        %dma_wait3A_123 = tpu.memref_slice %arg6[%run_scoped3A, %dma_wait3A_122] : memref<1x128xi32, #tpu.memory_space<vmem>> -> memref<1x128xi32, #tpu.memory_space<vmem>>
        %dma_wait3A_124 = tpu.memref_squeeze %dma_wait3A_123 : memref<1x128xi32, #tpu.memory_space<vmem>> -> memref<128xi32, #tpu.memory_space<vmem>>
        %dma_wait3A_125 = arith.constant 0 : i32
        %dma_wait3A_126 = arith.constant 0 : i32
        %dma_wait3A_127 = tpu.memref_slice %arg10[%dma_wait3A_125, %dma_wait3A_126] : memref<10000x128xf32, #tpu.memory_space<vmem_shared>> -> memref<10000x128xf32, #tpu.memory_space<vmem_shared>>
        tpu.wait_indirect_dma semaphore(%run_scoped3A_115 : memref<!tpu.dma_semaphore, #tpu.memory_space<semaphore_mem>>) src(%arg8 : memref<128x128xf32, #tpu.memory_space<vmem>>) dst(%dma_wait3A_127 : memref<10000x128xf32, #tpu.memory_space<vmem_shared>>)
        tpu.yield
      }) : () -> ()
      %add3A_71 = arith.constant 2 : i32
      %add3A_72 = arith.addi %add3A_52, %add3A_71 : i32
      %mul3A_73 = arith.constant 32 : i32
      %mul3A_74 = arith.muli %mul3A_73, %add3A_72 : i32
      %add3A_75 = arith.addi %add3A, %mul3A_74 : i32
      %lt3A_76 = arith.constant 2500 : i32
      %lt3A_77 = arith.cmpi slt, %add3A_75, %lt3A_76 : i32
      %convert_element_type3A_78 = arith.extui %lt3A_77 : i1 to i32
      %cond3A_79 = arith.constant 0 : i32
      %cond3A_80 = arith.cmpi ne, %convert_element_type3A_78, %cond3A_79 : i32
      scf.if %cond3A_80 {
        %add3A_115 = arith.constant 2 : i32
        %add3A_116 = arith.addi %add3A_52, %add3A_115 : i32
        %mul3A_117 = arith.constant 32 : i32
        %mul3A_118 = arith.muli %mul3A_117, %add3A_116 : i32
        %add3A_119 = arith.addi %add3A, %mul3A_118 : i32
        %dma_start3A_120 = arith.constant 0 : i32
        %dma_start3A_121 = arith.constant 0 : i32
        %dma_start3A_122 = tpu.memref_slice %arg3[%add3A_119, %dma_start3A_120, %dma_start3A_121] : memref<2500x1x128xi32, #tpu.memory_space<hbm>> -> memref<1x1x128xi32, #tpu.memory_space<hbm>>
        %dma_start3A_123 = tpu.memref_squeeze %dma_start3A_122 : memref<1x1x128xi32, #tpu.memory_space<hbm>> -> memref<1x128xi32, #tpu.memory_space<hbm>>
        %dma_start3A_124 = arith.constant 0 : i32
        %dma_start3A_125 = arith.constant 0 : i32
        %dma_start3A_126 = tpu.memref_slice %arg3[%add3A_119, %dma_start3A_124, %dma_start3A_125] : memref<2500x1x128xi32, #tpu.memory_space<hbm>> -> memref<1x1x128xi32, #tpu.memory_space<hbm>>
        %dma_start3A_127 = tpu.memref_squeeze %dma_start3A_126 : memref<1x1x128xi32, #tpu.memory_space<hbm>> -> memref<1x128xi32, #tpu.memory_space<hbm>>
        tpu.enqueue_dma source(%dma_start3A_127 : memref<1x128xi32, #tpu.memory_space<hbm>>) target(%arg6 : memref<1x128xi32, #tpu.memory_space<vmem>>) target_semaphore(%arg13 : memref<!tpu.dma_semaphore, #tpu.memory_space<semaphore_mem>>)
      } else {
      }
      %mul3A_81 = arith.constant 2 : i32
      %mul3A_82 = arith.muli %mul3A_81, %scan3A_48 : i32
      %add3A_83 = arith.constant 1 : i32
      %add3A_84 = arith.addi %mul3A_82, %add3A_83 : i32
      %mul3A_85 = arith.constant 32 : i32
      %mul3A_86 = arith.muli %mul3A_85, %add3A_84 : i32
      %add3A_87 = arith.addi %add3A, %mul3A_86 : i32
      %mul3A_88 = arith.constant 128 : i32
      %mul3A_89 = arith.muli %add3A_87, %mul3A_88 : i32
      %dma_wait3A_90 = arith.constant 0 : i32
      %dma_wait3A_91 = tpu.memref_slice %arg2[%mul3A_89, %dma_wait3A_90] : memref<320000x128xf32, #tpu.memory_space<hbm>> -> memref<128x128xf32, #tpu.memory_space<hbm>>
      %dma_wait3A_92 = arith.constant 0 : i32
      %dma_wait3A_93 = tpu.memref_slice %arg2[%mul3A_89, %dma_wait3A_92] : memref<320000x128xf32, #tpu.memory_space<hbm>> -> memref<128x128xf32, #tpu.memory_space<hbm>>
      tpu.wait_dma2 semaphore(%arg12 : memref<!tpu.dma_semaphore, #tpu.memory_space<semaphore_mem>>) src(%dma_wait3A_93 : memref<128x128xf32, #tpu.memory_space<hbm>>) dst(%arg9 : memref<128x128xf32, #tpu.memory_space<vmem>>)
      %add3A_94 = arith.constant 1 : i32
      %add3A_95 = arith.addi %add3A_84, %add3A_94 : i32
      %mul3A_96 = arith.constant 32 : i32
      %mul3A_97 = arith.muli %mul3A_96, %add3A_95 : i32
      %add3A_98 = arith.addi %add3A, %mul3A_97 : i32
      %lt3A_99 = arith.constant 2500 : i32
      %lt3A_100 = arith.cmpi slt, %add3A_98, %lt3A_99 : i32
      %convert_element_type3A_101 = arith.extui %lt3A_100 : i1 to i32
      %cond3A_102 = arith.constant 0 : i32
      %cond3A_103 = arith.cmpi ne, %convert_element_type3A_101, %cond3A_102 : i32
      scf.if %cond3A_103 {
        %add3A_115 = arith.constant 1 : i32
        %add3A_116 = arith.addi %add3A_84, %add3A_115 : i32
        %mul3A_117 = arith.constant 32 : i32
        %mul3A_118 = arith.muli %mul3A_117, %add3A_116 : i32
        %add3A_119 = arith.addi %add3A, %mul3A_118 : i32
        %dma_wait3A_120 = arith.constant 0 : i32
        %dma_wait3A_121 = arith.constant 0 : i32
        %dma_wait3A_122 = tpu.memref_slice %arg3[%add3A_119, %dma_wait3A_120, %dma_wait3A_121] : memref<2500x1x128xi32, #tpu.memory_space<hbm>> -> memref<1x1x128xi32, #tpu.memory_space<hbm>>
        %dma_wait3A_123 = tpu.memref_squeeze %dma_wait3A_122 : memref<1x1x128xi32, #tpu.memory_space<hbm>> -> memref<1x128xi32, #tpu.memory_space<hbm>>
        %dma_wait3A_124 = arith.constant 0 : i32
        %dma_wait3A_125 = arith.constant 0 : i32
        %dma_wait3A_126 = tpu.memref_slice %arg3[%add3A_119, %dma_wait3A_124, %dma_wait3A_125] : memref<2500x1x128xi32, #tpu.memory_space<hbm>> -> memref<1x1x128xi32, #tpu.memory_space<hbm>>
        %dma_wait3A_127 = tpu.memref_squeeze %dma_wait3A_126 : memref<1x1x128xi32, #tpu.memory_space<hbm>> -> memref<1x128xi32, #tpu.memory_space<hbm>>
        tpu.wait_dma2 semaphore(%arg13 : memref<!tpu.dma_semaphore, #tpu.memory_space<semaphore_mem>>) src(%dma_wait3A_127 : memref<1x128xi32, #tpu.memory_space<hbm>>) dst(%arg6 : memref<1x128xi32, #tpu.memory_space<vmem>>)
        %add3A_128 = arith.constant 1 : i32
        %add3A_129 = arith.addi %add3A_84, %add3A_128 : i32
        %mul3A_130 = arith.constant 32 : i32
        %mul3A_131 = arith.muli %mul3A_130, %add3A_129 : i32
        %add3A_132 = arith.addi %add3A, %mul3A_131 : i32
        %mul3A_133 = arith.constant 128 : i32
        %mul3A_134 = arith.muli %add3A_132, %mul3A_133 : i32
        %dma_start3A_135 = arith.constant 0 : i32
        %dma_start3A_136 = tpu.memref_slice %arg2[%mul3A_134, %dma_start3A_135] : memref<320000x128xf32, #tpu.memory_space<hbm>> -> memref<128x128xf32, #tpu.memory_space<hbm>>
        %dma_start3A_137 = arith.constant 0 : i32
        %dma_start3A_138 = tpu.memref_slice %arg2[%mul3A_134, %dma_start3A_137] : memref<320000x128xf32, #tpu.memory_space<hbm>> -> memref<128x128xf32, #tpu.memory_space<hbm>>
        tpu.enqueue_dma source(%dma_start3A_138 : memref<128x128xf32, #tpu.memory_space<hbm>>) target(%arg8 : memref<128x128xf32, #tpu.memory_space<vmem>>) target_semaphore(%arg11 : memref<!tpu.dma_semaphore, #tpu.memory_space<semaphore_mem>>)
      } else {
      }
      %run_scoped3A_104 = arith.constant 0 : i32
      "tpu.region"() ({
        %run_scoped3A_115 = tpu.sem_alloc : memref<!tpu.dma_semaphore, #tpu.memory_space<semaphore_mem>>
        %dma_start3A_116 = arith.constant 0 : i32
        %dma_start3A_117 = tpu.memref_slice %arg7[%run_scoped3A_104, %dma_start3A_116] : memref<1x128xi32, #tpu.memory_space<vmem>> -> memref<1x128xi32, #tpu.memory_space<vmem>>
        %dma_start3A_118 = tpu.memref_squeeze %dma_start3A_117 : memref<1x128xi32, #tpu.memory_space<vmem>> -> memref<128xi32, #tpu.memory_space<vmem>>
        %dma_start3A_119 = arith.constant 0 : i32
        %dma_start3A_120 = arith.constant 0 : i32
        %dma_start3A_121 = tpu.memref_slice %arg10[%dma_start3A_119, %dma_start3A_120] : memref<10000x128xf32, #tpu.memory_space<vmem_shared>> -> memref<10000x128xf32, #tpu.memory_space<vmem_shared>>
        tpu.enqueue_indirect_dma source(%arg9 : memref<128x128xf32, #tpu.memory_space<vmem>>) target(%dma_start3A_121 : memref<10000x128xf32, #tpu.memory_space<vmem_shared>>) offsets(%dma_start3A_118 : memref<128xi32, #tpu.memory_space<vmem>>) semaphore(%run_scoped3A_115 : memref<!tpu.dma_semaphore, #tpu.memory_space<semaphore_mem>>) {add = true}
        %dma_wait3A_122 = arith.constant 0 : i32
        %dma_wait3A_123 = tpu.memref_slice %arg7[%run_scoped3A_104, %dma_wait3A_122] : memref<1x128xi32, #tpu.memory_space<vmem>> -> memref<1x128xi32, #tpu.memory_space<vmem>>
        %dma_wait3A_124 = tpu.memref_squeeze %dma_wait3A_123 : memref<1x128xi32, #tpu.memory_space<vmem>> -> memref<128xi32, #tpu.memory_space<vmem>>
        %dma_wait3A_125 = arith.constant 0 : i32
        %dma_wait3A_126 = arith.constant 0 : i32
        %dma_wait3A_127 = tpu.memref_slice %arg10[%dma_wait3A_125, %dma_wait3A_126] : memref<10000x128xf32, #tpu.memory_space<vmem_shared>> -> memref<10000x128xf32, #tpu.memory_space<vmem_shared>>
        tpu.wait_indirect_dma semaphore(%run_scoped3A_115 : memref<!tpu.dma_semaphore, #tpu.memory_space<semaphore_mem>>) src(%arg9 : memref<128x128xf32, #tpu.memory_space<vmem>>) dst(%dma_wait3A_127 : memref<10000x128xf32, #tpu.memory_space<vmem_shared>>)
        tpu.yield
      }) : () -> ()
      %add3A_105 = arith.constant 2 : i32
      %add3A_106 = arith.addi %add3A_84, %add3A_105 : i32
      %mul3A_107 = arith.constant 32 : i32
      %mul3A_108 = arith.muli %mul3A_107, %add3A_106 : i32
      %add3A_109 = arith.addi %add3A, %mul3A_108 : i32
      %lt3A_110 = arith.constant 2500 : i32
      %lt3A_111 = arith.cmpi slt, %add3A_109, %lt3A_110 : i32
      %convert_element_type3A_112 = arith.extui %lt3A_111 : i1 to i32
      %cond3A_113 = arith.constant 0 : i32
      %cond3A_114 = arith.cmpi ne, %convert_element_type3A_112, %cond3A_113 : i32
      scf.if %cond3A_114 {
        %add3A_115 = arith.constant 2 : i32
        %add3A_116 = arith.addi %add3A_84, %add3A_115 : i32
        %mul3A_117 = arith.constant 32 : i32
        %mul3A_118 = arith.muli %mul3A_117, %add3A_116 : i32
        %add3A_119 = arith.addi %add3A, %mul3A_118 : i32
        %dma_start3A_120 = arith.constant 0 : i32
        %dma_start3A_121 = arith.constant 0 : i32
        %dma_start3A_122 = tpu.memref_slice %arg3[%add3A_119, %dma_start3A_120, %dma_start3A_121] : memref<2500x1x128xi32, #tpu.memory_space<hbm>> -> memref<1x1x128xi32, #tpu.memory_space<hbm>>
        %dma_start3A_123 = tpu.memref_squeeze %dma_start3A_122 : memref<1x1x128xi32, #tpu.memory_space<hbm>> -> memref<1x128xi32, #tpu.memory_space<hbm>>
        %dma_start3A_124 = arith.constant 0 : i32
        %dma_start3A_125 = arith.constant 0 : i32
        %dma_start3A_126 = tpu.memref_slice %arg3[%add3A_119, %dma_start3A_124, %dma_start3A_125] : memref<2500x1x128xi32, #tpu.memory_space<hbm>> -> memref<1x1x128xi32, #tpu.memory_space<hbm>>
        %dma_start3A_127 = tpu.memref_squeeze %dma_start3A_126 : memref<1x1x128xi32, #tpu.memory_space<hbm>> -> memref<1x128xi32, #tpu.memory_space<hbm>>
        tpu.enqueue_dma source(%dma_start3A_127 : memref<1x128xi32, #tpu.memory_space<hbm>>) target(%arg7 : memref<1x128xi32, #tpu.memory_space<vmem>>) target_semaphore(%arg14 : memref<!tpu.dma_semaphore, #tpu.memory_space<semaphore_mem>>)
      } else {
      }
    }
    %scan3A_28 = arith.constant 39 : i32
    %add3A_29 = arith.constant 2496 : i32
    %add3A_30 = arith.addi %add3A, %add3A_29 : i32
    %lt3A = arith.constant 2500 : i32
    %lt3A_31 = arith.cmpi slt, %add3A_30, %lt3A : i32
    %convert_element_type3A_32 = arith.extui %lt3A_31 : i1 to i32
    %cond3A_33 = arith.constant 0 : i32
    %cond3A_34 = arith.cmpi ne, %convert_element_type3A_32, %cond3A_33 : i32
    scf.if %cond3A_34 {
      %add3A_48 = arith.constant 2496 : i32
      %add3A_49 = arith.addi %add3A, %add3A_48 : i32
      %mul3A_50 = arith.constant 128 : i32
      %mul3A_51 = arith.muli %add3A_49, %mul3A_50 : i32
      %dma_wait3A = arith.constant 0 : i32
      %dma_wait3A_52 = tpu.memref_slice %arg2[%mul3A_51, %dma_wait3A] : memref<320000x128xf32, #tpu.memory_space<hbm>> -> memref<128x128xf32, #tpu.memory_space<hbm>>
      %dma_wait3A_53 = arith.constant 0 : i32
      %dma_wait3A_54 = tpu.memref_slice %arg2[%mul3A_51, %dma_wait3A_53] : memref<320000x128xf32, #tpu.memory_space<hbm>> -> memref<128x128xf32, #tpu.memory_space<hbm>>
      tpu.wait_dma2 semaphore(%arg11 : memref<!tpu.dma_semaphore, #tpu.memory_space<semaphore_mem>>) src(%dma_wait3A_54 : memref<128x128xf32, #tpu.memory_space<hbm>>) dst(%arg8 : memref<128x128xf32, #tpu.memory_space<vmem>>)
      %run_scoped3A = arith.constant 0 : i32
      "tpu.region"() ({
        %run_scoped3A_55 = tpu.sem_alloc : memref<!tpu.dma_semaphore, #tpu.memory_space<semaphore_mem>>
        %dma_start3A_56 = arith.constant 0 : i32
        %dma_start3A_57 = tpu.memref_slice %arg6[%run_scoped3A, %dma_start3A_56] : memref<1x128xi32, #tpu.memory_space<vmem>> -> memref<1x128xi32, #tpu.memory_space<vmem>>
        %dma_start3A_58 = tpu.memref_squeeze %dma_start3A_57 : memref<1x128xi32, #tpu.memory_space<vmem>> -> memref<128xi32, #tpu.memory_space<vmem>>
        %dma_start3A_59 = arith.constant 0 : i32
        %dma_start3A_60 = arith.constant 0 : i32
        %dma_start3A_61 = tpu.memref_slice %arg10[%dma_start3A_59, %dma_start3A_60] : memref<10000x128xf32, #tpu.memory_space<vmem_shared>> -> memref<10000x128xf32, #tpu.memory_space<vmem_shared>>
        tpu.enqueue_indirect_dma source(%arg8 : memref<128x128xf32, #tpu.memory_space<vmem>>) target(%dma_start3A_61 : memref<10000x128xf32, #tpu.memory_space<vmem_shared>>) offsets(%dma_start3A_58 : memref<128xi32, #tpu.memory_space<vmem>>) semaphore(%run_scoped3A_55 : memref<!tpu.dma_semaphore, #tpu.memory_space<semaphore_mem>>) {add = true}
        %dma_wait3A_62 = arith.constant 0 : i32
        %dma_wait3A_63 = tpu.memref_slice %arg6[%run_scoped3A, %dma_wait3A_62] : memref<1x128xi32, #tpu.memory_space<vmem>> -> memref<1x128xi32, #tpu.memory_space<vmem>>
        %dma_wait3A_64 = tpu.memref_squeeze %dma_wait3A_63 : memref<1x128xi32, #tpu.memory_space<vmem>> -> memref<128xi32, #tpu.memory_space<vmem>>
        %dma_wait3A_65 = arith.constant 0 : i32
        %dma_wait3A_66 = arith.constant 0 : i32
        %dma_wait3A_67 = tpu.memref_slice %arg10[%dma_wait3A_65, %dma_wait3A_66] : memref<10000x128xf32, #tpu.memory_space<vmem_shared>> -> memref<10000x128xf32, #tpu.memory_space<vmem_shared>>
        tpu.wait_indirect_dma semaphore(%run_scoped3A_55 : memref<!tpu.dma_semaphore, #tpu.memory_space<semaphore_mem>>) src(%arg8 : memref<128x128xf32, #tpu.memory_space<vmem>>) dst(%dma_wait3A_67 : memref<10000x128xf32, #tpu.memory_space<vmem_shared>>)
        tpu.yield
      }) : () -> ()
    } else {
    }
    %barrier3A_35 = arith.constant 0 : index
    tpu.barrier barrier_id(%barrier3A_35)
    %mul3A_36 = arith.constant 624 : i32
    %mul3A_37 = arith.muli %arg1, %mul3A_36 : i32
    %mul3A_38 = arith.constant 10000 : i32
    %mul3A_39 = arith.muli %arg0, %mul3A_38 : i32
    %mul3A_40 = arith.constant 624 : i32
    %mul3A_41 = arith.muli %arg1, %mul3A_40 : i32
    %add3A_42 = arith.addi %mul3A_39, %mul3A_41 : i32
    "tpu.region"() ({
      %run_scoped3A = tpu.sem_alloc : memref<!tpu.dma_semaphore, #tpu.memory_space<semaphore_mem>>
      %dma_start3A_48 = arith.constant 0 : i32
      %dma_start3A_49 = tpu.memref_slice %arg5[%add3A_42, %dma_start3A_48] : memref<20000x128xf32, #tpu.memory_space<hbm>> -> memref<624x128xf32, #tpu.memory_space<hbm>>
      %dma_start3A_50 = arith.constant 0 : i32
      %dma_start3A_51 = tpu.memref_slice %arg10[%mul3A_37, %dma_start3A_50] : memref<10000x128xf32, #tpu.memory_space<vmem_shared>> -> memref<624x128xf32, #tpu.memory_space<vmem_shared>>
      tpu.enqueue_dma source(%dma_start3A_51 : memref<624x128xf32, #tpu.memory_space<vmem_shared>>) target(%dma_start3A_49 : memref<624x128xf32, #tpu.memory_space<hbm>>) target_semaphore(%run_scoped3A : memref<!tpu.dma_semaphore, #tpu.memory_space<semaphore_mem>>)
      %dma_wait3A = arith.constant 0 : i32
      %dma_wait3A_52 = tpu.memref_slice %arg5[%add3A_42, %dma_wait3A] : memref<20000x128xf32, #tpu.memory_space<hbm>> -> memref<624x128xf32, #tpu.memory_space<hbm>>
      %dma_wait3A_53 = arith.constant 0 : i32
      %dma_wait3A_54 = tpu.memref_slice %arg10[%mul3A_37, %dma_wait3A_53] : memref<10000x128xf32, #tpu.memory_space<vmem_shared>> -> memref<624x128xf32, #tpu.memory_space<vmem_shared>>
      tpu.wait_dma2 semaphore(%run_scoped3A : memref<!tpu.dma_semaphore, #tpu.memory_space<semaphore_mem>>) src(%dma_wait3A_54 : memref<624x128xf32, #tpu.memory_space<vmem_shared>>) dst(%dma_wait3A_52 : memref<624x128xf32, #tpu.memory_space<hbm>>)
      tpu.yield
    }) : () -> ()
    %eq3A_43 = arith.constant 15 : i32
    %eq3A_44 = arith.cmpi eq, %arg1, %eq3A_43 : i32
    %convert_element_type3A_45 = arith.extui %eq3A_44 : i1 to i32
    %cond3A_46 = arith.constant 0 : i32
    %cond3A_47 = arith.cmpi ne, %convert_element_type3A_45, %cond3A_46 : i32
    scf.if %cond3A_47 {
      %mul3A_48 = arith.constant 10000 : i32
      %mul3A_49 = arith.muli %arg0, %mul3A_48 : i32
      %add3A_50 = arith.constant 9984 : i32
      %add3A_51 = arith.addi %mul3A_49, %add3A_50 : i32
      "tpu.region"() ({
        %run_scoped3A = tpu.sem_alloc : memref<!tpu.dma_semaphore, #tpu.memory_space<semaphore_mem>>
        %dma_start3A_52 = arith.constant 0 : i32
        %dma_start3A_53 = tpu.memref_slice %arg5[%add3A_51, %dma_start3A_52] : memref<20000x128xf32, #tpu.memory_space<hbm>> -> memref<16x128xf32, #tpu.memory_space<hbm>>
        %dma_start3A_54 = arith.constant 9984 : i32
        %dma_start3A_55 = arith.constant 0 : i32
        %dma_start3A_56 = tpu.memref_slice %arg10[%dma_start3A_54, %dma_start3A_55] : memref<10000x128xf32, #tpu.memory_space<vmem_shared>> -> memref<16x128xf32, #tpu.memory_space<vmem_shared>>
        tpu.enqueue_dma source(%dma_start3A_56 : memref<16x128xf32, #tpu.memory_space<vmem_shared>>) target(%dma_start3A_53 : memref<16x128xf32, #tpu.memory_space<hbm>>) target_semaphore(%run_scoped3A : memref<!tpu.dma_semaphore, #tpu.memory_space<semaphore_mem>>)
        %dma_wait3A = arith.constant 0 : i32
        %dma_wait3A_57 = tpu.memref_slice %arg5[%add3A_51, %dma_wait3A] : memref<20000x128xf32, #tpu.memory_space<hbm>> -> memref<16x128xf32, #tpu.memory_space<hbm>>
        %dma_wait3A_58 = arith.constant 9984 : i32
        %dma_wait3A_59 = arith.constant 0 : i32
        %dma_wait3A_60 = tpu.memref_slice %arg10[%dma_wait3A_58, %dma_wait3A_59] : memref<10000x128xf32, #tpu.memory_space<vmem_shared>> -> memref<16x128xf32, #tpu.memory_space<vmem_shared>>
        tpu.wait_dma2 semaphore(%run_scoped3A : memref<!tpu.dma_semaphore, #tpu.memory_space<semaphore_mem>>) src(%dma_wait3A_60 : memref<16x128xf32, #tpu.memory_space<vmem_shared>>) dst(%dma_wait3A_57 : memref<16x128xf32, #tpu.memory_space<hbm>>)
        tpu.yield
      }) : () -> ()
    } else {
    }
    return
  }
}

#map = affine_map<(d0, d1) -> (0, 0)>
#map1 = affine_map<(d0, d1) -> (0, 0, 0)>
module attributes {stable_mosaic.version = 14 : i64} {
  func.func @gather_k(%arg0: i32, %arg1: i32, %arg2: memref<10000x128xf32, #tpu.memory_space<hbm>>, %arg3: memref<10000x128xf32, #tpu.memory_space<hbm>>, %arg4: memref<2500x1x128xi32, #tpu.memory_space<hbm>>, %arg5: memref<2500x1x128xi32, #tpu.memory_space<hbm>>, %arg6: memref<160000x128xf32, #tpu.memory_space<hbm>>, %arg7: memref<1x128xi32, #tpu.memory_space<vmem>>, %arg8: memref<1x128xi32, #tpu.memory_space<vmem>>, %arg9: memref<1x128xi32, #tpu.memory_space<vmem>>, %arg10: memref<1x128xi32, #tpu.memory_space<vmem>>, %arg11: memref<128x128xf32, #tpu.memory_space<vmem>>, %arg12: memref<128x128xf32, #tpu.memory_space<vmem>>, %arg13: memref<128x128xf32, #tpu.memory_space<vmem>>, %arg14: memref<128x128xf32, #tpu.memory_space<vmem>>, %arg15: memref<!tpu.dma_semaphore, #tpu.memory_space<semaphore_mem>>, %arg16: memref<!tpu.dma_semaphore, #tpu.memory_space<semaphore_mem>>, %arg17: memref<!tpu.dma_semaphore, #tpu.memory_space<semaphore_mem>>, %arg18: memref<!tpu.dma_semaphore, #tpu.memory_space<semaphore_mem>>, %arg19: memref<!tpu.dma_semaphore, #tpu.memory_space<semaphore_mem>>, %arg20: memref<!tpu.dma_semaphore, #tpu.memory_space<semaphore_mem>>, %arg21: memref<!tpu.dma_semaphore, #tpu.memory_space<semaphore_mem>>, %arg22: memref<!tpu.dma_semaphore, #tpu.memory_space<semaphore_mem>>, %arg23: memref<!tpu.dma_semaphore, #tpu.memory_space<semaphore_mem>>, %arg24: memref<!tpu.dma_semaphore, #tpu.memory_space<semaphore_mem>>) attributes {dimension_semantics = [#tpu.dimension_semantics<core_parallel>, #tpu.dimension_semantics<subcore_parallel>], iteration_bounds = array<i64: 2, 16>, scalar_prefetch = 0 : i64, scratch_operands = 18 : i64, tpu.core_type = #tpu.core_type<sc_vector_subcore>, window_params = [{transform_indices = #map}, {transform_indices = #map}, {transform_indices = #map1}, {transform_indices = #map1}, {transform_indices = #map}]} {
    %mul3A = arith.constant 2 : i32
    %mul3A_0 = arith.muli %arg1, %mul3A : i32
    %add3A = arith.addi %mul3A_0, %arg0 : i32
    %add3A_1 = arith.constant 0 : i32
    %add3A_2 = arith.addi %add3A, %add3A_1 : i32
    %min3A = arith.constant 1249 : i32
    %min3A_3 = arith.minsi %add3A_2, %min3A : i32
    %add3A_4 = arith.constant 1250 : i32
    %add3A_5 = arith.addi %add3A_4, %min3A_3 : i32
    "tpu.region"() ({
      %run_scoped3A = tpu.sem_alloc : memref<!tpu.dma_semaphore, #tpu.memory_space<semaphore_mem>>
      %dma_start3A_77 = arith.constant 0 : i32
      %dma_start3A_78 = arith.constant 0 : i32
      %dma_start3A_79 = tpu.memref_slice %arg4[%add3A_5, %dma_start3A_77, %dma_start3A_78] : memref<2500x1x128xi32, #tpu.memory_space<hbm>> -> memref<1x1x128xi32, #tpu.memory_space<hbm>>
      %dma_start3A_80 = tpu.memref_squeeze %dma_start3A_79 : memref<1x1x128xi32, #tpu.memory_space<hbm>> -> memref<1x128xi32, #tpu.memory_space<hbm>>
      %dma_start3A_81 = arith.constant 0 : i32
      %dma_start3A_82 = arith.constant 0 : i32
      %dma_start3A_83 = tpu.memref_slice %arg4[%add3A_5, %dma_start3A_81, %dma_start3A_82] : memref<2500x1x128xi32, #tpu.memory_space<hbm>> -> memref<1x1x128xi32, #tpu.memory_space<hbm>>
      %dma_start3A_84 = tpu.memref_squeeze %dma_start3A_83 : memref<1x1x128xi32, #tpu.memory_space<hbm>> -> memref<1x128xi32, #tpu.memory_space<hbm>>
      tpu.enqueue_dma source(%dma_start3A_84 : memref<1x128xi32, #tpu.memory_space<hbm>>) target(%arg7 : memref<1x128xi32, #tpu.memory_space<vmem>>) target_semaphore(%run_scoped3A : memref<!tpu.dma_semaphore, #tpu.memory_space<semaphore_mem>>)
      %dma_wait3A_85 = arith.constant 0 : i32
      %dma_wait3A_86 = arith.constant 0 : i32
      %dma_wait3A_87 = tpu.memref_slice %arg4[%add3A_5, %dma_wait3A_85, %dma_wait3A_86] : memref<2500x1x128xi32, #tpu.memory_space<hbm>> -> memref<1x1x128xi32, #tpu.memory_space<hbm>>
      %dma_wait3A_88 = tpu.memref_squeeze %dma_wait3A_87 : memref<1x1x128xi32, #tpu.memory_space<hbm>> -> memref<1x128xi32, #tpu.memory_space<hbm>>
      %dma_wait3A_89 = arith.constant 0 : i32
      %dma_wait3A_90 = arith.constant 0 : i32
      %dma_wait3A_91 = tpu.memref_slice %arg4[%add3A_5, %dma_wait3A_89, %dma_wait3A_90] : memref<2500x1x128xi32, #tpu.memory_space<hbm>> -> memref<1x1x128xi32, #tpu.memory_space<hbm>>
      %dma_wait3A_92 = tpu.memref_squeeze %dma_wait3A_91 : memref<1x1x128xi32, #tpu.memory_space<hbm>> -> memref<1x128xi32, #tpu.memory_space<hbm>>
      tpu.wait_dma2 semaphore(%run_scoped3A : memref<!tpu.dma_semaphore, #tpu.memory_space<semaphore_mem>>) src(%dma_wait3A_92 : memref<1x128xi32, #tpu.memory_space<hbm>>) dst(%arg7 : memref<1x128xi32, #tpu.memory_space<vmem>>)
      tpu.yield
    }) : () -> ()
    %add3A_6 = arith.constant 0 : i32
    %add3A_7 = arith.addi %add3A, %add3A_6 : i32
    %min3A_8 = arith.constant 1249 : i32
    %min3A_9 = arith.minsi %add3A_7, %min3A_8 : i32
    %add3A_10 = arith.constant 1250 : i32
    %add3A_11 = arith.addi %add3A_10, %min3A_9 : i32
    "tpu.region"() ({
      %run_scoped3A = tpu.sem_alloc : memref<!tpu.dma_semaphore, #tpu.memory_space<semaphore_mem>>
      %dma_start3A_77 = arith.constant 0 : i32
      %dma_start3A_78 = arith.constant 0 : i32
      %dma_start3A_79 = tpu.memref_slice %arg5[%add3A_11, %dma_start3A_77, %dma_start3A_78] : memref<2500x1x128xi32, #tpu.memory_space<hbm>> -> memref<1x1x128xi32, #tpu.memory_space<hbm>>
      %dma_start3A_80 = tpu.memref_squeeze %dma_start3A_79 : memref<1x1x128xi32, #tpu.memory_space<hbm>> -> memref<1x128xi32, #tpu.memory_space<hbm>>
      %dma_start3A_81 = arith.constant 0 : i32
      %dma_start3A_82 = arith.constant 0 : i32
      %dma_start3A_83 = tpu.memref_slice %arg5[%add3A_11, %dma_start3A_81, %dma_start3A_82] : memref<2500x1x128xi32, #tpu.memory_space<hbm>> -> memref<1x1x128xi32, #tpu.memory_space<hbm>>
      %dma_start3A_84 = tpu.memref_squeeze %dma_start3A_83 : memref<1x1x128xi32, #tpu.memory_space<hbm>> -> memref<1x128xi32, #tpu.memory_space<hbm>>
      tpu.enqueue_dma source(%dma_start3A_84 : memref<1x128xi32, #tpu.memory_space<hbm>>) target(%arg9 : memref<1x128xi32, #tpu.memory_space<vmem>>) target_semaphore(%run_scoped3A : memref<!tpu.dma_semaphore, #tpu.memory_space<semaphore_mem>>)
      %dma_wait3A_85 = arith.constant 0 : i32
      %dma_wait3A_86 = arith.constant 0 : i32
      %dma_wait3A_87 = tpu.memref_slice %arg5[%add3A_11, %dma_wait3A_85, %dma_wait3A_86] : memref<2500x1x128xi32, #tpu.memory_space<hbm>> -> memref<1x1x128xi32, #tpu.memory_space<hbm>>
      %dma_wait3A_88 = tpu.memref_squeeze %dma_wait3A_87 : memref<1x1x128xi32, #tpu.memory_space<hbm>> -> memref<1x128xi32, #tpu.memory_space<hbm>>
      %dma_wait3A_89 = arith.constant 0 : i32
      %dma_wait3A_90 = arith.constant 0 : i32
      %dma_wait3A_91 = tpu.memref_slice %arg5[%add3A_11, %dma_wait3A_89, %dma_wait3A_90] : memref<2500x1x128xi32, #tpu.memory_space<hbm>> -> memref<1x1x128xi32, #tpu.memory_space<hbm>>
      %dma_wait3A_92 = tpu.memref_squeeze %dma_wait3A_91 : memref<1x1x128xi32, #tpu.memory_space<hbm>> -> memref<1x128xi32, #tpu.memory_space<hbm>>
      tpu.wait_dma2 semaphore(%run_scoped3A : memref<!tpu.dma_semaphore, #tpu.memory_space<semaphore_mem>>) src(%dma_wait3A_92 : memref<1x128xi32, #tpu.memory_space<hbm>>) dst(%arg9 : memref<1x128xi32, #tpu.memory_space<vmem>>)
      tpu.yield
    }) : () -> ()
    %dma_start3A = arith.constant 0 : i32
    %dma_start3A_12 = arith.constant 0 : i32
    %dma_start3A_13 = tpu.memref_slice %arg7[%dma_start3A, %dma_start3A_12] : memref<1x128xi32, #tpu.memory_space<vmem>> -> memref<1x128xi32, #tpu.memory_space<vmem>>
    %dma_start3A_14 = tpu.memref_squeeze %dma_start3A_13 : memref<1x128xi32, #tpu.memory_space<vmem>> -> memref<128xi32, #tpu.memory_space<vmem>>
    %dma_start3A_15 = arith.constant 0 : i32
    %dma_start3A_16 = arith.constant 0 : i32
    %dma_start3A_17 = tpu.memref_slice %arg2[%dma_start3A_15, %dma_start3A_16] : memref<10000x128xf32, #tpu.memory_space<hbm>> -> memref<10000x128xf32, #tpu.memory_space<hbm>>
    tpu.enqueue_indirect_dma source(%dma_start3A_17 : memref<10000x128xf32, #tpu.memory_space<hbm>>) target(%arg11 : memref<128x128xf32, #tpu.memory_space<vmem>>) offsets(%dma_start3A_14 : memref<128xi32, #tpu.memory_space<vmem>>) semaphore(%arg15 : memref<!tpu.dma_semaphore, #tpu.memory_space<semaphore_mem>>)
    %dma_start3A_18 = arith.constant 0 : i32
    %dma_start3A_19 = arith.constant 0 : i32
    %dma_start3A_20 = tpu.memref_slice %arg9[%dma_start3A_18, %dma_start3A_19] : memref<1x128xi32, #tpu.memory_space<vmem>> -> memref<1x128xi32, #tpu.memory_space<vmem>>
    %dma_start3A_21 = tpu.memref_squeeze %dma_start3A_20 : memref<1x128xi32, #tpu.memory_space<vmem>> -> memref<128xi32, #tpu.memory_space<vmem>>
    %dma_start3A_22 = arith.constant 0 : i32
    %dma_start3A_23 = arith.constant 0 : i32
    %dma_start3A_24 = tpu.memref_slice %arg3[%dma_start3A_22, %dma_start3A_23] : memref<10000x128xf32, #tpu.memory_space<hbm>> -> memref<10000x128xf32, #tpu.memory_space<hbm>>
    tpu.enqueue_indirect_dma source(%dma_start3A_24 : memref<10000x128xf32, #tpu.memory_space<hbm>>) target(%arg13 : memref<128x128xf32, #tpu.memory_space<vmem>>) offsets(%dma_start3A_21 : memref<128xi32, #tpu.memory_space<vmem>>) semaphore(%arg17 : memref<!tpu.dma_semaphore, #tpu.memory_space<semaphore_mem>>)
    %add3A_25 = arith.constant 32 : i32
    %add3A_26 = arith.addi %add3A, %add3A_25 : i32
    %min3A_27 = arith.constant 1249 : i32
    %min3A_28 = arith.minsi %add3A_26, %min3A_27 : i32
    %add3A_29 = arith.constant 1250 : i32
    %add3A_30 = arith.addi %add3A_29, %min3A_28 : i32
    %dma_start3A_31 = arith.constant 0 : i32
    %dma_start3A_32 = arith.constant 0 : i32
    %dma_start3A_33 = tpu.memref_slice %arg4[%add3A_30, %dma_start3A_31, %dma_start3A_32] : memref<2500x1x128xi32, #tpu.memory_space<hbm>> -> memref<1x1x128xi32, #tpu.memory_space<hbm>>
    %dma_start3A_34 = tpu.memref_squeeze %dma_start3A_33 : memref<1x1x128xi32, #tpu.memory_space<hbm>> -> memref<1x128xi32, #tpu.memory_space<hbm>>
    %dma_start3A_35 = arith.constant 0 : i32
    %dma_start3A_36 = arith.constant 0 : i32
    %dma_start3A_37 = tpu.memref_slice %arg4[%add3A_30, %dma_start3A_35, %dma_start3A_36] : memref<2500x1x128xi32, #tpu.memory_space<hbm>> -> memref<1x1x128xi32, #tpu.memory_space<hbm>>
    %dma_start3A_38 = tpu.memref_squeeze %dma_start3A_37 : memref<1x1x128xi32, #tpu.memory_space<hbm>> -> memref<1x128xi32, #tpu.memory_space<hbm>>
    tpu.enqueue_dma source(%dma_start3A_38 : memref<1x128xi32, #tpu.memory_space<hbm>>) target(%arg8 : memref<1x128xi32, #tpu.memory_space<vmem>>) target_semaphore(%arg22 : memref<!tpu.dma_semaphore, #tpu.memory_space<semaphore_mem>>)
    %add3A_39 = arith.constant 32 : i32
    %add3A_40 = arith.addi %add3A, %add3A_39 : i32
    %min3A_41 = arith.constant 1249 : i32
    %min3A_42 = arith.minsi %add3A_40, %min3A_41 : i32
    %add3A_43 = arith.constant 1250 : i32
    %add3A_44 = arith.addi %add3A_43, %min3A_42 : i32
    %dma_start3A_45 = arith.constant 0 : i32
    %dma_start3A_46 = arith.constant 0 : i32
    %dma_start3A_47 = tpu.memref_slice %arg5[%add3A_44, %dma_start3A_45, %dma_start3A_46] : memref<2500x1x128xi32, #tpu.memory_space<hbm>> -> memref<1x1x128xi32, #tpu.memory_space<hbm>>
    %dma_start3A_48 = tpu.memref_squeeze %dma_start3A_47 : memref<1x1x128xi32, #tpu.memory_space<hbm>> -> memref<1x128xi32, #tpu.memory_space<hbm>>
    %dma_start3A_49 = arith.constant 0 : i32
    %dma_start3A_50 = arith.constant 0 : i32
    %dma_start3A_51 = tpu.memref_slice %arg5[%add3A_44, %dma_start3A_49, %dma_start3A_50] : memref<2500x1x128xi32, #tpu.memory_space<hbm>> -> memref<1x1x128xi32, #tpu.memory_space<hbm>>
    %dma_start3A_52 = tpu.memref_squeeze %dma_start3A_51 : memref<1x1x128xi32, #tpu.memory_space<hbm>> -> memref<1x128xi32, #tpu.memory_space<hbm>>
    tpu.enqueue_dma source(%dma_start3A_52 : memref<1x128xi32, #tpu.memory_space<hbm>>) target(%arg10 : memref<1x128xi32, #tpu.memory_space<vmem>>) target_semaphore(%arg24 : memref<!tpu.dma_semaphore, #tpu.memory_space<semaphore_mem>>)
    %scan3A = arith.constant 0 : i32
    %scan3A_53 = arith.constant 0 : i32
    %scan3A_54 = arith.constant 20 : i32
    %scan3A_55 = arith.addi %scan3A_53, %scan3A_54 : i32
    %scan3A_56 = arith.constant 1 : i32
    scf.for %scan3A_77 = %scan3A_53 to %scan3A_55 step %scan3A_56  : i32 {
      %mul3A_78 = arith.constant 2 : i32
      %mul3A_79 = arith.muli %mul3A_78, %scan3A_77 : i32
      %add3A_80 = arith.constant 0 : i32
      %add3A_81 = arith.addi %mul3A_79, %add3A_80 : i32
      %dma_wait3A_82 = arith.constant 0 : i32
      %dma_wait3A_83 = arith.constant 0 : i32
      %dma_wait3A_84 = tpu.memref_slice %arg7[%dma_wait3A_82, %dma_wait3A_83] : memref<1x128xi32, #tpu.memory_space<vmem>> -> memref<1x128xi32, #tpu.memory_space<vmem>>
      %dma_wait3A_85 = tpu.memref_squeeze %dma_wait3A_84 : memref<1x128xi32, #tpu.memory_space<vmem>> -> memref<128xi32, #tpu.memory_space<vmem>>
      %dma_wait3A_86 = arith.constant 0 : i32
      %dma_wait3A_87 = arith.constant 0 : i32
      %dma_wait3A_88 = tpu.memref_slice %arg2[%dma_wait3A_86, %dma_wait3A_87] : memref<10000x128xf32, #tpu.memory_space<hbm>> -> memref<10000x128xf32, #tpu.memory_space<hbm>>
      tpu.wait_indirect_dma semaphore(%arg15 : memref<!tpu.dma_semaphore, #tpu.memory_space<semaphore_mem>>) src(%dma_wait3A_88 : memref<10000x128xf32, #tpu.memory_space<hbm>>) dst(%arg11 : memref<128x128xf32, #tpu.memory_space<vmem>>)
      %dma_wait3A_89 = arith.constant 0 : i32
      %dma_wait3A_90 = arith.constant 0 : i32
      %dma_wait3A_91 = tpu.memref_slice %arg9[%dma_wait3A_89, %dma_wait3A_90] : memref<1x128xi32, #tpu.memory_space<vmem>> -> memref<1x128xi32, #tpu.memory_space<vmem>>
      %dma_wait3A_92 = tpu.memref_squeeze %dma_wait3A_91 : memref<1x128xi32, #tpu.memory_space<vmem>> -> memref<128xi32, #tpu.memory_space<vmem>>
      %dma_wait3A_93 = arith.constant 0 : i32
      %dma_wait3A_94 = arith.constant 0 : i32
      %dma_wait3A_95 = tpu.memref_slice %arg3[%dma_wait3A_93, %dma_wait3A_94] : memref<10000x128xf32, #tpu.memory_space<hbm>> -> memref<10000x128xf32, #tpu.memory_space<hbm>>
      tpu.wait_indirect_dma semaphore(%arg17 : memref<!tpu.dma_semaphore, #tpu.memory_space<semaphore_mem>>) src(%dma_wait3A_95 : memref<10000x128xf32, #tpu.memory_space<hbm>>) dst(%arg13 : memref<128x128xf32, #tpu.memory_space<vmem>>)
      %add3A_96 = arith.constant 1 : i32
      %add3A_97 = arith.addi %add3A_81, %add3A_96 : i32
      %lt3A = arith.constant 40 : i32
      %lt3A_98 = arith.cmpi slt, %add3A_97, %lt3A : i32
      %convert_element_type3A = arith.extui %lt3A_98 : i1 to i32
      %cond3A = arith.constant 0 : i32
      %cond3A_99 = arith.cmpi ne, %convert_element_type3A, %cond3A : i32
      scf.if %cond3A_99 {
        %ge3A = arith.constant 1 : i32
        %ge3A_173 = arith.cmpi sge, %add3A_81, %ge3A : i32
        %convert_element_type3A_174 = arith.extui %ge3A_173 : i1 to i32
        %cond3A_175 = arith.constant 0 : i32
        %cond3A_176 = arith.cmpi ne, %convert_element_type3A_174, %cond3A_175 : i32
        scf.if %cond3A_176 {
          %sub3A = arith.constant 1 : i32
          %sub3A_225 = arith.subi %add3A_81, %sub3A : i32
          %mul3A_226 = arith.constant 32 : i32
          %mul3A_227 = arith.muli %mul3A_226, %sub3A_225 : i32
          %add3A_228 = arith.addi %add3A, %mul3A_227 : i32
          %min3A_229 = arith.constant 1249 : i32
          %min3A_230 = arith.minsi %add3A_228, %min3A_229 : i32
          %mul3A_231 = arith.constant 128 : i32
          %mul3A_232 = arith.muli %min3A_230, %mul3A_231 : i32
          %dma_wait3A_233 = arith.constant 0 : i32
          %dma_wait3A_234 = tpu.memref_slice %arg6[%mul3A_232, %dma_wait3A_233] : memref<160000x128xf32, #tpu.memory_space<hbm>> -> memref<128x128xf32, #tpu.memory_space<hbm>>
          %dma_wait3A_235 = arith.constant 0 : i32
          %dma_wait3A_236 = tpu.memref_slice %arg6[%mul3A_232, %dma_wait3A_235] : memref<160000x128xf32, #tpu.memory_space<hbm>> -> memref<128x128xf32, #tpu.memory_space<hbm>>
          tpu.wait_dma2 semaphore(%arg20 : memref<!tpu.dma_semaphore, #tpu.memory_space<semaphore_mem>>) src(%arg12 : memref<128x128xf32, #tpu.memory_space<vmem>>) dst(%dma_wait3A_236 : memref<128x128xf32, #tpu.memory_space<hbm>>)
        } else {
        }
        %add3A_177 = arith.constant 1 : i32
        %add3A_178 = arith.addi %add3A_81, %add3A_177 : i32
        %mul3A_179 = arith.constant 32 : i32
        %mul3A_180 = arith.muli %mul3A_179, %add3A_178 : i32
        %add3A_181 = arith.addi %add3A, %mul3A_180 : i32
        %min3A_182 = arith.constant 1249 : i32
        %min3A_183 = arith.minsi %add3A_181, %min3A_182 : i32
        %add3A_184 = arith.constant 1250 : i32
        %add3A_185 = arith.addi %add3A_184, %min3A_183 : i32
        %dma_wait3A_186 = arith.constant 0 : i32
        %dma_wait3A_187 = arith.constant 0 : i32
        %dma_wait3A_188 = tpu.memref_slice %arg4[%add3A_185, %dma_wait3A_186, %dma_wait3A_187] : memref<2500x1x128xi32, #tpu.memory_space<hbm>> -> memref<1x1x128xi32, #tpu.memory_space<hbm>>
        %dma_wait3A_189 = tpu.memref_squeeze %dma_wait3A_188 : memref<1x1x128xi32, #tpu.memory_space<hbm>> -> memref<1x128xi32, #tpu.memory_space<hbm>>
        %dma_wait3A_190 = arith.constant 0 : i32
        %dma_wait3A_191 = arith.constant 0 : i32
        %dma_wait3A_192 = tpu.memref_slice %arg4[%add3A_185, %dma_wait3A_190, %dma_wait3A_191] : memref<2500x1x128xi32, #tpu.memory_space<hbm>> -> memref<1x1x128xi32, #tpu.memory_space<hbm>>
        %dma_wait3A_193 = tpu.memref_squeeze %dma_wait3A_192 : memref<1x1x128xi32, #tpu.memory_space<hbm>> -> memref<1x128xi32, #tpu.memory_space<hbm>>
        tpu.wait_dma2 semaphore(%arg22 : memref<!tpu.dma_semaphore, #tpu.memory_space<semaphore_mem>>) src(%dma_wait3A_193 : memref<1x128xi32, #tpu.memory_space<hbm>>) dst(%arg8 : memref<1x128xi32, #tpu.memory_space<vmem>>)
        %mul3A_194 = arith.constant 32 : i32
        %mul3A_195 = arith.muli %mul3A_194, %add3A_178 : i32
        %add3A_196 = arith.addi %add3A, %mul3A_195 : i32
        %min3A_197 = arith.constant 1249 : i32
        %min3A_198 = arith.minsi %add3A_196, %min3A_197 : i32
        %add3A_199 = arith.constant 1250 : i32
        %add3A_200 = arith.addi %add3A_199, %min3A_198 : i32
        %dma_wait3A_201 = arith.constant 0 : i32
        %dma_wait3A_202 = arith.constant 0 : i32
        %dma_wait3A_203 = tpu.memref_slice %arg5[%add3A_200, %dma_wait3A_201, %dma_wait3A_202] : memref<2500x1x128xi32, #tpu.memory_space<hbm>> -> memref<1x1x128xi32, #tpu.memory_space<hbm>>
        %dma_wait3A_204 = tpu.memref_squeeze %dma_wait3A_203 : memref<1x1x128xi32, #tpu.memory_space<hbm>> -> memref<1x128xi32, #tpu.memory_space<hbm>>
        %dma_wait3A_205 = arith.constant 0 : i32
        %dma_wait3A_206 = arith.constant 0 : i32
        %dma_wait3A_207 = tpu.memref_slice %arg5[%add3A_200, %dma_wait3A_205, %dma_wait3A_206] : memref<2500x1x128xi32, #tpu.memory_space<hbm>> -> memref<1x1x128xi32, #tpu.memory_space<hbm>>
        %dma_wait3A_208 = tpu.memref_squeeze %dma_wait3A_207 : memref<1x1x128xi32, #tpu.memory_space<hbm>> -> memref<1x128xi32, #tpu.memory_space<hbm>>
        tpu.wait_dma2 semaphore(%arg24 : memref<!tpu.dma_semaphore, #tpu.memory_space<semaphore_mem>>) src(%dma_wait3A_208 : memref<1x128xi32, #tpu.memory_space<hbm>>) dst(%arg10 : memref<1x128xi32, #tpu.memory_space<vmem>>)
        %add3A_209 = arith.constant 1 : i32
        %add3A_210 = arith.addi %add3A_81, %add3A_209 : i32
        %dma_start3A_211 = arith.constant 0 : i32
        %dma_start3A_212 = arith.constant 0 : i32
        %dma_start3A_213 = tpu.memref_slice %arg8[%dma_start3A_211, %dma_start3A_212] : memref<1x128xi32, #tpu.memory_space<vmem>> -> memref<1x128xi32, #tpu.memory_space<vmem>>
        %dma_start3A_214 = tpu.memref_squeeze %dma_start3A_213 : memref<1x128xi32, #tpu.memory_space<vmem>> -> memref<128xi32, #tpu.memory_space<vmem>>
        %dma_start3A_215 = arith.constant 0 : i32
        %dma_start3A_216 = arith.constant 0 : i32
        %dma_start3A_217 = tpu.memref_slice %arg2[%dma_start3A_215, %dma_start3A_216] : memref<10000x128xf32, #tpu.memory_space<hbm>> -> memref<10000x128xf32, #tpu.memory_space<hbm>>
        tpu.enqueue_indirect_dma source(%dma_start3A_217 : memref<10000x128xf32, #tpu.memory_space<hbm>>) target(%arg12 : memref<128x128xf32, #tpu.memory_space<vmem>>) offsets(%dma_start3A_214 : memref<128xi32, #tpu.memory_space<vmem>>) semaphore(%arg16 : memref<!tpu.dma_semaphore, #tpu.memory_space<semaphore_mem>>)
        %dma_start3A_218 = arith.constant 0 : i32
        %dma_start3A_219 = arith.constant 0 : i32
        %dma_start3A_220 = tpu.memref_slice %arg10[%dma_start3A_218, %dma_start3A_219] : memref<1x128xi32, #tpu.memory_space<vmem>> -> memref<1x128xi32, #tpu.memory_space<vmem>>
        %dma_start3A_221 = tpu.memref_squeeze %dma_start3A_220 : memref<1x128xi32, #tpu.memory_space<vmem>> -> memref<128xi32, #tpu.memory_space<vmem>>
        %dma_start3A_222 = arith.constant 0 : i32
        %dma_start3A_223 = arith.constant 0 : i32
        %dma_start3A_224 = tpu.memref_slice %arg3[%dma_start3A_222, %dma_start3A_223] : memref<10000x128xf32, #tpu.memory_space<hbm>> -> memref<10000x128xf32, #tpu.memory_space<hbm>>
        tpu.enqueue_indirect_dma source(%dma_start3A_224 : memref<10000x128xf32, #tpu.memory_space<hbm>>) target(%arg14 : memref<128x128xf32, #tpu.memory_space<vmem>>) offsets(%dma_start3A_221 : memref<128xi32, #tpu.memory_space<vmem>>) semaphore(%arg18 : memref<!tpu.dma_semaphore, #tpu.memory_space<semaphore_mem>>)
      } else {
      }
      %add3A_100 = arith.constant 2 : i32
      %add3A_101 = arith.addi %add3A_81, %add3A_100 : i32
      %lt3A_102 = arith.constant 40 : i32
      %lt3A_103 = arith.cmpi slt, %add3A_101, %lt3A_102 : i32
      %convert_element_type3A_104 = arith.extui %lt3A_103 : i1 to i32
      %cond3A_105 = arith.constant 0 : i32
      %cond3A_106 = arith.cmpi ne, %convert_element_type3A_104, %cond3A_105 : i32
      scf.if %cond3A_106 {
        %add3A_173 = arith.constant 2 : i32
        %add3A_174 = arith.addi %add3A_81, %add3A_173 : i32
        %mul3A_175 = arith.constant 32 : i32
        %mul3A_176 = arith.muli %mul3A_175, %add3A_174 : i32
        %add3A_177 = arith.addi %add3A, %mul3A_176 : i32
        %min3A_178 = arith.constant 1249 : i32
        %min3A_179 = arith.minsi %add3A_177, %min3A_178 : i32
        %add3A_180 = arith.constant 1250 : i32
        %add3A_181 = arith.addi %add3A_180, %min3A_179 : i32
        %dma_start3A_182 = arith.constant 0 : i32
        %dma_start3A_183 = arith.constant 0 : i32
        %dma_start3A_184 = tpu.memref_slice %arg4[%add3A_181, %dma_start3A_182, %dma_start3A_183] : memref<2500x1x128xi32, #tpu.memory_space<hbm>> -> memref<1x1x128xi32, #tpu.memory_space<hbm>>
        %dma_start3A_185 = tpu.memref_squeeze %dma_start3A_184 : memref<1x1x128xi32, #tpu.memory_space<hbm>> -> memref<1x128xi32, #tpu.memory_space<hbm>>
        %dma_start3A_186 = arith.constant 0 : i32
        %dma_start3A_187 = arith.constant 0 : i32
        %dma_start3A_188 = tpu.memref_slice %arg4[%add3A_181, %dma_start3A_186, %dma_start3A_187] : memref<2500x1x128xi32, #tpu.memory_space<hbm>> -> memref<1x1x128xi32, #tpu.memory_space<hbm>>
        %dma_start3A_189 = tpu.memref_squeeze %dma_start3A_188 : memref<1x1x128xi32, #tpu.memory_space<hbm>> -> memref<1x128xi32, #tpu.memory_space<hbm>>
        tpu.enqueue_dma source(%dma_start3A_189 : memref<1x128xi32, #tpu.memory_space<hbm>>) target(%arg7 : memref<1x128xi32, #tpu.memory_space<vmem>>) target_semaphore(%arg21 : memref<!tpu.dma_semaphore, #tpu.memory_space<semaphore_mem>>)
        %mul3A_190 = arith.constant 32 : i32
        %mul3A_191 = arith.muli %mul3A_190, %add3A_174 : i32
        %add3A_192 = arith.addi %add3A, %mul3A_191 : i32
        %min3A_193 = arith.constant 1249 : i32
        %min3A_194 = arith.minsi %add3A_192, %min3A_193 : i32
        %add3A_195 = arith.constant 1250 : i32
        %add3A_196 = arith.addi %add3A_195, %min3A_194 : i32
        %dma_start3A_197 = arith.constant 0 : i32
        %dma_start3A_198 = arith.constant 0 : i32
        %dma_start3A_199 = tpu.memref_slice %arg5[%add3A_196, %dma_start3A_197, %dma_start3A_198] : memref<2500x1x128xi32, #tpu.memory_space<hbm>> -> memref<1x1x128xi32, #tpu.memory_space<hbm>>
        %dma_start3A_200 = tpu.memref_squeeze %dma_start3A_199 : memref<1x1x128xi32, #tpu.memory_space<hbm>> -> memref<1x128xi32, #tpu.memory_space<hbm>>
        %dma_start3A_201 = arith.constant 0 : i32
        %dma_start3A_202 = arith.constant 0 : i32
        %dma_start3A_203 = tpu.memref_slice %arg5[%add3A_196, %dma_start3A_201, %dma_start3A_202] : memref<2500x1x128xi32, #tpu.memory_space<hbm>> -> memref<1x1x128xi32, #tpu.memory_space<hbm>>
        %dma_start3A_204 = tpu.memref_squeeze %dma_start3A_203 : memref<1x1x128xi32, #tpu.memory_space<hbm>> -> memref<1x128xi32, #tpu.memory_space<hbm>>
        tpu.enqueue_dma source(%dma_start3A_204 : memref<1x128xi32, #tpu.memory_space<hbm>>) target(%arg9 : memref<1x128xi32, #tpu.memory_space<vmem>>) target_semaphore(%arg23 : memref<!tpu.dma_semaphore, #tpu.memory_space<semaphore_mem>>)
      } else {
      }
      %scan3A_107 = arith.constant 0 : i32
      %scan3A_108 = arith.constant 0 : i32
      %scan3A_109 = arith.constant 128 : i32
      %scan3A_110 = arith.addi %scan3A_108, %scan3A_109 : i32
      %scan3A_111 = arith.constant 1 : i32
      scf.for %scan3A_173 = %scan3A_108 to %scan3A_110 step %scan3A_111  : i32 {
        %get3A = arith.index_cast %scan3A_173 : i32 to index
        %get3A_174 = arith.constant 0 : index
        %get3A_175 = tpu.vector_load %arg13[%get3A, %get3A_174] {strides = array<i32>} : memref<128x128xf32, #tpu.memory_space<vmem>>, vector<1x16xf32>,
        %get3A_176 = vector.shape_cast %get3A_175 : vector<1x16xf32> to vector<16xf32>
        %swap3A = arith.index_cast %scan3A_173 : i32 to index
        %swap3A_177 = arith.constant 0 : index
        %swap3A_178 = tpu.vector_load %arg11[%swap3A, %swap3A_177] {strides = array<i32>} : memref<128x128xf32, #tpu.memory_space<vmem>>, vector<1x16xf32>,
        %swap3A_179 = vector.shape_cast %swap3A_178 : vector<1x16xf32> to vector<16xf32>
        %swap3A_180 = vector.shape_cast %get3A_176 : vector<16xf32> to vector<1x16xf32>
        tpu.vector_store %arg11[%swap3A, %swap3A_177], %swap3A_180 {add = true, strides = array<i32>} : memref<128x128xf32, #tpu.memory_space<vmem>>, vector<1x16xf32>,
        %get3A_181 = arith.index_cast %scan3A_173 : i32 to index
        %get3A_182 = arith.constant 16 : index
        %get3A_183 = tpu.vector_load %arg13[%get3A_181, %get3A_182] {strides = array<i32>} : memref<128x128xf32, #tpu.memory_space<vmem>>, vector<1x16xf32>,
        %get3A_184 = vector.shape_cast %get3A_183 : vector<1x16xf32> to vector<16xf32>
        %swap3A_185 = arith.index_cast %scan3A_173 : i32 to index
        %swap3A_186 = arith.constant 16 : index
        %swap3A_187 = tpu.vector_load %arg11[%swap3A_185, %swap3A_186] {strides = array<i32>} : memref<128x128xf32, #tpu.memory_space<vmem>>, vector<1x16xf32>,
        %swap3A_188 = vector.shape_cast %swap3A_187 : vector<1x16xf32> to vector<16xf32>
        %swap3A_189 = vector.shape_cast %get3A_184 : vector<16xf32> to vector<1x16xf32>
        tpu.vector_store %arg11[%swap3A_185, %swap3A_186], %swap3A_189 {add = true, strides = array<i32>} : memref<128x128xf32, #tpu.memory_space<vmem>>, vector<1x16xf32>,
        %get3A_190 = arith.index_cast %scan3A_173 : i32 to index
        %get3A_191 = arith.constant 32 : index
        %get3A_192 = tpu.vector_load %arg13[%get3A_190, %get3A_191] {strides = array<i32>} : memref<128x128xf32, #tpu.memory_space<vmem>>, vector<1x16xf32>,
        %get3A_193 = vector.shape_cast %get3A_192 : vector<1x16xf32> to vector<16xf32>
        %swap3A_194 = arith.index_cast %scan3A_173 : i32 to index
        %swap3A_195 = arith.constant 32 : index
        %swap3A_196 = tpu.vector_load %arg11[%swap3A_194, %swap3A_195] {strides = array<i32>} : memref<128x128xf32, #tpu.memory_space<vmem>>, vector<1x16xf32>,
        %swap3A_197 = vector.shape_cast %swap3A_196 : vector<1x16xf32> to vector<16xf32>
        %swap3A_198 = vector.shape_cast %get3A_193 : vector<16xf32> to vector<1x16xf32>
        tpu.vector_store %arg11[%swap3A_194, %swap3A_195], %swap3A_198 {add = true, strides = array<i32>} : memref<128x128xf32, #tpu.memory_space<vmem>>, vector<1x16xf32>,
        %get3A_199 = arith.index_cast %scan3A_173 : i32 to index
        %get3A_200 = arith.constant 48 : index
        %get3A_201 = tpu.vector_load %arg13[%get3A_199, %get3A_200] {strides = array<i32>} : memref<128x128xf32, #tpu.memory_space<vmem>>, vector<1x16xf32>,
        %get3A_202 = vector.shape_cast %get3A_201 : vector<1x16xf32> to vector<16xf32>
        %swap3A_203 = arith.index_cast %scan3A_173 : i32 to index
        %swap3A_204 = arith.constant 48 : index
        %swap3A_205 = tpu.vector_load %arg11[%swap3A_203, %swap3A_204] {strides = array<i32>} : memref<128x128xf32, #tpu.memory_space<vmem>>, vector<1x16xf32>,
        %swap3A_206 = vector.shape_cast %swap3A_205 : vector<1x16xf32> to vector<16xf32>
        %swap3A_207 = vector.shape_cast %get3A_202 : vector<16xf32> to vector<1x16xf32>
        tpu.vector_store %arg11[%swap3A_203, %swap3A_204], %swap3A_207 {add = true, strides = array<i32>} : memref<128x128xf32, #tpu.memory_space<vmem>>, vector<1x16xf32>,
        %get3A_208 = arith.index_cast %scan3A_173 : i32 to index
        %get3A_209 = arith.constant 64 : index
        %get3A_210 = tpu.vector_load %arg13[%get3A_208, %get3A_209] {strides = array<i32>} : memref<128x128xf32, #tpu.memory_space<vmem>>, vector<1x16xf32>,
        %get3A_211 = vector.shape_cast %get3A_210 : vector<1x16xf32> to vector<16xf32>
        %swap3A_212 = arith.index_cast %scan3A_173 : i32 to index
        %swap3A_213 = arith.constant 64 : index
        %swap3A_214 = tpu.vector_load %arg11[%swap3A_212, %swap3A_213] {strides = array<i32>} : memref<128x128xf32, #tpu.memory_space<vmem>>, vector<1x16xf32>,
        %swap3A_215 = vector.shape_cast %swap3A_214 : vector<1x16xf32> to vector<16xf32>
        %swap3A_216 = vector.shape_cast %get3A_211 : vector<16xf32> to vector<1x16xf32>
        tpu.vector_store %arg11[%swap3A_212, %swap3A_213], %swap3A_216 {add = true, strides = array<i32>} : memref<128x128xf32, #tpu.memory_space<vmem>>, vector<1x16xf32>,
        %get3A_217 = arith.index_cast %scan3A_173 : i32 to index
        %get3A_218 = arith.constant 80 : index
        %get3A_219 = tpu.vector_load %arg13[%get3A_217, %get3A_218] {strides = array<i32>} : memref<128x128xf32, #tpu.memory_space<vmem>>, vector<1x16xf32>,
        %get3A_220 = vector.shape_cast %get3A_219 : vector<1x16xf32> to vector<16xf32>
        %swap3A_221 = arith.index_cast %scan3A_173 : i32 to index
        %swap3A_222 = arith.constant 80 : index
        %swap3A_223 = tpu.vector_load %arg11[%swap3A_221, %swap3A_222] {strides = array<i32>} : memref<128x128xf32, #tpu.memory_space<vmem>>, vector<1x16xf32>,
        %swap3A_224 = vector.shape_cast %swap3A_223 : vector<1x16xf32> to vector<16xf32>
        %swap3A_225 = vector.shape_cast %get3A_220 : vector<16xf32> to vector<1x16xf32>
        tpu.vector_store %arg11[%swap3A_221, %swap3A_222], %swap3A_225 {add = true, strides = array<i32>} : memref<128x128xf32, #tpu.memory_space<vmem>>, vector<1x16xf32>,
        %get3A_226 = arith.index_cast %scan3A_173 : i32 to index
        %get3A_227 = arith.constant 96 : index
        %get3A_228 = tpu.vector_load %arg13[%get3A_226, %get3A_227] {strides = array<i32>} : memref<128x128xf32, #tpu.memory_space<vmem>>, vector<1x16xf32>,
        %get3A_229 = vector.shape_cast %get3A_228 : vector<1x16xf32> to vector<16xf32>
        %swap3A_230 = arith.index_cast %scan3A_173 : i32 to index
        %swap3A_231 = arith.constant 96 : index
        %swap3A_232 = tpu.vector_load %arg11[%swap3A_230, %swap3A_231] {strides = array<i32>} : memref<128x128xf32, #tpu.memory_space<vmem>>, vector<1x16xf32>,
        %swap3A_233 = vector.shape_cast %swap3A_232 : vector<1x16xf32> to vector<16xf32>
        %swap3A_234 = vector.shape_cast %get3A_229 : vector<16xf32> to vector<1x16xf32>
        tpu.vector_store %arg11[%swap3A_230, %swap3A_231], %swap3A_234 {add = true, strides = array<i32>} : memref<128x128xf32, #tpu.memory_space<vmem>>, vector<1x16xf32>,
        %get3A_235 = arith.index_cast %scan3A_173 : i32 to index
        %get3A_236 = arith.constant 112 : index
        %get3A_237 = tpu.vector_load %arg13[%get3A_235, %get3A_236] {strides = array<i32>} : memref<128x128xf32, #tpu.memory_space<vmem>>, vector<1x16xf32>,
        %get3A_238 = vector.shape_cast %get3A_237 : vector<1x16xf32> to vector<16xf32>
        %swap3A_239 = arith.index_cast %scan3A_173 : i32 to index
        %swap3A_240 = arith.constant 112 : index
        %swap3A_241 = tpu.vector_load %arg11[%swap3A_239, %swap3A_240] {strides = array<i32>} : memref<128x128xf32, #tpu.memory_space<vmem>>, vector<1x16xf32>,
        %swap3A_242 = vector.shape_cast %swap3A_241 : vector<1x16xf32> to vector<16xf32>
        %swap3A_243 = vector.shape_cast %get3A_238 : vector<16xf32> to vector<1x16xf32>
        tpu.vector_store %arg11[%swap3A_239, %swap3A_240], %swap3A_243 {add = true, strides = array<i32>} : memref<128x128xf32, #tpu.memory_space<vmem>>, vector<1x16xf32>,
      }
      %scan3A_112 = arith.constant 128 : i32
      %mul3A_113 = arith.constant 32 : i32
      %mul3A_114 = arith.muli %mul3A_113, %add3A_81 : i32
      %add3A_115 = arith.addi %add3A, %mul3A_114 : i32
      %min3A_116 = arith.constant 1249 : i32
      %min3A_117 = arith.minsi %add3A_115, %min3A_116 : i32
      %mul3A_118 = arith.constant 128 : i32
      %mul3A_119 = arith.muli %min3A_117, %mul3A_118 : i32
      %dma_start3A_120 = arith.constant 0 : i32
      %dma_start3A_121 = tpu.memref_slice %arg6[%mul3A_119, %dma_start3A_120] : memref<160000x128xf32, #tpu.memory_space<hbm>> -> memref<128x128xf32, #tpu.memory_space<hbm>>
      %dma_start3A_122 = arith.constant 0 : i32
      %dma_start3A_123 = tpu.memref_slice %arg6[%mul3A_119, %dma_start3A_122] : memref<160000x128xf32, #tpu.memory_space<hbm>> -> memref<128x128xf32, #tpu.memory_space<hbm>>
      tpu.enqueue_dma source(%arg11 : memref<128x128xf32, #tpu.memory_space<vmem>>) target(%dma_start3A_123 : memref<128x128xf32, #tpu.memory_space<hbm>>) target_semaphore(%arg19 : memref<!tpu.dma_semaphore, #tpu.memory_space<semaphore_mem>>)
      %mul3A_124 = arith.constant 2 : i32
      %mul3A_125 = arith.muli %mul3A_124, %scan3A_77 : i32
      %add3A_126 = arith.constant 1 : i32
      %add3A_127 = arith.addi %mul3A_125, %add3A_126 : i32
      %dma_wait3A_128 = arith.constant 0 : i32
      %dma_wait3A_129 = arith.constant 0 : i32
      %dma_wait3A_130 = tpu.memref_slice %arg8[%dma_wait3A_128, %dma_wait3A_129] : memref<1x128xi32, #tpu.memory_space<vmem>> -> memref<1x128xi32, #tpu.memory_space<vmem>>
      %dma_wait3A_131 = tpu.memref_squeeze %dma_wait3A_130 : memref<1x128xi32, #tpu.memory_space<vmem>> -> memref<128xi32, #tpu.memory_space<vmem>>
      %dma_wait3A_132 = arith.constant 0 : i32
      %dma_wait3A_133 = arith.constant 0 : i32
      %dma_wait3A_134 = tpu.memref_slice %arg2[%dma_wait3A_132, %dma_wait3A_133] : memref<10000x128xf32, #tpu.memory_space<hbm>> -> memref<10000x128xf32, #tpu.memory_space<hbm>>
      tpu.wait_indirect_dma semaphore(%arg16 : memref<!tpu.dma_semaphore, #tpu.memory_space<semaphore_mem>>) src(%dma_wait3A_134 : memref<10000x128xf32, #tpu.memory_space<hbm>>) dst(%arg12 : memref<128x128xf32, #tpu.memory_space<vmem>>)
      %dma_wait3A_135 = arith.constant 0 : i32
      %dma_wait3A_136 = arith.constant 0 : i32
      %dma_wait3A_137 = tpu.memref_slice %arg10[%dma_wait3A_135, %dma_wait3A_136] : memref<1x128xi32, #tpu.memory_space<vmem>> -> memref<1x128xi32, #tpu.memory_space<vmem>>
      %dma_wait3A_138 = tpu.memref_squeeze %dma_wait3A_137 : memref<1x128xi32, #tpu.memory_space<vmem>> -> memref<128xi32, #tpu.memory_space<vmem>>
      %dma_wait3A_139 = arith.constant 0 : i32
      %dma_wait3A_140 = arith.constant 0 : i32
      %dma_wait3A_141 = tpu.memref_slice %arg3[%dma_wait3A_139, %dma_wait3A_140] : memref<10000x128xf32, #tpu.memory_space<hbm>> -> memref<10000x128xf32, #tpu.memory_space<hbm>>
      tpu.wait_indirect_dma semaphore(%arg18 : memref<!tpu.dma_semaphore, #tpu.memory_space<semaphore_mem>>) src(%dma_wait3A_141 : memref<10000x128xf32, #tpu.memory_space<hbm>>) dst(%arg14 : memref<128x128xf32, #tpu.memory_space<vmem>>)
      %add3A_142 = arith.constant 1 : i32
      %add3A_143 = arith.addi %add3A_127, %add3A_142 : i32
      %lt3A_144 = arith.constant 40 : i32
      %lt3A_145 = arith.cmpi slt, %add3A_143, %lt3A_144 : i32
      %convert_element_type3A_146 = arith.extui %lt3A_145 : i1 to i32
      %cond3A_147 = arith.constant 0 : i32
      %cond3A_148 = arith.cmpi ne, %convert_element_type3A_146, %cond3A_147 : i32
      scf.if %cond3A_148 {
        %ge3A = arith.constant 1 : i32
        %ge3A_173 = arith.cmpi sge, %add3A_127, %ge3A : i32
        %convert_element_type3A_174 = arith.extui %ge3A_173 : i1 to i32
        %cond3A_175 = arith.constant 0 : i32
        %cond3A_176 = arith.cmpi ne, %convert_element_type3A_174, %cond3A_175 : i32
        scf.if %cond3A_176 {
          %sub3A = arith.constant 1 : i32
          %sub3A_225 = arith.subi %add3A_127, %sub3A : i32
          %mul3A_226 = arith.constant 32 : i32
          %mul3A_227 = arith.muli %mul3A_226, %sub3A_225 : i32
          %add3A_228 = arith.addi %add3A, %mul3A_227 : i32
          %min3A_229 = arith.constant 1249 : i32
          %min3A_230 = arith.minsi %add3A_228, %min3A_229 : i32
          %mul3A_231 = arith.constant 128 : i32
          %mul3A_232 = arith.muli %min3A_230, %mul3A_231 : i32
          %dma_wait3A_233 = arith.constant 0 : i32
          %dma_wait3A_234 = tpu.memref_slice %arg6[%mul3A_232, %dma_wait3A_233] : memref<160000x128xf32, #tpu.memory_space<hbm>> -> memref<128x128xf32, #tpu.memory_space<hbm>>
          %dma_wait3A_235 = arith.constant 0 : i32
          %dma_wait3A_236 = tpu.memref_slice %arg6[%mul3A_232, %dma_wait3A_235] : memref<160000x128xf32, #tpu.memory_space<hbm>> -> memref<128x128xf32, #tpu.memory_space<hbm>>
          tpu.wait_dma2 semaphore(%arg19 : memref<!tpu.dma_semaphore, #tpu.memory_space<semaphore_mem>>) src(%arg11 : memref<128x128xf32, #tpu.memory_space<vmem>>) dst(%dma_wait3A_236 : memref<128x128xf32, #tpu.memory_space<hbm>>)
        } else {
        }
        %add3A_177 = arith.constant 1 : i32
        %add3A_178 = arith.addi %add3A_127, %add3A_177 : i32
        %mul3A_179 = arith.constant 32 : i32
        %mul3A_180 = arith.muli %mul3A_179, %add3A_178 : i32
        %add3A_181 = arith.addi %add3A, %mul3A_180 : i32
        %min3A_182 = arith.constant 1249 : i32
        %min3A_183 = arith.minsi %add3A_181, %min3A_182 : i32
        %add3A_184 = arith.constant 1250 : i32
        %add3A_185 = arith.addi %add3A_184, %min3A_183 : i32
        %dma_wait3A_186 = arith.constant 0 : i32
        %dma_wait3A_187 = arith.constant 0 : i32
        %dma_wait3A_188 = tpu.memref_slice %arg4[%add3A_185, %dma_wait3A_186, %dma_wait3A_187] : memref<2500x1x128xi32, #tpu.memory_space<hbm>> -> memref<1x1x128xi32, #tpu.memory_space<hbm>>
        %dma_wait3A_189 = tpu.memref_squeeze %dma_wait3A_188 : memref<1x1x128xi32, #tpu.memory_space<hbm>> -> memref<1x128xi32, #tpu.memory_space<hbm>>
        %dma_wait3A_190 = arith.constant 0 : i32
        %dma_wait3A_191 = arith.constant 0 : i32
        %dma_wait3A_192 = tpu.memref_slice %arg4[%add3A_185, %dma_wait3A_190, %dma_wait3A_191] : memref<2500x1x128xi32, #tpu.memory_space<hbm>> -> memref<1x1x128xi32, #tpu.memory_space<hbm>>
        %dma_wait3A_193 = tpu.memref_squeeze %dma_wait3A_192 : memref<1x1x128xi32, #tpu.memory_space<hbm>> -> memref<1x128xi32, #tpu.memory_space<hbm>>
        tpu.wait_dma2 semaphore(%arg21 : memref<!tpu.dma_semaphore, #tpu.memory_space<semaphore_mem>>) src(%dma_wait3A_193 : memref<1x128xi32, #tpu.memory_space<hbm>>) dst(%arg7 : memref<1x128xi32, #tpu.memory_space<vmem>>)
        %mul3A_194 = arith.constant 32 : i32
        %mul3A_195 = arith.muli %mul3A_194, %add3A_178 : i32
        %add3A_196 = arith.addi %add3A, %mul3A_195 : i32
        %min3A_197 = arith.constant 1249 : i32
        %min3A_198 = arith.minsi %add3A_196, %min3A_197 : i32
        %add3A_199 = arith.constant 1250 : i32
        %add3A_200 = arith.addi %add3A_199, %min3A_198 : i32
        %dma_wait3A_201 = arith.constant 0 : i32
        %dma_wait3A_202 = arith.constant 0 : i32
        %dma_wait3A_203 = tpu.memref_slice %arg5[%add3A_200, %dma_wait3A_201, %dma_wait3A_202] : memref<2500x1x128xi32, #tpu.memory_space<hbm>> -> memref<1x1x128xi32, #tpu.memory_space<hbm>>
        %dma_wait3A_204 = tpu.memref_squeeze %dma_wait3A_203 : memref<1x1x128xi32, #tpu.memory_space<hbm>> -> memref<1x128xi32, #tpu.memory_space<hbm>>
        %dma_wait3A_205 = arith.constant 0 : i32
        %dma_wait3A_206 = arith.constant 0 : i32
        %dma_wait3A_207 = tpu.memref_slice %arg5[%add3A_200, %dma_wait3A_205, %dma_wait3A_206] : memref<2500x1x128xi32, #tpu.memory_space<hbm>> -> memref<1x1x128xi32, #tpu.memory_space<hbm>>
        %dma_wait3A_208 = tpu.memref_squeeze %dma_wait3A_207 : memref<1x1x128xi32, #tpu.memory_space<hbm>> -> memref<1x128xi32, #tpu.memory_space<hbm>>
        tpu.wait_dma2 semaphore(%arg23 : memref<!tpu.dma_semaphore, #tpu.memory_space<semaphore_mem>>) src(%dma_wait3A_208 : memref<1x128xi32, #tpu.memory_space<hbm>>) dst(%arg9 : memref<1x128xi32, #tpu.memory_space<vmem>>)
        %add3A_209 = arith.constant 1 : i32
        %add3A_210 = arith.addi %add3A_127, %add3A_209 : i32
        %dma_start3A_211 = arith.constant 0 : i32
        %dma_start3A_212 = arith.constant 0 : i32
        %dma_start3A_213 = tpu.memref_slice %arg7[%dma_start3A_211, %dma_start3A_212] : memref<1x128xi32, #tpu.memory_space<vmem>> -> memref<1x128xi32, #tpu.memory_space<vmem>>
        %dma_start3A_214 = tpu.memref_squeeze %dma_start3A_213 : memref<1x128xi32, #tpu.memory_space<vmem>> -> memref<128xi32, #tpu.memory_space<vmem>>
        %dma_start3A_215 = arith.constant 0 : i32
        %dma_start3A_216 = arith.constant 0 : i32
        %dma_start3A_217 = tpu.memref_slice %arg2[%dma_start3A_215, %dma_start3A_216] : memref<10000x128xf32, #tpu.memory_space<hbm>> -> memref<10000x128xf32, #tpu.memory_space<hbm>>
        tpu.enqueue_indirect_dma source(%dma_start3A_217 : memref<10000x128xf32, #tpu.memory_space<hbm>>) target(%arg11 : memref<128x128xf32, #tpu.memory_space<vmem>>) offsets(%dma_start3A_214 : memref<128xi32, #tpu.memory_space<vmem>>) semaphore(%arg15 : memref<!tpu.dma_semaphore, #tpu.memory_space<semaphore_mem>>)
        %dma_start3A_218 = arith.constant 0 : i32
        %dma_start3A_219 = arith.constant 0 : i32
        %dma_start3A_220 = tpu.memref_slice %arg9[%dma_start3A_218, %dma_start3A_219] : memref<1x128xi32, #tpu.memory_space<vmem>> -> memref<1x128xi32, #tpu.memory_space<vmem>>
        %dma_start3A_221 = tpu.memref_squeeze %dma_start3A_220 : memref<1x128xi32, #tpu.memory_space<vmem>> -> memref<128xi32, #tpu.memory_space<vmem>>
        %dma_start3A_222 = arith.constant 0 : i32
        %dma_start3A_223 = arith.constant 0 : i32
        %dma_start3A_224 = tpu.memref_slice %arg3[%dma_start3A_222, %dma_start3A_223] : memref<10000x128xf32, #tpu.memory_space<hbm>> -> memref<10000x128xf32, #tpu.memory_space<hbm>>
        tpu.enqueue_indirect_dma source(%dma_start3A_224 : memref<10000x128xf32, #tpu.memory_space<hbm>>) target(%arg13 : memref<128x128xf32, #tpu.memory_space<vmem>>) offsets(%dma_start3A_221 : memref<128xi32, #tpu.memory_space<vmem>>) semaphore(%arg17 : memref<!tpu.dma_semaphore, #tpu.memory_space<semaphore_mem>>)
      } else {
      }
      %add3A_149 = arith.constant 2 : i32
      %add3A_150 = arith.addi %add3A_127, %add3A_149 : i32
      %lt3A_151 = arith.constant 40 : i32
      %lt3A_152 = arith.cmpi slt, %add3A_150, %lt3A_151 : i32
      %convert_element_type3A_153 = arith.extui %lt3A_152 : i1 to i32
      %cond3A_154 = arith.constant 0 : i32
      %cond3A_155 = arith.cmpi ne, %convert_element_type3A_153, %cond3A_154 : i32
      scf.if %cond3A_155 {
        %add3A_173 = arith.constant 2 : i32
        %add3A_174 = arith.addi %add3A_127, %add3A_173 : i32
        %mul3A_175 = arith.constant 32 : i32
        %mul3A_176 = arith.muli %mul3A_175, %add3A_174 : i32
        %add3A_177 = arith.addi %add3A, %mul3A_176 : i32
        %min3A_178 = arith.constant 1249 : i32
        %min3A_179 = arith.minsi %add3A_177, %min3A_178 : i32
        %add3A_180 = arith.constant 1250 : i32
        %add3A_181 = arith.addi %add3A_180, %min3A_179 : i32
        %dma_start3A_182 = arith.constant 0 : i32
        %dma_start3A_183 = arith.constant 0 : i32
        %dma_start3A_184 = tpu.memref_slice %arg4[%add3A_181, %dma_start3A_182, %dma_start3A_183] : memref<2500x1x128xi32, #tpu.memory_space<hbm>> -> memref<1x1x128xi32, #tpu.memory_space<hbm>>
        %dma_start3A_185 = tpu.memref_squeeze %dma_start3A_184 : memref<1x1x128xi32, #tpu.memory_space<hbm>> -> memref<1x128xi32, #tpu.memory_space<hbm>>
        %dma_start3A_186 = arith.constant 0 : i32
        %dma_start3A_187 = arith.constant 0 : i32
        %dma_start3A_188 = tpu.memref_slice %arg4[%add3A_181, %dma_start3A_186, %dma_start3A_187] : memref<2500x1x128xi32, #tpu.memory_space<hbm>> -> memref<1x1x128xi32, #tpu.memory_space<hbm>>
        %dma_start3A_189 = tpu.memref_squeeze %dma_start3A_188 : memref<1x1x128xi32, #tpu.memory_space<hbm>> -> memref<1x128xi32, #tpu.memory_space<hbm>>
        tpu.enqueue_dma source(%dma_start3A_189 : memref<1x128xi32, #tpu.memory_space<hbm>>) target(%arg8 : memref<1x128xi32, #tpu.memory_space<vmem>>) target_semaphore(%arg22 : memref<!tpu.dma_semaphore, #tpu.memory_space<semaphore_mem>>)
        %mul3A_190 = arith.constant 32 : i32
        %mul3A_191 = arith.muli %mul3A_190, %add3A_174 : i32
        %add3A_192 = arith.addi %add3A, %mul3A_191 : i32
        %min3A_193 = arith.constant 1249 : i32
        %min3A_194 = arith.minsi %add3A_192, %min3A_193 : i32
        %add3A_195 = arith.constant 1250 : i32
        %add3A_196 = arith.addi %add3A_195, %min3A_194 : i32
        %dma_start3A_197 = arith.constant 0 : i32
        %dma_start3A_198 = arith.constant 0 : i32
        %dma_start3A_199 = tpu.memref_slice %arg5[%add3A_196, %dma_start3A_197, %dma_start3A_198] : memref<2500x1x128xi32, #tpu.memory_space<hbm>> -> memref<1x1x128xi32, #tpu.memory_space<hbm>>
        %dma_start3A_200 = tpu.memref_squeeze %dma_start3A_199 : memref<1x1x128xi32, #tpu.memory_space<hbm>> -> memref<1x128xi32, #tpu.memory_space<hbm>>
        %dma_start3A_201 = arith.constant 0 : i32
        %dma_start3A_202 = arith.constant 0 : i32
        %dma_start3A_203 = tpu.memref_slice %arg5[%add3A_196, %dma_start3A_201, %dma_start3A_202] : memref<2500x1x128xi32, #tpu.memory_space<hbm>> -> memref<1x1x128xi32, #tpu.memory_space<hbm>>
        %dma_start3A_204 = tpu.memref_squeeze %dma_start3A_203 : memref<1x1x128xi32, #tpu.memory_space<hbm>> -> memref<1x128xi32, #tpu.memory_space<hbm>>
        tpu.enqueue_dma source(%dma_start3A_204 : memref<1x128xi32, #tpu.memory_space<hbm>>) target(%arg10 : memref<1x128xi32, #tpu.memory_space<vmem>>) target_semaphore(%arg24 : memref<!tpu.dma_semaphore, #tpu.memory_space<semaphore_mem>>)
      } else {
      }
      %scan3A_156 = arith.constant 0 : i32
      %scan3A_157 = arith.constant 0 : i32
      %scan3A_158 = arith.constant 128 : i32
      %scan3A_159 = arith.addi %scan3A_157, %scan3A_158 : i32
      %scan3A_160 = arith.constant 1 : i32
      scf.for %scan3A_173 = %scan3A_157 to %scan3A_159 step %scan3A_160  : i32 {
        %get3A = arith.index_cast %scan3A_173 : i32 to index
        %get3A_174 = arith.constant 0 : index
        %get3A_175 = tpu.vector_load %arg14[%get3A, %get3A_174] {strides = array<i32>} : memref<128x128xf32, #tpu.memory_space<vmem>>, vector<1x16xf32>,
        %get3A_176 = vector.shape_cast %get3A_175 : vector<1x16xf32> to vector<16xf32>
        %swap3A = arith.index_cast %scan3A_173 : i32 to index
        %swap3A_177 = arith.constant 0 : index
        %swap3A_178 = tpu.vector_load %arg12[%swap3A, %swap3A_177] {strides = array<i32>} : memref<128x128xf32, #tpu.memory_space<vmem>>, vector<1x16xf32>,
        %swap3A_179 = vector.shape_cast %swap3A_178 : vector<1x16xf32> to vector<16xf32>
        %swap3A_180 = vector.shape_cast %get3A_176 : vector<16xf32> to vector<1x16xf32>
        tpu.vector_store %arg12[%swap3A, %swap3A_177], %swap3A_180 {add = true, strides = array<i32>} : memref<128x128xf32, #tpu.memory_space<vmem>>, vector<1x16xf32>,
        %get3A_181 = arith.index_cast %scan3A_173 : i32 to index
        %get3A_182 = arith.constant 16 : index
        %get3A_183 = tpu.vector_load %arg14[%get3A_181, %get3A_182] {strides = array<i32>} : memref<128x128xf32, #tpu.memory_space<vmem>>, vector<1x16xf32>,
        %get3A_184 = vector.shape_cast %get3A_183 : vector<1x16xf32> to vector<16xf32>
        %swap3A_185 = arith.index_cast %scan3A_173 : i32 to index
        %swap3A_186 = arith.constant 16 : index
        %swap3A_187 = tpu.vector_load %arg12[%swap3A_185, %swap3A_186] {strides = array<i32>} : memref<128x128xf32, #tpu.memory_space<vmem>>, vector<1x16xf32>,
        %swap3A_188 = vector.shape_cast %swap3A_187 : vector<1x16xf32> to vector<16xf32>
        %swap3A_189 = vector.shape_cast %get3A_184 : vector<16xf32> to vector<1x16xf32>
        tpu.vector_store %arg12[%swap3A_185, %swap3A_186], %swap3A_189 {add = true, strides = array<i32>} : memref<128x128xf32, #tpu.memory_space<vmem>>, vector<1x16xf32>,
        %get3A_190 = arith.index_cast %scan3A_173 : i32 to index
        %get3A_191 = arith.constant 32 : index
        %get3A_192 = tpu.vector_load %arg14[%get3A_190, %get3A_191] {strides = array<i32>} : memref<128x128xf32, #tpu.memory_space<vmem>>, vector<1x16xf32>,
        %get3A_193 = vector.shape_cast %get3A_192 : vector<1x16xf32> to vector<16xf32>
        %swap3A_194 = arith.index_cast %scan3A_173 : i32 to index
        %swap3A_195 = arith.constant 32 : index
        %swap3A_196 = tpu.vector_load %arg12[%swap3A_194, %swap3A_195] {strides = array<i32>} : memref<128x128xf32, #tpu.memory_space<vmem>>, vector<1x16xf32>,
        %swap3A_197 = vector.shape_cast %swap3A_196 : vector<1x16xf32> to vector<16xf32>
        %swap3A_198 = vector.shape_cast %get3A_193 : vector<16xf32> to vector<1x16xf32>
        tpu.vector_store %arg12[%swap3A_194, %swap3A_195], %swap3A_198 {add = true, strides = array<i32>} : memref<128x128xf32, #tpu.memory_space<vmem>>, vector<1x16xf32>,
        %get3A_199 = arith.index_cast %scan3A_173 : i32 to index
        %get3A_200 = arith.constant 48 : index
        %get3A_201 = tpu.vector_load %arg14[%get3A_199, %get3A_200] {strides = array<i32>} : memref<128x128xf32, #tpu.memory_space<vmem>>, vector<1x16xf32>,
        %get3A_202 = vector.shape_cast %get3A_201 : vector<1x16xf32> to vector<16xf32>
        %swap3A_203 = arith.index_cast %scan3A_173 : i32 to index
        %swap3A_204 = arith.constant 48 : index
        %swap3A_205 = tpu.vector_load %arg12[%swap3A_203, %swap3A_204] {strides = array<i32>} : memref<128x128xf32, #tpu.memory_space<vmem>>, vector<1x16xf32>,
        %swap3A_206 = vector.shape_cast %swap3A_205 : vector<1x16xf32> to vector<16xf32>
        %swap3A_207 = vector.shape_cast %get3A_202 : vector<16xf32> to vector<1x16xf32>
        tpu.vector_store %arg12[%swap3A_203, %swap3A_204], %swap3A_207 {add = true, strides = array<i32>} : memref<128x128xf32, #tpu.memory_space<vmem>>, vector<1x16xf32>,
        %get3A_208 = arith.index_cast %scan3A_173 : i32 to index
        %get3A_209 = arith.constant 64 : index
        %get3A_210 = tpu.vector_load %arg14[%get3A_208, %get3A_209] {strides = array<i32>} : memref<128x128xf32, #tpu.memory_space<vmem>>, vector<1x16xf32>,
        %get3A_211 = vector.shape_cast %get3A_210 : vector<1x16xf32> to vector<16xf32>
        %swap3A_212 = arith.index_cast %scan3A_173 : i32 to index
        %swap3A_213 = arith.constant 64 : index
        %swap3A_214 = tpu.vector_load %arg12[%swap3A_212, %swap3A_213] {strides = array<i32>} : memref<128x128xf32, #tpu.memory_space<vmem>>, vector<1x16xf32>,
        %swap3A_215 = vector.shape_cast %swap3A_214 : vector<1x16xf32> to vector<16xf32>
        %swap3A_216 = vector.shape_cast %get3A_211 : vector<16xf32> to vector<1x16xf32>
        tpu.vector_store %arg12[%swap3A_212, %swap3A_213], %swap3A_216 {add = true, strides = array<i32>} : memref<128x128xf32, #tpu.memory_space<vmem>>, vector<1x16xf32>,
        %get3A_217 = arith.index_cast %scan3A_173 : i32 to index
        %get3A_218 = arith.constant 80 : index
        %get3A_219 = tpu.vector_load %arg14[%get3A_217, %get3A_218] {strides = array<i32>} : memref<128x128xf32, #tpu.memory_space<vmem>>, vector<1x16xf32>,
        %get3A_220 = vector.shape_cast %get3A_219 : vector<1x16xf32> to vector<16xf32>
        %swap3A_221 = arith.index_cast %scan3A_173 : i32 to index
        %swap3A_222 = arith.constant 80 : index
        %swap3A_223 = tpu.vector_load %arg12[%swap3A_221, %swap3A_222] {strides = array<i32>} : memref<128x128xf32, #tpu.memory_space<vmem>>, vector<1x16xf32>,
        %swap3A_224 = vector.shape_cast %swap3A_223 : vector<1x16xf32> to vector<16xf32>
        %swap3A_225 = vector.shape_cast %get3A_220 : vector<16xf32> to vector<1x16xf32>
        tpu.vector_store %arg12[%swap3A_221, %swap3A_222], %swap3A_225 {add = true, strides = array<i32>} : memref<128x128xf32, #tpu.memory_space<vmem>>, vector<1x16xf32>,
        %get3A_226 = arith.index_cast %scan3A_173 : i32 to index
        %get3A_227 = arith.constant 96 : index
        %get3A_228 = tpu.vector_load %arg14[%get3A_226, %get3A_227] {strides = array<i32>} : memref<128x128xf32, #tpu.memory_space<vmem>>, vector<1x16xf32>,
        %get3A_229 = vector.shape_cast %get3A_228 : vector<1x16xf32> to vector<16xf32>
        %swap3A_230 = arith.index_cast %scan3A_173 : i32 to index
        %swap3A_231 = arith.constant 96 : index
        %swap3A_232 = tpu.vector_load %arg12[%swap3A_230, %swap3A_231] {strides = array<i32>} : memref<128x128xf32, #tpu.memory_space<vmem>>, vector<1x16xf32>,
        %swap3A_233 = vector.shape_cast %swap3A_232 : vector<1x16xf32> to vector<16xf32>
        %swap3A_234 = vector.shape_cast %get3A_229 : vector<16xf32> to vector<1x16xf32>
        tpu.vector_store %arg12[%swap3A_230, %swap3A_231], %swap3A_234 {add = true, strides = array<i32>} : memref<128x128xf32, #tpu.memory_space<vmem>>, vector<1x16xf32>,
        %get3A_235 = arith.index_cast %scan3A_173 : i32 to index
        %get3A_236 = arith.constant 112 : index
        %get3A_237 = tpu.vector_load %arg14[%get3A_235, %get3A_236] {strides = array<i32>} : memref<128x128xf32, #tpu.memory_space<vmem>>, vector<1x16xf32>,
        %get3A_238 = vector.shape_cast %get3A_237 : vector<1x16xf32> to vector<16xf32>
        %swap3A_239 = arith.index_cast %scan3A_173 : i32 to index
        %swap3A_240 = arith.constant 112 : index
        %swap3A_241 = tpu.vector_load %arg12[%swap3A_239, %swap3A_240] {strides = array<i32>} : memref<128x128xf32, #tpu.memory_space<vmem>>, vector<1x16xf32>,
        %swap3A_242 = vector.shape_cast %swap3A_241 : vector<1x16xf32> to vector<16xf32>
        %swap3A_243 = vector.shape_cast %get3A_238 : vector<16xf32> to vector<1x16xf32>
        tpu.vector_store %arg12[%swap3A_239, %swap3A_240], %swap3A_243 {add = true, strides = array<i32>} : memref<128x128xf32, #tpu.memory_space<vmem>>, vector<1x16xf32>,
      }
      %scan3A_161 = arith.constant 128 : i32
      %mul3A_162 = arith.constant 32 : i32
      %mul3A_163 = arith.muli %mul3A_162, %add3A_127 : i32
      %add3A_164 = arith.addi %add3A, %mul3A_163 : i32
      %min3A_165 = arith.constant 1249 : i32
      %min3A_166 = arith.minsi %add3A_164, %min3A_165 : i32
      %mul3A_167 = arith.constant 128 : i32
      %mul3A_168 = arith.muli %min3A_166, %mul3A_167 : i32
      %dma_start3A_169 = arith.constant 0 : i32
      %dma_start3A_170 = tpu.memref_slice %arg6[%mul3A_168, %dma_start3A_169] : memref<160000x128xf32, #tpu.memory_space<hbm>> -> memref<128x128xf32, #tpu.memory_space<hbm>>
      %dma_start3A_171 = arith.constant 0 : i32
      %dma_start3A_172 = tpu.memref_slice %arg6[%mul3A_168, %dma_start3A_171] : memref<160000x128xf32, #tpu.memory_space<hbm>> -> memref<128x128xf32, #tpu.memory_space<hbm>>
      tpu.enqueue_dma source(%arg12 : memref<128x128xf32, #tpu.memory_space<vmem>>) target(%dma_start3A_172 : memref<128x128xf32, #tpu.memory_space<hbm>>) target_semaphore(%arg20 : memref<!tpu.dma_semaphore, #tpu.memory_space<semaphore_mem>>)
    }
    %scan3A_57 = arith.constant 20 : i32
    %add3A_58 = arith.constant 1216 : i32
    %add3A_59 = arith.addi %add3A, %add3A_58 : i32
    %min3A_60 = arith.constant 1249 : i32
    %min3A_61 = arith.minsi %add3A_59, %min3A_60 : i32
    %mul3A_62 = arith.constant 128 : i32
    %mul3A_63 = arith.muli %min3A_61, %mul3A_62 : i32
    %dma_wait3A = arith.constant 0 : i32
    %dma_wait3A_64 = tpu.memref_slice %arg6[%mul3A_63, %dma_wait3A] : memref<160000x128xf32, #tpu.memory_space<hbm>> -> memref<128x128xf32, #tpu.memory_space<hbm>>
    %dma_wait3A_65 = arith.constant 0 : i32
    %dma_wait3A_66 = tpu.memref_slice %arg6[%mul3A_63, %dma_wait3A_65] : memref<160000x128xf32, #tpu.memory_space<hbm>> -> memref<128x128xf32, #tpu.memory_space<hbm>>
    tpu.wait_dma2 semaphore(%arg19 : memref<!tpu.dma_semaphore, #tpu.memory_space<semaphore_mem>>) src(%arg11 : memref<128x128xf32, #tpu.memory_space<vmem>>) dst(%dma_wait3A_66 : memref<128x128xf32, #tpu.memory_space<hbm>>)
    %add3A_67 = arith.constant 1248 : i32
    %add3A_68 = arith.addi %add3A, %add3A_67 : i32
    %min3A_69 = arith.constant 1249 : i32
    %min3A_70 = arith.minsi %add3A_68, %min3A_69 : i32
    %mul3A_71 = arith.constant 128 : i32
    %mul3A_72 = arith.muli %min3A_70, %mul3A_71 : i32
    %dma_wait3A_73 = arith.constant 0 : i32
    %dma_wait3A_74 = tpu.memref_slice %arg6[%mul3A_72, %dma_wait3A_73] : memref<160000x128xf32, #tpu.memory_space<hbm>> -> memref<128x128xf32, #tpu.memory_space<hbm>>
    %dma_wait3A_75 = arith.constant 0 : i32
    %dma_wait3A_76 = tpu.memref_slice %arg6[%mul3A_72, %dma_wait3A_75] : memref<160000x128xf32, #tpu.memory_space<hbm>> -> memref<128x128xf32, #tpu.memory_space<hbm>>
    tpu.wait_dma2 semaphore(%arg20 : memref<!tpu.dma_semaphore, #tpu.memory_space<semaphore_mem>>) src(%arg12 : memref<128x128xf32, #tpu.memory_space<vmem>>) dst(%dma_wait3A_76 : memref<128x128xf32, #tpu.memory_space<hbm>>)
    return
  }
}

#map = affine_map<(d0, d1) -> (0, 0)>
#map1 = affine_map<(d0, d1) -> (0, 0, 0)>
module attributes {stable_mosaic.version = 14 : i64} {
  func.func @gather_k(%arg0: i32, %arg1: i32, %arg2: memref<10000x128xf32, #tpu.memory_space<hbm>>, %arg3: memref<10000x128xf32, #tpu.memory_space<hbm>>, %arg4: memref<2500x1x128xi32, #tpu.memory_space<hbm>>, %arg5: memref<2500x1x128xi32, #tpu.memory_space<hbm>>, %arg6: memref<160000x128xf32, #tpu.memory_space<hbm>>, %arg7: memref<1x128xi32, #tpu.memory_space<vmem>>, %arg8: memref<1x128xi32, #tpu.memory_space<vmem>>, %arg9: memref<1x128xi32, #tpu.memory_space<vmem>>, %arg10: memref<1x128xi32, #tpu.memory_space<vmem>>, %arg11: memref<128x128xf32, #tpu.memory_space<vmem>>, %arg12: memref<128x128xf32, #tpu.memory_space<vmem>>, %arg13: memref<128x128xf32, #tpu.memory_space<vmem>>, %arg14: memref<128x128xf32, #tpu.memory_space<vmem>>, %arg15: memref<!tpu.dma_semaphore, #tpu.memory_space<semaphore_mem>>, %arg16: memref<!tpu.dma_semaphore, #tpu.memory_space<semaphore_mem>>, %arg17: memref<!tpu.dma_semaphore, #tpu.memory_space<semaphore_mem>>, %arg18: memref<!tpu.dma_semaphore, #tpu.memory_space<semaphore_mem>>, %arg19: memref<!tpu.dma_semaphore, #tpu.memory_space<semaphore_mem>>, %arg20: memref<!tpu.dma_semaphore, #tpu.memory_space<semaphore_mem>>, %arg21: memref<!tpu.dma_semaphore, #tpu.memory_space<semaphore_mem>>, %arg22: memref<!tpu.dma_semaphore, #tpu.memory_space<semaphore_mem>>, %arg23: memref<!tpu.dma_semaphore, #tpu.memory_space<semaphore_mem>>, %arg24: memref<!tpu.dma_semaphore, #tpu.memory_space<semaphore_mem>>) attributes {dimension_semantics = [#tpu.dimension_semantics<core_parallel>, #tpu.dimension_semantics<subcore_parallel>], iteration_bounds = array<i64: 2, 16>, scalar_prefetch = 0 : i64, scratch_operands = 18 : i64, tpu.core_type = #tpu.core_type<sc_vector_subcore>, window_params = [{transform_indices = #map}, {transform_indices = #map}, {transform_indices = #map1}, {transform_indices = #map1}, {transform_indices = #map}]} {
    %mul3A = arith.constant 2 : i32
    %mul3A_0 = arith.muli %arg1, %mul3A : i32
    %add3A = arith.addi %mul3A_0, %arg0 : i32
    %add3A_1 = arith.constant 0 : i32
    %add3A_2 = arith.addi %add3A, %add3A_1 : i32
    %min3A = arith.constant 1249 : i32
    %min3A_3 = arith.minsi %add3A_2, %min3A : i32
    %add3A_4 = arith.constant 0 : i32
    %add3A_5 = arith.addi %add3A_4, %min3A_3 : i32
    "tpu.region"() ({
      %run_scoped3A = tpu.sem_alloc : memref<!tpu.dma_semaphore, #tpu.memory_space<semaphore_mem>>
      %dma_start3A_77 = arith.constant 0 : i32
      %dma_start3A_78 = arith.constant 0 : i32
      %dma_start3A_79 = tpu.memref_slice %arg4[%add3A_5, %dma_start3A_77, %dma_start3A_78] : memref<2500x1x128xi32, #tpu.memory_space<hbm>> -> memref<1x1x128xi32, #tpu.memory_space<hbm>>
      %dma_start3A_80 = tpu.memref_squeeze %dma_start3A_79 : memref<1x1x128xi32, #tpu.memory_space<hbm>> -> memref<1x128xi32, #tpu.memory_space<hbm>>
      %dma_start3A_81 = arith.constant 0 : i32
      %dma_start3A_82 = arith.constant 0 : i32
      %dma_start3A_83 = tpu.memref_slice %arg4[%add3A_5, %dma_start3A_81, %dma_start3A_82] : memref<2500x1x128xi32, #tpu.memory_space<hbm>> -> memref<1x1x128xi32, #tpu.memory_space<hbm>>
      %dma_start3A_84 = tpu.memref_squeeze %dma_start3A_83 : memref<1x1x128xi32, #tpu.memory_space<hbm>> -> memref<1x128xi32, #tpu.memory_space<hbm>>
      tpu.enqueue_dma source(%dma_start3A_84 : memref<1x128xi32, #tpu.memory_space<hbm>>) target(%arg7 : memref<1x128xi32, #tpu.memory_space<vmem>>) target_semaphore(%run_scoped3A : memref<!tpu.dma_semaphore, #tpu.memory_space<semaphore_mem>>)
      %dma_wait3A_85 = arith.constant 0 : i32
      %dma_wait3A_86 = arith.constant 0 : i32
      %dma_wait3A_87 = tpu.memref_slice %arg4[%add3A_5, %dma_wait3A_85, %dma_wait3A_86] : memref<2500x1x128xi32, #tpu.memory_space<hbm>> -> memref<1x1x128xi32, #tpu.memory_space<hbm>>
      %dma_wait3A_88 = tpu.memref_squeeze %dma_wait3A_87 : memref<1x1x128xi32, #tpu.memory_space<hbm>> -> memref<1x128xi32, #tpu.memory_space<hbm>>
      %dma_wait3A_89 = arith.constant 0 : i32
      %dma_wait3A_90 = arith.constant 0 : i32
      %dma_wait3A_91 = tpu.memref_slice %arg4[%add3A_5, %dma_wait3A_89, %dma_wait3A_90] : memref<2500x1x128xi32, #tpu.memory_space<hbm>> -> memref<1x1x128xi32, #tpu.memory_space<hbm>>
      %dma_wait3A_92 = tpu.memref_squeeze %dma_wait3A_91 : memref<1x1x128xi32, #tpu.memory_space<hbm>> -> memref<1x128xi32, #tpu.memory_space<hbm>>
      tpu.wait_dma2 semaphore(%run_scoped3A : memref<!tpu.dma_semaphore, #tpu.memory_space<semaphore_mem>>) src(%dma_wait3A_92 : memref<1x128xi32, #tpu.memory_space<hbm>>) dst(%arg7 : memref<1x128xi32, #tpu.memory_space<vmem>>)
      tpu.yield
    }) : () -> ()
    %add3A_6 = arith.constant 0 : i32
    %add3A_7 = arith.addi %add3A, %add3A_6 : i32
    %min3A_8 = arith.constant 1249 : i32
    %min3A_9 = arith.minsi %add3A_7, %min3A_8 : i32
    %add3A_10 = arith.constant 0 : i32
    %add3A_11 = arith.addi %add3A_10, %min3A_9 : i32
    "tpu.region"() ({
      %run_scoped3A = tpu.sem_alloc : memref<!tpu.dma_semaphore, #tpu.memory_space<semaphore_mem>>
      %dma_start3A_77 = arith.constant 0 : i32
      %dma_start3A_78 = arith.constant 0 : i32
      %dma_start3A_79 = tpu.memref_slice %arg5[%add3A_11, %dma_start3A_77, %dma_start3A_78] : memref<2500x1x128xi32, #tpu.memory_space<hbm>> -> memref<1x1x128xi32, #tpu.memory_space<hbm>>
      %dma_start3A_80 = tpu.memref_squeeze %dma_start3A_79 : memref<1x1x128xi32, #tpu.memory_space<hbm>> -> memref<1x128xi32, #tpu.memory_space<hbm>>
      %dma_start3A_81 = arith.constant 0 : i32
      %dma_start3A_82 = arith.constant 0 : i32
      %dma_start3A_83 = tpu.memref_slice %arg5[%add3A_11, %dma_start3A_81, %dma_start3A_82] : memref<2500x1x128xi32, #tpu.memory_space<hbm>> -> memref<1x1x128xi32, #tpu.memory_space<hbm>>
      %dma_start3A_84 = tpu.memref_squeeze %dma_start3A_83 : memref<1x1x128xi32, #tpu.memory_space<hbm>> -> memref<1x128xi32, #tpu.memory_space<hbm>>
      tpu.enqueue_dma source(%dma_start3A_84 : memref<1x128xi32, #tpu.memory_space<hbm>>) target(%arg9 : memref<1x128xi32, #tpu.memory_space<vmem>>) target_semaphore(%run_scoped3A : memref<!tpu.dma_semaphore, #tpu.memory_space<semaphore_mem>>)
      %dma_wait3A_85 = arith.constant 0 : i32
      %dma_wait3A_86 = arith.constant 0 : i32
      %dma_wait3A_87 = tpu.memref_slice %arg5[%add3A_11, %dma_wait3A_85, %dma_wait3A_86] : memref<2500x1x128xi32, #tpu.memory_space<hbm>> -> memref<1x1x128xi32, #tpu.memory_space<hbm>>
      %dma_wait3A_88 = tpu.memref_squeeze %dma_wait3A_87 : memref<1x1x128xi32, #tpu.memory_space<hbm>> -> memref<1x128xi32, #tpu.memory_space<hbm>>
      %dma_wait3A_89 = arith.constant 0 : i32
      %dma_wait3A_90 = arith.constant 0 : i32
      %dma_wait3A_91 = tpu.memref_slice %arg5[%add3A_11, %dma_wait3A_89, %dma_wait3A_90] : memref<2500x1x128xi32, #tpu.memory_space<hbm>> -> memref<1x1x128xi32, #tpu.memory_space<hbm>>
      %dma_wait3A_92 = tpu.memref_squeeze %dma_wait3A_91 : memref<1x1x128xi32, #tpu.memory_space<hbm>> -> memref<1x128xi32, #tpu.memory_space<hbm>>
      tpu.wait_dma2 semaphore(%run_scoped3A : memref<!tpu.dma_semaphore, #tpu.memory_space<semaphore_mem>>) src(%dma_wait3A_92 : memref<1x128xi32, #tpu.memory_space<hbm>>) dst(%arg9 : memref<1x128xi32, #tpu.memory_space<vmem>>)
      tpu.yield
    }) : () -> ()
    %dma_start3A = arith.constant 0 : i32
    %dma_start3A_12 = arith.constant 0 : i32
    %dma_start3A_13 = tpu.memref_slice %arg7[%dma_start3A, %dma_start3A_12] : memref<1x128xi32, #tpu.memory_space<vmem>> -> memref<1x128xi32, #tpu.memory_space<vmem>>
    %dma_start3A_14 = tpu.memref_squeeze %dma_start3A_13 : memref<1x128xi32, #tpu.memory_space<vmem>> -> memref<128xi32, #tpu.memory_space<vmem>>
    %dma_start3A_15 = arith.constant 0 : i32
    %dma_start3A_16 = arith.constant 0 : i32
    %dma_start3A_17 = tpu.memref_slice %arg2[%dma_start3A_15, %dma_start3A_16] : memref<10000x128xf32, #tpu.memory_space<hbm>> -> memref<10000x128xf32, #tpu.memory_space<hbm>>
    tpu.enqueue_indirect_dma source(%dma_start3A_17 : memref<10000x128xf32, #tpu.memory_space<hbm>>) target(%arg11 : memref<128x128xf32, #tpu.memory_space<vmem>>) offsets(%dma_start3A_14 : memref<128xi32, #tpu.memory_space<vmem>>) semaphore(%arg15 : memref<!tpu.dma_semaphore, #tpu.memory_space<semaphore_mem>>)
    %dma_start3A_18 = arith.constant 0 : i32
    %dma_start3A_19 = arith.constant 0 : i32
    %dma_start3A_20 = tpu.memref_slice %arg9[%dma_start3A_18, %dma_start3A_19] : memref<1x128xi32, #tpu.memory_space<vmem>> -> memref<1x128xi32, #tpu.memory_space<vmem>>
    %dma_start3A_21 = tpu.memref_squeeze %dma_start3A_20 : memref<1x128xi32, #tpu.memory_space<vmem>> -> memref<128xi32, #tpu.memory_space<vmem>>
    %dma_start3A_22 = arith.constant 0 : i32
    %dma_start3A_23 = arith.constant 0 : i32
    %dma_start3A_24 = tpu.memref_slice %arg3[%dma_start3A_22, %dma_start3A_23] : memref<10000x128xf32, #tpu.memory_space<hbm>> -> memref<10000x128xf32, #tpu.memory_space<hbm>>
    tpu.enqueue_indirect_dma source(%dma_start3A_24 : memref<10000x128xf32, #tpu.memory_space<hbm>>) target(%arg13 : memref<128x128xf32, #tpu.memory_space<vmem>>) offsets(%dma_start3A_21 : memref<128xi32, #tpu.memory_space<vmem>>) semaphore(%arg17 : memref<!tpu.dma_semaphore, #tpu.memory_space<semaphore_mem>>)
    %add3A_25 = arith.constant 32 : i32
    %add3A_26 = arith.addi %add3A, %add3A_25 : i32
    %min3A_27 = arith.constant 1249 : i32
    %min3A_28 = arith.minsi %add3A_26, %min3A_27 : i32
    %add3A_29 = arith.constant 0 : i32
    %add3A_30 = arith.addi %add3A_29, %min3A_28 : i32
    %dma_start3A_31 = arith.constant 0 : i32
    %dma_start3A_32 = arith.constant 0 : i32
    %dma_start3A_33 = tpu.memref_slice %arg4[%add3A_30, %dma_start3A_31, %dma_start3A_32] : memref<2500x1x128xi32, #tpu.memory_space<hbm>> -> memref<1x1x128xi32, #tpu.memory_space<hbm>>
    %dma_start3A_34 = tpu.memref_squeeze %dma_start3A_33 : memref<1x1x128xi32, #tpu.memory_space<hbm>> -> memref<1x128xi32, #tpu.memory_space<hbm>>
    %dma_start3A_35 = arith.constant 0 : i32
    %dma_start3A_36 = arith.constant 0 : i32
    %dma_start3A_37 = tpu.memref_slice %arg4[%add3A_30, %dma_start3A_35, %dma_start3A_36] : memref<2500x1x128xi32, #tpu.memory_space<hbm>> -> memref<1x1x128xi32, #tpu.memory_space<hbm>>
    %dma_start3A_38 = tpu.memref_squeeze %dma_start3A_37 : memref<1x1x128xi32, #tpu.memory_space<hbm>> -> memref<1x128xi32, #tpu.memory_space<hbm>>
    tpu.enqueue_dma source(%dma_start3A_38 : memref<1x128xi32, #tpu.memory_space<hbm>>) target(%arg8 : memref<1x128xi32, #tpu.memory_space<vmem>>) target_semaphore(%arg22 : memref<!tpu.dma_semaphore, #tpu.memory_space<semaphore_mem>>)
    %add3A_39 = arith.constant 32 : i32
    %add3A_40 = arith.addi %add3A, %add3A_39 : i32
    %min3A_41 = arith.constant 1249 : i32
    %min3A_42 = arith.minsi %add3A_40, %min3A_41 : i32
    %add3A_43 = arith.constant 0 : i32
    %add3A_44 = arith.addi %add3A_43, %min3A_42 : i32
    %dma_start3A_45 = arith.constant 0 : i32
    %dma_start3A_46 = arith.constant 0 : i32
    %dma_start3A_47 = tpu.memref_slice %arg5[%add3A_44, %dma_start3A_45, %dma_start3A_46] : memref<2500x1x128xi32, #tpu.memory_space<hbm>> -> memref<1x1x128xi32, #tpu.memory_space<hbm>>
    %dma_start3A_48 = tpu.memref_squeeze %dma_start3A_47 : memref<1x1x128xi32, #tpu.memory_space<hbm>> -> memref<1x128xi32, #tpu.memory_space<hbm>>
    %dma_start3A_49 = arith.constant 0 : i32
    %dma_start3A_50 = arith.constant 0 : i32
    %dma_start3A_51 = tpu.memref_slice %arg5[%add3A_44, %dma_start3A_49, %dma_start3A_50] : memref<2500x1x128xi32, #tpu.memory_space<hbm>> -> memref<1x1x128xi32, #tpu.memory_space<hbm>>
    %dma_start3A_52 = tpu.memref_squeeze %dma_start3A_51 : memref<1x1x128xi32, #tpu.memory_space<hbm>> -> memref<1x128xi32, #tpu.memory_space<hbm>>
    tpu.enqueue_dma source(%dma_start3A_52 : memref<1x128xi32, #tpu.memory_space<hbm>>) target(%arg10 : memref<1x128xi32, #tpu.memory_space<vmem>>) target_semaphore(%arg24 : memref<!tpu.dma_semaphore, #tpu.memory_space<semaphore_mem>>)
    %scan3A = arith.constant 0 : i32
    %scan3A_53 = arith.constant 0 : i32
    %scan3A_54 = arith.constant 20 : i32
    %scan3A_55 = arith.addi %scan3A_53, %scan3A_54 : i32
    %scan3A_56 = arith.constant 1 : i32
    scf.for %scan3A_77 = %scan3A_53 to %scan3A_55 step %scan3A_56  : i32 {
      %mul3A_78 = arith.constant 2 : i32
      %mul3A_79 = arith.muli %mul3A_78, %scan3A_77 : i32
      %add3A_80 = arith.constant 0 : i32
      %add3A_81 = arith.addi %mul3A_79, %add3A_80 : i32
      %dma_wait3A_82 = arith.constant 0 : i32
      %dma_wait3A_83 = arith.constant 0 : i32
      %dma_wait3A_84 = tpu.memref_slice %arg7[%dma_wait3A_82, %dma_wait3A_83] : memref<1x128xi32, #tpu.memory_space<vmem>> -> memref<1x128xi32, #tpu.memory_space<vmem>>
      %dma_wait3A_85 = tpu.memref_squeeze %dma_wait3A_84 : memref<1x128xi32, #tpu.memory_space<vmem>> -> memref<128xi32, #tpu.memory_space<vmem>>
      %dma_wait3A_86 = arith.constant 0 : i32
      %dma_wait3A_87 = arith.constant 0 : i32
      %dma_wait3A_88 = tpu.memref_slice %arg2[%dma_wait3A_86, %dma_wait3A_87] : memref<10000x128xf32, #tpu.memory_space<hbm>> -> memref<10000x128xf32, #tpu.memory_space<hbm>>
      tpu.wait_indirect_dma semaphore(%arg15 : memref<!tpu.dma_semaphore, #tpu.memory_space<semaphore_mem>>) src(%dma_wait3A_88 : memref<10000x128xf32, #tpu.memory_space<hbm>>) dst(%arg11 : memref<128x128xf32, #tpu.memory_space<vmem>>)
      %dma_wait3A_89 = arith.constant 0 : i32
      %dma_wait3A_90 = arith.constant 0 : i32
      %dma_wait3A_91 = tpu.memref_slice %arg9[%dma_wait3A_89, %dma_wait3A_90] : memref<1x128xi32, #tpu.memory_space<vmem>> -> memref<1x128xi32, #tpu.memory_space<vmem>>
      %dma_wait3A_92 = tpu.memref_squeeze %dma_wait3A_91 : memref<1x128xi32, #tpu.memory_space<vmem>> -> memref<128xi32, #tpu.memory_space<vmem>>
      %dma_wait3A_93 = arith.constant 0 : i32
      %dma_wait3A_94 = arith.constant 0 : i32
      %dma_wait3A_95 = tpu.memref_slice %arg3[%dma_wait3A_93, %dma_wait3A_94] : memref<10000x128xf32, #tpu.memory_space<hbm>> -> memref<10000x128xf32, #tpu.memory_space<hbm>>
      tpu.wait_indirect_dma semaphore(%arg17 : memref<!tpu.dma_semaphore, #tpu.memory_space<semaphore_mem>>) src(%dma_wait3A_95 : memref<10000x128xf32, #tpu.memory_space<hbm>>) dst(%arg13 : memref<128x128xf32, #tpu.memory_space<vmem>>)
      %add3A_96 = arith.constant 1 : i32
      %add3A_97 = arith.addi %add3A_81, %add3A_96 : i32
      %lt3A = arith.constant 40 : i32
      %lt3A_98 = arith.cmpi slt, %add3A_97, %lt3A : i32
      %convert_element_type3A = arith.extui %lt3A_98 : i1 to i32
      %cond3A = arith.constant 0 : i32
      %cond3A_99 = arith.cmpi ne, %convert_element_type3A, %cond3A : i32
      scf.if %cond3A_99 {
        %ge3A = arith.constant 1 : i32
        %ge3A_173 = arith.cmpi sge, %add3A_81, %ge3A : i32
        %convert_element_type3A_174 = arith.extui %ge3A_173 : i1 to i32
        %cond3A_175 = arith.constant 0 : i32
        %cond3A_176 = arith.cmpi ne, %convert_element_type3A_174, %cond3A_175 : i32
        scf.if %cond3A_176 {
          %sub3A = arith.constant 1 : i32
          %sub3A_225 = arith.subi %add3A_81, %sub3A : i32
          %mul3A_226 = arith.constant 32 : i32
          %mul3A_227 = arith.muli %mul3A_226, %sub3A_225 : i32
          %add3A_228 = arith.addi %add3A, %mul3A_227 : i32
          %min3A_229 = arith.constant 1249 : i32
          %min3A_230 = arith.minsi %add3A_228, %min3A_229 : i32
          %mul3A_231 = arith.constant 128 : i32
          %mul3A_232 = arith.muli %min3A_230, %mul3A_231 : i32
          %dma_wait3A_233 = arith.constant 0 : i32
          %dma_wait3A_234 = tpu.memref_slice %arg6[%mul3A_232, %dma_wait3A_233] : memref<160000x128xf32, #tpu.memory_space<hbm>> -> memref<128x128xf32, #tpu.memory_space<hbm>>
          %dma_wait3A_235 = arith.constant 0 : i32
          %dma_wait3A_236 = tpu.memref_slice %arg6[%mul3A_232, %dma_wait3A_235] : memref<160000x128xf32, #tpu.memory_space<hbm>> -> memref<128x128xf32, #tpu.memory_space<hbm>>
          tpu.wait_dma2 semaphore(%arg20 : memref<!tpu.dma_semaphore, #tpu.memory_space<semaphore_mem>>) src(%arg12 : memref<128x128xf32, #tpu.memory_space<vmem>>) dst(%dma_wait3A_236 : memref<128x128xf32, #tpu.memory_space<hbm>>)
        } else {
        }
        %add3A_177 = arith.constant 1 : i32
        %add3A_178 = arith.addi %add3A_81, %add3A_177 : i32
        %mul3A_179 = arith.constant 32 : i32
        %mul3A_180 = arith.muli %mul3A_179, %add3A_178 : i32
        %add3A_181 = arith.addi %add3A, %mul3A_180 : i32
        %min3A_182 = arith.constant 1249 : i32
        %min3A_183 = arith.minsi %add3A_181, %min3A_182 : i32
        %add3A_184 = arith.constant 0 : i32
        %add3A_185 = arith.addi %add3A_184, %min3A_183 : i32
        %dma_wait3A_186 = arith.constant 0 : i32
        %dma_wait3A_187 = arith.constant 0 : i32
        %dma_wait3A_188 = tpu.memref_slice %arg4[%add3A_185, %dma_wait3A_186, %dma_wait3A_187] : memref<2500x1x128xi32, #tpu.memory_space<hbm>> -> memref<1x1x128xi32, #tpu.memory_space<hbm>>
        %dma_wait3A_189 = tpu.memref_squeeze %dma_wait3A_188 : memref<1x1x128xi32, #tpu.memory_space<hbm>> -> memref<1x128xi32, #tpu.memory_space<hbm>>
        %dma_wait3A_190 = arith.constant 0 : i32
        %dma_wait3A_191 = arith.constant 0 : i32
        %dma_wait3A_192 = tpu.memref_slice %arg4[%add3A_185, %dma_wait3A_190, %dma_wait3A_191] : memref<2500x1x128xi32, #tpu.memory_space<hbm>> -> memref<1x1x128xi32, #tpu.memory_space<hbm>>
        %dma_wait3A_193 = tpu.memref_squeeze %dma_wait3A_192 : memref<1x1x128xi32, #tpu.memory_space<hbm>> -> memref<1x128xi32, #tpu.memory_space<hbm>>
        tpu.wait_dma2 semaphore(%arg22 : memref<!tpu.dma_semaphore, #tpu.memory_space<semaphore_mem>>) src(%dma_wait3A_193 : memref<1x128xi32, #tpu.memory_space<hbm>>) dst(%arg8 : memref<1x128xi32, #tpu.memory_space<vmem>>)
        %mul3A_194 = arith.constant 32 : i32
        %mul3A_195 = arith.muli %mul3A_194, %add3A_178 : i32
        %add3A_196 = arith.addi %add3A, %mul3A_195 : i32
        %min3A_197 = arith.constant 1249 : i32
        %min3A_198 = arith.minsi %add3A_196, %min3A_197 : i32
        %add3A_199 = arith.constant 0 : i32
        %add3A_200 = arith.addi %add3A_199, %min3A_198 : i32
        %dma_wait3A_201 = arith.constant 0 : i32
        %dma_wait3A_202 = arith.constant 0 : i32
        %dma_wait3A_203 = tpu.memref_slice %arg5[%add3A_200, %dma_wait3A_201, %dma_wait3A_202] : memref<2500x1x128xi32, #tpu.memory_space<hbm>> -> memref<1x1x128xi32, #tpu.memory_space<hbm>>
        %dma_wait3A_204 = tpu.memref_squeeze %dma_wait3A_203 : memref<1x1x128xi32, #tpu.memory_space<hbm>> -> memref<1x128xi32, #tpu.memory_space<hbm>>
        %dma_wait3A_205 = arith.constant 0 : i32
        %dma_wait3A_206 = arith.constant 0 : i32
        %dma_wait3A_207 = tpu.memref_slice %arg5[%add3A_200, %dma_wait3A_205, %dma_wait3A_206] : memref<2500x1x128xi32, #tpu.memory_space<hbm>> -> memref<1x1x128xi32, #tpu.memory_space<hbm>>
        %dma_wait3A_208 = tpu.memref_squeeze %dma_wait3A_207 : memref<1x1x128xi32, #tpu.memory_space<hbm>> -> memref<1x128xi32, #tpu.memory_space<hbm>>
        tpu.wait_dma2 semaphore(%arg24 : memref<!tpu.dma_semaphore, #tpu.memory_space<semaphore_mem>>) src(%dma_wait3A_208 : memref<1x128xi32, #tpu.memory_space<hbm>>) dst(%arg10 : memref<1x128xi32, #tpu.memory_space<vmem>>)
        %add3A_209 = arith.constant 1 : i32
        %add3A_210 = arith.addi %add3A_81, %add3A_209 : i32
        %dma_start3A_211 = arith.constant 0 : i32
        %dma_start3A_212 = arith.constant 0 : i32
        %dma_start3A_213 = tpu.memref_slice %arg8[%dma_start3A_211, %dma_start3A_212] : memref<1x128xi32, #tpu.memory_space<vmem>> -> memref<1x128xi32, #tpu.memory_space<vmem>>
        %dma_start3A_214 = tpu.memref_squeeze %dma_start3A_213 : memref<1x128xi32, #tpu.memory_space<vmem>> -> memref<128xi32, #tpu.memory_space<vmem>>
        %dma_start3A_215 = arith.constant 0 : i32
        %dma_start3A_216 = arith.constant 0 : i32
        %dma_start3A_217 = tpu.memref_slice %arg2[%dma_start3A_215, %dma_start3A_216] : memref<10000x128xf32, #tpu.memory_space<hbm>> -> memref<10000x128xf32, #tpu.memory_space<hbm>>
        tpu.enqueue_indirect_dma source(%dma_start3A_217 : memref<10000x128xf32, #tpu.memory_space<hbm>>) target(%arg12 : memref<128x128xf32, #tpu.memory_space<vmem>>) offsets(%dma_start3A_214 : memref<128xi32, #tpu.memory_space<vmem>>) semaphore(%arg16 : memref<!tpu.dma_semaphore, #tpu.memory_space<semaphore_mem>>)
        %dma_start3A_218 = arith.constant 0 : i32
        %dma_start3A_219 = arith.constant 0 : i32
        %dma_start3A_220 = tpu.memref_slice %arg10[%dma_start3A_218, %dma_start3A_219] : memref<1x128xi32, #tpu.memory_space<vmem>> -> memref<1x128xi32, #tpu.memory_space<vmem>>
        %dma_start3A_221 = tpu.memref_squeeze %dma_start3A_220 : memref<1x128xi32, #tpu.memory_space<vmem>> -> memref<128xi32, #tpu.memory_space<vmem>>
        %dma_start3A_222 = arith.constant 0 : i32
        %dma_start3A_223 = arith.constant 0 : i32
        %dma_start3A_224 = tpu.memref_slice %arg3[%dma_start3A_222, %dma_start3A_223] : memref<10000x128xf32, #tpu.memory_space<hbm>> -> memref<10000x128xf32, #tpu.memory_space<hbm>>
        tpu.enqueue_indirect_dma source(%dma_start3A_224 : memref<10000x128xf32, #tpu.memory_space<hbm>>) target(%arg14 : memref<128x128xf32, #tpu.memory_space<vmem>>) offsets(%dma_start3A_221 : memref<128xi32, #tpu.memory_space<vmem>>) semaphore(%arg18 : memref<!tpu.dma_semaphore, #tpu.memory_space<semaphore_mem>>)
      } else {
      }
      %add3A_100 = arith.constant 2 : i32
      %add3A_101 = arith.addi %add3A_81, %add3A_100 : i32
      %lt3A_102 = arith.constant 40 : i32
      %lt3A_103 = arith.cmpi slt, %add3A_101, %lt3A_102 : i32
      %convert_element_type3A_104 = arith.extui %lt3A_103 : i1 to i32
      %cond3A_105 = arith.constant 0 : i32
      %cond3A_106 = arith.cmpi ne, %convert_element_type3A_104, %cond3A_105 : i32
      scf.if %cond3A_106 {
        %add3A_173 = arith.constant 2 : i32
        %add3A_174 = arith.addi %add3A_81, %add3A_173 : i32
        %mul3A_175 = arith.constant 32 : i32
        %mul3A_176 = arith.muli %mul3A_175, %add3A_174 : i32
        %add3A_177 = arith.addi %add3A, %mul3A_176 : i32
        %min3A_178 = arith.constant 1249 : i32
        %min3A_179 = arith.minsi %add3A_177, %min3A_178 : i32
        %add3A_180 = arith.constant 0 : i32
        %add3A_181 = arith.addi %add3A_180, %min3A_179 : i32
        %dma_start3A_182 = arith.constant 0 : i32
        %dma_start3A_183 = arith.constant 0 : i32
        %dma_start3A_184 = tpu.memref_slice %arg4[%add3A_181, %dma_start3A_182, %dma_start3A_183] : memref<2500x1x128xi32, #tpu.memory_space<hbm>> -> memref<1x1x128xi32, #tpu.memory_space<hbm>>
        %dma_start3A_185 = tpu.memref_squeeze %dma_start3A_184 : memref<1x1x128xi32, #tpu.memory_space<hbm>> -> memref<1x128xi32, #tpu.memory_space<hbm>>
        %dma_start3A_186 = arith.constant 0 : i32
        %dma_start3A_187 = arith.constant 0 : i32
        %dma_start3A_188 = tpu.memref_slice %arg4[%add3A_181, %dma_start3A_186, %dma_start3A_187] : memref<2500x1x128xi32, #tpu.memory_space<hbm>> -> memref<1x1x128xi32, #tpu.memory_space<hbm>>
        %dma_start3A_189 = tpu.memref_squeeze %dma_start3A_188 : memref<1x1x128xi32, #tpu.memory_space<hbm>> -> memref<1x128xi32, #tpu.memory_space<hbm>>
        tpu.enqueue_dma source(%dma_start3A_189 : memref<1x128xi32, #tpu.memory_space<hbm>>) target(%arg7 : memref<1x128xi32, #tpu.memory_space<vmem>>) target_semaphore(%arg21 : memref<!tpu.dma_semaphore, #tpu.memory_space<semaphore_mem>>)
        %mul3A_190 = arith.constant 32 : i32
        %mul3A_191 = arith.muli %mul3A_190, %add3A_174 : i32
        %add3A_192 = arith.addi %add3A, %mul3A_191 : i32
        %min3A_193 = arith.constant 1249 : i32
        %min3A_194 = arith.minsi %add3A_192, %min3A_193 : i32
        %add3A_195 = arith.constant 0 : i32
        %add3A_196 = arith.addi %add3A_195, %min3A_194 : i32
        %dma_start3A_197 = arith.constant 0 : i32
        %dma_start3A_198 = arith.constant 0 : i32
        %dma_start3A_199 = tpu.memref_slice %arg5[%add3A_196, %dma_start3A_197, %dma_start3A_198] : memref<2500x1x128xi32, #tpu.memory_space<hbm>> -> memref<1x1x128xi32, #tpu.memory_space<hbm>>
        %dma_start3A_200 = tpu.memref_squeeze %dma_start3A_199 : memref<1x1x128xi32, #tpu.memory_space<hbm>> -> memref<1x128xi32, #tpu.memory_space<hbm>>
        %dma_start3A_201 = arith.constant 0 : i32
        %dma_start3A_202 = arith.constant 0 : i32
        %dma_start3A_203 = tpu.memref_slice %arg5[%add3A_196, %dma_start3A_201, %dma_start3A_202] : memref<2500x1x128xi32, #tpu.memory_space<hbm>> -> memref<1x1x128xi32, #tpu.memory_space<hbm>>
        %dma_start3A_204 = tpu.memref_squeeze %dma_start3A_203 : memref<1x1x128xi32, #tpu.memory_space<hbm>> -> memref<1x128xi32, #tpu.memory_space<hbm>>
        tpu.enqueue_dma source(%dma_start3A_204 : memref<1x128xi32, #tpu.memory_space<hbm>>) target(%arg9 : memref<1x128xi32, #tpu.memory_space<vmem>>) target_semaphore(%arg23 : memref<!tpu.dma_semaphore, #tpu.memory_space<semaphore_mem>>)
      } else {
      }
      %scan3A_107 = arith.constant 0 : i32
      %scan3A_108 = arith.constant 0 : i32
      %scan3A_109 = arith.constant 128 : i32
      %scan3A_110 = arith.addi %scan3A_108, %scan3A_109 : i32
      %scan3A_111 = arith.constant 1 : i32
      scf.for %scan3A_173 = %scan3A_108 to %scan3A_110 step %scan3A_111  : i32 {
        %get3A = arith.index_cast %scan3A_173 : i32 to index
        %get3A_174 = arith.constant 0 : index
        %get3A_175 = tpu.vector_load %arg13[%get3A, %get3A_174] {strides = array<i32>} : memref<128x128xf32, #tpu.memory_space<vmem>>, vector<1x16xf32>,
        %get3A_176 = vector.shape_cast %get3A_175 : vector<1x16xf32> to vector<16xf32>
        %swap3A = arith.index_cast %scan3A_173 : i32 to index
        %swap3A_177 = arith.constant 0 : index
        %swap3A_178 = tpu.vector_load %arg11[%swap3A, %swap3A_177] {strides = array<i32>} : memref<128x128xf32, #tpu.memory_space<vmem>>, vector<1x16xf32>,
        %swap3A_179 = vector.shape_cast %swap3A_178 : vector<1x16xf32> to vector<16xf32>
        %swap3A_180 = vector.shape_cast %get3A_176 : vector<16xf32> to vector<1x16xf32>
        tpu.vector_store %arg11[%swap3A, %swap3A_177], %swap3A_180 {add = true, strides = array<i32>} : memref<128x128xf32, #tpu.memory_space<vmem>>, vector<1x16xf32>,
        %get3A_181 = arith.index_cast %scan3A_173 : i32 to index
        %get3A_182 = arith.constant 16 : index
        %get3A_183 = tpu.vector_load %arg13[%get3A_181, %get3A_182] {strides = array<i32>} : memref<128x128xf32, #tpu.memory_space<vmem>>, vector<1x16xf32>,
        %get3A_184 = vector.shape_cast %get3A_183 : vector<1x16xf32> to vector<16xf32>
        %swap3A_185 = arith.index_cast %scan3A_173 : i32 to index
        %swap3A_186 = arith.constant 16 : index
        %swap3A_187 = tpu.vector_load %arg11[%swap3A_185, %swap3A_186] {strides = array<i32>} : memref<128x128xf32, #tpu.memory_space<vmem>>, vector<1x16xf32>,
        %swap3A_188 = vector.shape_cast %swap3A_187 : vector<1x16xf32> to vector<16xf32>
        %swap3A_189 = vector.shape_cast %get3A_184 : vector<16xf32> to vector<1x16xf32>
        tpu.vector_store %arg11[%swap3A_185, %swap3A_186], %swap3A_189 {add = true, strides = array<i32>} : memref<128x128xf32, #tpu.memory_space<vmem>>, vector<1x16xf32>,
        %get3A_190 = arith.index_cast %scan3A_173 : i32 to index
        %get3A_191 = arith.constant 32 : index
        %get3A_192 = tpu.vector_load %arg13[%get3A_190, %get3A_191] {strides = array<i32>} : memref<128x128xf32, #tpu.memory_space<vmem>>, vector<1x16xf32>,
        %get3A_193 = vector.shape_cast %get3A_192 : vector<1x16xf32> to vector<16xf32>
        %swap3A_194 = arith.index_cast %scan3A_173 : i32 to index
        %swap3A_195 = arith.constant 32 : index
        %swap3A_196 = tpu.vector_load %arg11[%swap3A_194, %swap3A_195] {strides = array<i32>} : memref<128x128xf32, #tpu.memory_space<vmem>>, vector<1x16xf32>,
        %swap3A_197 = vector.shape_cast %swap3A_196 : vector<1x16xf32> to vector<16xf32>
        %swap3A_198 = vector.shape_cast %get3A_193 : vector<16xf32> to vector<1x16xf32>
        tpu.vector_store %arg11[%swap3A_194, %swap3A_195], %swap3A_198 {add = true, strides = array<i32>} : memref<128x128xf32, #tpu.memory_space<vmem>>, vector<1x16xf32>,
        %get3A_199 = arith.index_cast %scan3A_173 : i32 to index
        %get3A_200 = arith.constant 48 : index
        %get3A_201 = tpu.vector_load %arg13[%get3A_199, %get3A_200] {strides = array<i32>} : memref<128x128xf32, #tpu.memory_space<vmem>>, vector<1x16xf32>,
        %get3A_202 = vector.shape_cast %get3A_201 : vector<1x16xf32> to vector<16xf32>
        %swap3A_203 = arith.index_cast %scan3A_173 : i32 to index
        %swap3A_204 = arith.constant 48 : index
        %swap3A_205 = tpu.vector_load %arg11[%swap3A_203, %swap3A_204] {strides = array<i32>} : memref<128x128xf32, #tpu.memory_space<vmem>>, vector<1x16xf32>,
        %swap3A_206 = vector.shape_cast %swap3A_205 : vector<1x16xf32> to vector<16xf32>
        %swap3A_207 = vector.shape_cast %get3A_202 : vector<16xf32> to vector<1x16xf32>
        tpu.vector_store %arg11[%swap3A_203, %swap3A_204], %swap3A_207 {add = true, strides = array<i32>} : memref<128x128xf32, #tpu.memory_space<vmem>>, vector<1x16xf32>,
        %get3A_208 = arith.index_cast %scan3A_173 : i32 to index
        %get3A_209 = arith.constant 64 : index
        %get3A_210 = tpu.vector_load %arg13[%get3A_208, %get3A_209] {strides = array<i32>} : memref<128x128xf32, #tpu.memory_space<vmem>>, vector<1x16xf32>,
        %get3A_211 = vector.shape_cast %get3A_210 : vector<1x16xf32> to vector<16xf32>
        %swap3A_212 = arith.index_cast %scan3A_173 : i32 to index
        %swap3A_213 = arith.constant 64 : index
        %swap3A_214 = tpu.vector_load %arg11[%swap3A_212, %swap3A_213] {strides = array<i32>} : memref<128x128xf32, #tpu.memory_space<vmem>>, vector<1x16xf32>,
        %swap3A_215 = vector.shape_cast %swap3A_214 : vector<1x16xf32> to vector<16xf32>
        %swap3A_216 = vector.shape_cast %get3A_211 : vector<16xf32> to vector<1x16xf32>
        tpu.vector_store %arg11[%swap3A_212, %swap3A_213], %swap3A_216 {add = true, strides = array<i32>} : memref<128x128xf32, #tpu.memory_space<vmem>>, vector<1x16xf32>,
        %get3A_217 = arith.index_cast %scan3A_173 : i32 to index
        %get3A_218 = arith.constant 80 : index
        %get3A_219 = tpu.vector_load %arg13[%get3A_217, %get3A_218] {strides = array<i32>} : memref<128x128xf32, #tpu.memory_space<vmem>>, vector<1x16xf32>,
        %get3A_220 = vector.shape_cast %get3A_219 : vector<1x16xf32> to vector<16xf32>
        %swap3A_221 = arith.index_cast %scan3A_173 : i32 to index
        %swap3A_222 = arith.constant 80 : index
        %swap3A_223 = tpu.vector_load %arg11[%swap3A_221, %swap3A_222] {strides = array<i32>} : memref<128x128xf32, #tpu.memory_space<vmem>>, vector<1x16xf32>,
        %swap3A_224 = vector.shape_cast %swap3A_223 : vector<1x16xf32> to vector<16xf32>
        %swap3A_225 = vector.shape_cast %get3A_220 : vector<16xf32> to vector<1x16xf32>
        tpu.vector_store %arg11[%swap3A_221, %swap3A_222], %swap3A_225 {add = true, strides = array<i32>} : memref<128x128xf32, #tpu.memory_space<vmem>>, vector<1x16xf32>,
        %get3A_226 = arith.index_cast %scan3A_173 : i32 to index
        %get3A_227 = arith.constant 96 : index
        %get3A_228 = tpu.vector_load %arg13[%get3A_226, %get3A_227] {strides = array<i32>} : memref<128x128xf32, #tpu.memory_space<vmem>>, vector<1x16xf32>,
        %get3A_229 = vector.shape_cast %get3A_228 : vector<1x16xf32> to vector<16xf32>
        %swap3A_230 = arith.index_cast %scan3A_173 : i32 to index
        %swap3A_231 = arith.constant 96 : index
        %swap3A_232 = tpu.vector_load %arg11[%swap3A_230, %swap3A_231] {strides = array<i32>} : memref<128x128xf32, #tpu.memory_space<vmem>>, vector<1x16xf32>,
        %swap3A_233 = vector.shape_cast %swap3A_232 : vector<1x16xf32> to vector<16xf32>
        %swap3A_234 = vector.shape_cast %get3A_229 : vector<16xf32> to vector<1x16xf32>
        tpu.vector_store %arg11[%swap3A_230, %swap3A_231], %swap3A_234 {add = true, strides = array<i32>} : memref<128x128xf32, #tpu.memory_space<vmem>>, vector<1x16xf32>,
        %get3A_235 = arith.index_cast %scan3A_173 : i32 to index
        %get3A_236 = arith.constant 112 : index
        %get3A_237 = tpu.vector_load %arg13[%get3A_235, %get3A_236] {strides = array<i32>} : memref<128x128xf32, #tpu.memory_space<vmem>>, vector<1x16xf32>,
        %get3A_238 = vector.shape_cast %get3A_237 : vector<1x16xf32> to vector<16xf32>
        %swap3A_239 = arith.index_cast %scan3A_173 : i32 to index
        %swap3A_240 = arith.constant 112 : index
        %swap3A_241 = tpu.vector_load %arg11[%swap3A_239, %swap3A_240] {strides = array<i32>} : memref<128x128xf32, #tpu.memory_space<vmem>>, vector<1x16xf32>,
        %swap3A_242 = vector.shape_cast %swap3A_241 : vector<1x16xf32> to vector<16xf32>
        %swap3A_243 = vector.shape_cast %get3A_238 : vector<16xf32> to vector<1x16xf32>
        tpu.vector_store %arg11[%swap3A_239, %swap3A_240], %swap3A_243 {add = true, strides = array<i32>} : memref<128x128xf32, #tpu.memory_space<vmem>>, vector<1x16xf32>,
      }
      %scan3A_112 = arith.constant 128 : i32
      %mul3A_113 = arith.constant 32 : i32
      %mul3A_114 = arith.muli %mul3A_113, %add3A_81 : i32
      %add3A_115 = arith.addi %add3A, %mul3A_114 : i32
      %min3A_116 = arith.constant 1249 : i32
      %min3A_117 = arith.minsi %add3A_115, %min3A_116 : i32
      %mul3A_118 = arith.constant 128 : i32
      %mul3A_119 = arith.muli %min3A_117, %mul3A_118 : i32
      %dma_start3A_120 = arith.constant 0 : i32
      %dma_start3A_121 = tpu.memref_slice %arg6[%mul3A_119, %dma_start3A_120] : memref<160000x128xf32, #tpu.memory_space<hbm>> -> memref<128x128xf32, #tpu.memory_space<hbm>>
      %dma_start3A_122 = arith.constant 0 : i32
      %dma_start3A_123 = tpu.memref_slice %arg6[%mul3A_119, %dma_start3A_122] : memref<160000x128xf32, #tpu.memory_space<hbm>> -> memref<128x128xf32, #tpu.memory_space<hbm>>
      tpu.enqueue_dma source(%arg11 : memref<128x128xf32, #tpu.memory_space<vmem>>) target(%dma_start3A_123 : memref<128x128xf32, #tpu.memory_space<hbm>>) target_semaphore(%arg19 : memref<!tpu.dma_semaphore, #tpu.memory_space<semaphore_mem>>)
      %mul3A_124 = arith.constant 2 : i32
      %mul3A_125 = arith.muli %mul3A_124, %scan3A_77 : i32
      %add3A_126 = arith.constant 1 : i32
      %add3A_127 = arith.addi %mul3A_125, %add3A_126 : i32
      %dma_wait3A_128 = arith.constant 0 : i32
      %dma_wait3A_129 = arith.constant 0 : i32
      %dma_wait3A_130 = tpu.memref_slice %arg8[%dma_wait3A_128, %dma_wait3A_129] : memref<1x128xi32, #tpu.memory_space<vmem>> -> memref<1x128xi32, #tpu.memory_space<vmem>>
      %dma_wait3A_131 = tpu.memref_squeeze %dma_wait3A_130 : memref<1x128xi32, #tpu.memory_space<vmem>> -> memref<128xi32, #tpu.memory_space<vmem>>
      %dma_wait3A_132 = arith.constant 0 : i32
      %dma_wait3A_133 = arith.constant 0 : i32
      %dma_wait3A_134 = tpu.memref_slice %arg2[%dma_wait3A_132, %dma_wait3A_133] : memref<10000x128xf32, #tpu.memory_space<hbm>> -> memref<10000x128xf32, #tpu.memory_space<hbm>>
      tpu.wait_indirect_dma semaphore(%arg16 : memref<!tpu.dma_semaphore, #tpu.memory_space<semaphore_mem>>) src(%dma_wait3A_134 : memref<10000x128xf32, #tpu.memory_space<hbm>>) dst(%arg12 : memref<128x128xf32, #tpu.memory_space<vmem>>)
      %dma_wait3A_135 = arith.constant 0 : i32
      %dma_wait3A_136 = arith.constant 0 : i32
      %dma_wait3A_137 = tpu.memref_slice %arg10[%dma_wait3A_135, %dma_wait3A_136] : memref<1x128xi32, #tpu.memory_space<vmem>> -> memref<1x128xi32, #tpu.memory_space<vmem>>
      %dma_wait3A_138 = tpu.memref_squeeze %dma_wait3A_137 : memref<1x128xi32, #tpu.memory_space<vmem>> -> memref<128xi32, #tpu.memory_space<vmem>>
      %dma_wait3A_139 = arith.constant 0 : i32
      %dma_wait3A_140 = arith.constant 0 : i32
      %dma_wait3A_141 = tpu.memref_slice %arg3[%dma_wait3A_139, %dma_wait3A_140] : memref<10000x128xf32, #tpu.memory_space<hbm>> -> memref<10000x128xf32, #tpu.memory_space<hbm>>
      tpu.wait_indirect_dma semaphore(%arg18 : memref<!tpu.dma_semaphore, #tpu.memory_space<semaphore_mem>>) src(%dma_wait3A_141 : memref<10000x128xf32, #tpu.memory_space<hbm>>) dst(%arg14 : memref<128x128xf32, #tpu.memory_space<vmem>>)
      %add3A_142 = arith.constant 1 : i32
      %add3A_143 = arith.addi %add3A_127, %add3A_142 : i32
      %lt3A_144 = arith.constant 40 : i32
      %lt3A_145 = arith.cmpi slt, %add3A_143, %lt3A_144 : i32
      %convert_element_type3A_146 = arith.extui %lt3A_145 : i1 to i32
      %cond3A_147 = arith.constant 0 : i32
      %cond3A_148 = arith.cmpi ne, %convert_element_type3A_146, %cond3A_147 : i32
      scf.if %cond3A_148 {
        %ge3A = arith.constant 1 : i32
        %ge3A_173 = arith.cmpi sge, %add3A_127, %ge3A : i32
        %convert_element_type3A_174 = arith.extui %ge3A_173 : i1 to i32
        %cond3A_175 = arith.constant 0 : i32
        %cond3A_176 = arith.cmpi ne, %convert_element_type3A_174, %cond3A_175 : i32
        scf.if %cond3A_176 {
          %sub3A = arith.constant 1 : i32
          %sub3A_225 = arith.subi %add3A_127, %sub3A : i32
          %mul3A_226 = arith.constant 32 : i32
          %mul3A_227 = arith.muli %mul3A_226, %sub3A_225 : i32
          %add3A_228 = arith.addi %add3A, %mul3A_227 : i32
          %min3A_229 = arith.constant 1249 : i32
          %min3A_230 = arith.minsi %add3A_228, %min3A_229 : i32
          %mul3A_231 = arith.constant 128 : i32
          %mul3A_232 = arith.muli %min3A_230, %mul3A_231 : i32
          %dma_wait3A_233 = arith.constant 0 : i32
          %dma_wait3A_234 = tpu.memref_slice %arg6[%mul3A_232, %dma_wait3A_233] : memref<160000x128xf32, #tpu.memory_space<hbm>> -> memref<128x128xf32, #tpu.memory_space<hbm>>
          %dma_wait3A_235 = arith.constant 0 : i32
          %dma_wait3A_236 = tpu.memref_slice %arg6[%mul3A_232, %dma_wait3A_235] : memref<160000x128xf32, #tpu.memory_space<hbm>> -> memref<128x128xf32, #tpu.memory_space<hbm>>
          tpu.wait_dma2 semaphore(%arg19 : memref<!tpu.dma_semaphore, #tpu.memory_space<semaphore_mem>>) src(%arg11 : memref<128x128xf32, #tpu.memory_space<vmem>>) dst(%dma_wait3A_236 : memref<128x128xf32, #tpu.memory_space<hbm>>)
        } else {
        }
        %add3A_177 = arith.constant 1 : i32
        %add3A_178 = arith.addi %add3A_127, %add3A_177 : i32
        %mul3A_179 = arith.constant 32 : i32
        %mul3A_180 = arith.muli %mul3A_179, %add3A_178 : i32
        %add3A_181 = arith.addi %add3A, %mul3A_180 : i32
        %min3A_182 = arith.constant 1249 : i32
        %min3A_183 = arith.minsi %add3A_181, %min3A_182 : i32
        %add3A_184 = arith.constant 0 : i32
        %add3A_185 = arith.addi %add3A_184, %min3A_183 : i32
        %dma_wait3A_186 = arith.constant 0 : i32
        %dma_wait3A_187 = arith.constant 0 : i32
        %dma_wait3A_188 = tpu.memref_slice %arg4[%add3A_185, %dma_wait3A_186, %dma_wait3A_187] : memref<2500x1x128xi32, #tpu.memory_space<hbm>> -> memref<1x1x128xi32, #tpu.memory_space<hbm>>
        %dma_wait3A_189 = tpu.memref_squeeze %dma_wait3A_188 : memref<1x1x128xi32, #tpu.memory_space<hbm>> -> memref<1x128xi32, #tpu.memory_space<hbm>>
        %dma_wait3A_190 = arith.constant 0 : i32
        %dma_wait3A_191 = arith.constant 0 : i32
        %dma_wait3A_192 = tpu.memref_slice %arg4[%add3A_185, %dma_wait3A_190, %dma_wait3A_191] : memref<2500x1x128xi32, #tpu.memory_space<hbm>> -> memref<1x1x128xi32, #tpu.memory_space<hbm>>
        %dma_wait3A_193 = tpu.memref_squeeze %dma_wait3A_192 : memref<1x1x128xi32, #tpu.memory_space<hbm>> -> memref<1x128xi32, #tpu.memory_space<hbm>>
        tpu.wait_dma2 semaphore(%arg21 : memref<!tpu.dma_semaphore, #tpu.memory_space<semaphore_mem>>) src(%dma_wait3A_193 : memref<1x128xi32, #tpu.memory_space<hbm>>) dst(%arg7 : memref<1x128xi32, #tpu.memory_space<vmem>>)
        %mul3A_194 = arith.constant 32 : i32
        %mul3A_195 = arith.muli %mul3A_194, %add3A_178 : i32
        %add3A_196 = arith.addi %add3A, %mul3A_195 : i32
        %min3A_197 = arith.constant 1249 : i32
        %min3A_198 = arith.minsi %add3A_196, %min3A_197 : i32
        %add3A_199 = arith.constant 0 : i32
        %add3A_200 = arith.addi %add3A_199, %min3A_198 : i32
        %dma_wait3A_201 = arith.constant 0 : i32
        %dma_wait3A_202 = arith.constant 0 : i32
        %dma_wait3A_203 = tpu.memref_slice %arg5[%add3A_200, %dma_wait3A_201, %dma_wait3A_202] : memref<2500x1x128xi32, #tpu.memory_space<hbm>> -> memref<1x1x128xi32, #tpu.memory_space<hbm>>
        %dma_wait3A_204 = tpu.memref_squeeze %dma_wait3A_203 : memref<1x1x128xi32, #tpu.memory_space<hbm>> -> memref<1x128xi32, #tpu.memory_space<hbm>>
        %dma_wait3A_205 = arith.constant 0 : i32
        %dma_wait3A_206 = arith.constant 0 : i32
        %dma_wait3A_207 = tpu.memref_slice %arg5[%add3A_200, %dma_wait3A_205, %dma_wait3A_206] : memref<2500x1x128xi32, #tpu.memory_space<hbm>> -> memref<1x1x128xi32, #tpu.memory_space<hbm>>
        %dma_wait3A_208 = tpu.memref_squeeze %dma_wait3A_207 : memref<1x1x128xi32, #tpu.memory_space<hbm>> -> memref<1x128xi32, #tpu.memory_space<hbm>>
        tpu.wait_dma2 semaphore(%arg23 : memref<!tpu.dma_semaphore, #tpu.memory_space<semaphore_mem>>) src(%dma_wait3A_208 : memref<1x128xi32, #tpu.memory_space<hbm>>) dst(%arg9 : memref<1x128xi32, #tpu.memory_space<vmem>>)
        %add3A_209 = arith.constant 1 : i32
        %add3A_210 = arith.addi %add3A_127, %add3A_209 : i32
        %dma_start3A_211 = arith.constant 0 : i32
        %dma_start3A_212 = arith.constant 0 : i32
        %dma_start3A_213 = tpu.memref_slice %arg7[%dma_start3A_211, %dma_start3A_212] : memref<1x128xi32, #tpu.memory_space<vmem>> -> memref<1x128xi32, #tpu.memory_space<vmem>>
        %dma_start3A_214 = tpu.memref_squeeze %dma_start3A_213 : memref<1x128xi32, #tpu.memory_space<vmem>> -> memref<128xi32, #tpu.memory_space<vmem>>
        %dma_start3A_215 = arith.constant 0 : i32
        %dma_start3A_216 = arith.constant 0 : i32
        %dma_start3A_217 = tpu.memref_slice %arg2[%dma_start3A_215, %dma_start3A_216] : memref<10000x128xf32, #tpu.memory_space<hbm>> -> memref<10000x128xf32, #tpu.memory_space<hbm>>
        tpu.enqueue_indirect_dma source(%dma_start3A_217 : memref<10000x128xf32, #tpu.memory_space<hbm>>) target(%arg11 : memref<128x128xf32, #tpu.memory_space<vmem>>) offsets(%dma_start3A_214 : memref<128xi32, #tpu.memory_space<vmem>>) semaphore(%arg15 : memref<!tpu.dma_semaphore, #tpu.memory_space<semaphore_mem>>)
        %dma_start3A_218 = arith.constant 0 : i32
        %dma_start3A_219 = arith.constant 0 : i32
        %dma_start3A_220 = tpu.memref_slice %arg9[%dma_start3A_218, %dma_start3A_219] : memref<1x128xi32, #tpu.memory_space<vmem>> -> memref<1x128xi32, #tpu.memory_space<vmem>>
        %dma_start3A_221 = tpu.memref_squeeze %dma_start3A_220 : memref<1x128xi32, #tpu.memory_space<vmem>> -> memref<128xi32, #tpu.memory_space<vmem>>
        %dma_start3A_222 = arith.constant 0 : i32
        %dma_start3A_223 = arith.constant 0 : i32
        %dma_start3A_224 = tpu.memref_slice %arg3[%dma_start3A_222, %dma_start3A_223] : memref<10000x128xf32, #tpu.memory_space<hbm>> -> memref<10000x128xf32, #tpu.memory_space<hbm>>
        tpu.enqueue_indirect_dma source(%dma_start3A_224 : memref<10000x128xf32, #tpu.memory_space<hbm>>) target(%arg13 : memref<128x128xf32, #tpu.memory_space<vmem>>) offsets(%dma_start3A_221 : memref<128xi32, #tpu.memory_space<vmem>>) semaphore(%arg17 : memref<!tpu.dma_semaphore, #tpu.memory_space<semaphore_mem>>)
      } else {
      }
      %add3A_149 = arith.constant 2 : i32
      %add3A_150 = arith.addi %add3A_127, %add3A_149 : i32
      %lt3A_151 = arith.constant 40 : i32
      %lt3A_152 = arith.cmpi slt, %add3A_150, %lt3A_151 : i32
      %convert_element_type3A_153 = arith.extui %lt3A_152 : i1 to i32
      %cond3A_154 = arith.constant 0 : i32
      %cond3A_155 = arith.cmpi ne, %convert_element_type3A_153, %cond3A_154 : i32
      scf.if %cond3A_155 {
        %add3A_173 = arith.constant 2 : i32
        %add3A_174 = arith.addi %add3A_127, %add3A_173 : i32
        %mul3A_175 = arith.constant 32 : i32
        %mul3A_176 = arith.muli %mul3A_175, %add3A_174 : i32
        %add3A_177 = arith.addi %add3A, %mul3A_176 : i32
        %min3A_178 = arith.constant 1249 : i32
        %min3A_179 = arith.minsi %add3A_177, %min3A_178 : i32
        %add3A_180 = arith.constant 0 : i32
        %add3A_181 = arith.addi %add3A_180, %min3A_179 : i32
        %dma_start3A_182 = arith.constant 0 : i32
        %dma_start3A_183 = arith.constant 0 : i32
        %dma_start3A_184 = tpu.memref_slice %arg4[%add3A_181, %dma_start3A_182, %dma_start3A_183] : memref<2500x1x128xi32, #tpu.memory_space<hbm>> -> memref<1x1x128xi32, #tpu.memory_space<hbm>>
        %dma_start3A_185 = tpu.memref_squeeze %dma_start3A_184 : memref<1x1x128xi32, #tpu.memory_space<hbm>> -> memref<1x128xi32, #tpu.memory_space<hbm>>
        %dma_start3A_186 = arith.constant 0 : i32
        %dma_start3A_187 = arith.constant 0 : i32
        %dma_start3A_188 = tpu.memref_slice %arg4[%add3A_181, %dma_start3A_186, %dma_start3A_187] : memref<2500x1x128xi32, #tpu.memory_space<hbm>> -> memref<1x1x128xi32, #tpu.memory_space<hbm>>
        %dma_start3A_189 = tpu.memref_squeeze %dma_start3A_188 : memref<1x1x128xi32, #tpu.memory_space<hbm>> -> memref<1x128xi32, #tpu.memory_space<hbm>>
        tpu.enqueue_dma source(%dma_start3A_189 : memref<1x128xi32, #tpu.memory_space<hbm>>) target(%arg8 : memref<1x128xi32, #tpu.memory_space<vmem>>) target_semaphore(%arg22 : memref<!tpu.dma_semaphore, #tpu.memory_space<semaphore_mem>>)
        %mul3A_190 = arith.constant 32 : i32
        %mul3A_191 = arith.muli %mul3A_190, %add3A_174 : i32
        %add3A_192 = arith.addi %add3A, %mul3A_191 : i32
        %min3A_193 = arith.constant 1249 : i32
        %min3A_194 = arith.minsi %add3A_192, %min3A_193 : i32
        %add3A_195 = arith.constant 0 : i32
        %add3A_196 = arith.addi %add3A_195, %min3A_194 : i32
        %dma_start3A_197 = arith.constant 0 : i32
        %dma_start3A_198 = arith.constant 0 : i32
        %dma_start3A_199 = tpu.memref_slice %arg5[%add3A_196, %dma_start3A_197, %dma_start3A_198] : memref<2500x1x128xi32, #tpu.memory_space<hbm>> -> memref<1x1x128xi32, #tpu.memory_space<hbm>>
        %dma_start3A_200 = tpu.memref_squeeze %dma_start3A_199 : memref<1x1x128xi32, #tpu.memory_space<hbm>> -> memref<1x128xi32, #tpu.memory_space<hbm>>
        %dma_start3A_201 = arith.constant 0 : i32
        %dma_start3A_202 = arith.constant 0 : i32
        %dma_start3A_203 = tpu.memref_slice %arg5[%add3A_196, %dma_start3A_201, %dma_start3A_202] : memref<2500x1x128xi32, #tpu.memory_space<hbm>> -> memref<1x1x128xi32, #tpu.memory_space<hbm>>
        %dma_start3A_204 = tpu.memref_squeeze %dma_start3A_203 : memref<1x1x128xi32, #tpu.memory_space<hbm>> -> memref<1x128xi32, #tpu.memory_space<hbm>>
        tpu.enqueue_dma source(%dma_start3A_204 : memref<1x128xi32, #tpu.memory_space<hbm>>) target(%arg10 : memref<1x128xi32, #tpu.memory_space<vmem>>) target_semaphore(%arg24 : memref<!tpu.dma_semaphore, #tpu.memory_space<semaphore_mem>>)
      } else {
      }
      %scan3A_156 = arith.constant 0 : i32
      %scan3A_157 = arith.constant 0 : i32
      %scan3A_158 = arith.constant 128 : i32
      %scan3A_159 = arith.addi %scan3A_157, %scan3A_158 : i32
      %scan3A_160 = arith.constant 1 : i32
      scf.for %scan3A_173 = %scan3A_157 to %scan3A_159 step %scan3A_160  : i32 {
        %get3A = arith.index_cast %scan3A_173 : i32 to index
        %get3A_174 = arith.constant 0 : index
        %get3A_175 = tpu.vector_load %arg14[%get3A, %get3A_174] {strides = array<i32>} : memref<128x128xf32, #tpu.memory_space<vmem>>, vector<1x16xf32>,
        %get3A_176 = vector.shape_cast %get3A_175 : vector<1x16xf32> to vector<16xf32>
        %swap3A = arith.index_cast %scan3A_173 : i32 to index
        %swap3A_177 = arith.constant 0 : index
        %swap3A_178 = tpu.vector_load %arg12[%swap3A, %swap3A_177] {strides = array<i32>} : memref<128x128xf32, #tpu.memory_space<vmem>>, vector<1x16xf32>,
        %swap3A_179 = vector.shape_cast %swap3A_178 : vector<1x16xf32> to vector<16xf32>
        %swap3A_180 = vector.shape_cast %get3A_176 : vector<16xf32> to vector<1x16xf32>
        tpu.vector_store %arg12[%swap3A, %swap3A_177], %swap3A_180 {add = true, strides = array<i32>} : memref<128x128xf32, #tpu.memory_space<vmem>>, vector<1x16xf32>,
        %get3A_181 = arith.index_cast %scan3A_173 : i32 to index
        %get3A_182 = arith.constant 16 : index
        %get3A_183 = tpu.vector_load %arg14[%get3A_181, %get3A_182] {strides = array<i32>} : memref<128x128xf32, #tpu.memory_space<vmem>>, vector<1x16xf32>,
        %get3A_184 = vector.shape_cast %get3A_183 : vector<1x16xf32> to vector<16xf32>
        %swap3A_185 = arith.index_cast %scan3A_173 : i32 to index
        %swap3A_186 = arith.constant 16 : index
        %swap3A_187 = tpu.vector_load %arg12[%swap3A_185, %swap3A_186] {strides = array<i32>} : memref<128x128xf32, #tpu.memory_space<vmem>>, vector<1x16xf32>,
        %swap3A_188 = vector.shape_cast %swap3A_187 : vector<1x16xf32> to vector<16xf32>
        %swap3A_189 = vector.shape_cast %get3A_184 : vector<16xf32> to vector<1x16xf32>
        tpu.vector_store %arg12[%swap3A_185, %swap3A_186], %swap3A_189 {add = true, strides = array<i32>} : memref<128x128xf32, #tpu.memory_space<vmem>>, vector<1x16xf32>,
        %get3A_190 = arith.index_cast %scan3A_173 : i32 to index
        %get3A_191 = arith.constant 32 : index
        %get3A_192 = tpu.vector_load %arg14[%get3A_190, %get3A_191] {strides = array<i32>} : memref<128x128xf32, #tpu.memory_space<vmem>>, vector<1x16xf32>,
        %get3A_193 = vector.shape_cast %get3A_192 : vector<1x16xf32> to vector<16xf32>
        %swap3A_194 = arith.index_cast %scan3A_173 : i32 to index
        %swap3A_195 = arith.constant 32 : index
        %swap3A_196 = tpu.vector_load %arg12[%swap3A_194, %swap3A_195] {strides = array<i32>} : memref<128x128xf32, #tpu.memory_space<vmem>>, vector<1x16xf32>,
        %swap3A_197 = vector.shape_cast %swap3A_196 : vector<1x16xf32> to vector<16xf32>
        %swap3A_198 = vector.shape_cast %get3A_193 : vector<16xf32> to vector<1x16xf32>
        tpu.vector_store %arg12[%swap3A_194, %swap3A_195], %swap3A_198 {add = true, strides = array<i32>} : memref<128x128xf32, #tpu.memory_space<vmem>>, vector<1x16xf32>,
        %get3A_199 = arith.index_cast %scan3A_173 : i32 to index
        %get3A_200 = arith.constant 48 : index
        %get3A_201 = tpu.vector_load %arg14[%get3A_199, %get3A_200] {strides = array<i32>} : memref<128x128xf32, #tpu.memory_space<vmem>>, vector<1x16xf32>,
        %get3A_202 = vector.shape_cast %get3A_201 : vector<1x16xf32> to vector<16xf32>
        %swap3A_203 = arith.index_cast %scan3A_173 : i32 to index
        %swap3A_204 = arith.constant 48 : index
        %swap3A_205 = tpu.vector_load %arg12[%swap3A_203, %swap3A_204] {strides = array<i32>} : memref<128x128xf32, #tpu.memory_space<vmem>>, vector<1x16xf32>,
        %swap3A_206 = vector.shape_cast %swap3A_205 : vector<1x16xf32> to vector<16xf32>
        %swap3A_207 = vector.shape_cast %get3A_202 : vector<16xf32> to vector<1x16xf32>
        tpu.vector_store %arg12[%swap3A_203, %swap3A_204], %swap3A_207 {add = true, strides = array<i32>} : memref<128x128xf32, #tpu.memory_space<vmem>>, vector<1x16xf32>,
        %get3A_208 = arith.index_cast %scan3A_173 : i32 to index
        %get3A_209 = arith.constant 64 : index
        %get3A_210 = tpu.vector_load %arg14[%get3A_208, %get3A_209] {strides = array<i32>} : memref<128x128xf32, #tpu.memory_space<vmem>>, vector<1x16xf32>,
        %get3A_211 = vector.shape_cast %get3A_210 : vector<1x16xf32> to vector<16xf32>
        %swap3A_212 = arith.index_cast %scan3A_173 : i32 to index
        %swap3A_213 = arith.constant 64 : index
        %swap3A_214 = tpu.vector_load %arg12[%swap3A_212, %swap3A_213] {strides = array<i32>} : memref<128x128xf32, #tpu.memory_space<vmem>>, vector<1x16xf32>,
        %swap3A_215 = vector.shape_cast %swap3A_214 : vector<1x16xf32> to vector<16xf32>
        %swap3A_216 = vector.shape_cast %get3A_211 : vector<16xf32> to vector<1x16xf32>
        tpu.vector_store %arg12[%swap3A_212, %swap3A_213], %swap3A_216 {add = true, strides = array<i32>} : memref<128x128xf32, #tpu.memory_space<vmem>>, vector<1x16xf32>,
        %get3A_217 = arith.index_cast %scan3A_173 : i32 to index
        %get3A_218 = arith.constant 80 : index
        %get3A_219 = tpu.vector_load %arg14[%get3A_217, %get3A_218] {strides = array<i32>} : memref<128x128xf32, #tpu.memory_space<vmem>>, vector<1x16xf32>,
        %get3A_220 = vector.shape_cast %get3A_219 : vector<1x16xf32> to vector<16xf32>
        %swap3A_221 = arith.index_cast %scan3A_173 : i32 to index
        %swap3A_222 = arith.constant 80 : index
        %swap3A_223 = tpu.vector_load %arg12[%swap3A_221, %swap3A_222] {strides = array<i32>} : memref<128x128xf32, #tpu.memory_space<vmem>>, vector<1x16xf32>,
        %swap3A_224 = vector.shape_cast %swap3A_223 : vector<1x16xf32> to vector<16xf32>
        %swap3A_225 = vector.shape_cast %get3A_220 : vector<16xf32> to vector<1x16xf32>
        tpu.vector_store %arg12[%swap3A_221, %swap3A_222], %swap3A_225 {add = true, strides = array<i32>} : memref<128x128xf32, #tpu.memory_space<vmem>>, vector<1x16xf32>,
        %get3A_226 = arith.index_cast %scan3A_173 : i32 to index
        %get3A_227 = arith.constant 96 : index
        %get3A_228 = tpu.vector_load %arg14[%get3A_226, %get3A_227] {strides = array<i32>} : memref<128x128xf32, #tpu.memory_space<vmem>>, vector<1x16xf32>,
        %get3A_229 = vector.shape_cast %get3A_228 : vector<1x16xf32> to vector<16xf32>
        %swap3A_230 = arith.index_cast %scan3A_173 : i32 to index
        %swap3A_231 = arith.constant 96 : index
        %swap3A_232 = tpu.vector_load %arg12[%swap3A_230, %swap3A_231] {strides = array<i32>} : memref<128x128xf32, #tpu.memory_space<vmem>>, vector<1x16xf32>,
        %swap3A_233 = vector.shape_cast %swap3A_232 : vector<1x16xf32> to vector<16xf32>
        %swap3A_234 = vector.shape_cast %get3A_229 : vector<16xf32> to vector<1x16xf32>
        tpu.vector_store %arg12[%swap3A_230, %swap3A_231], %swap3A_234 {add = true, strides = array<i32>} : memref<128x128xf32, #tpu.memory_space<vmem>>, vector<1x16xf32>,
        %get3A_235 = arith.index_cast %scan3A_173 : i32 to index
        %get3A_236 = arith.constant 112 : index
        %get3A_237 = tpu.vector_load %arg14[%get3A_235, %get3A_236] {strides = array<i32>} : memref<128x128xf32, #tpu.memory_space<vmem>>, vector<1x16xf32>,
        %get3A_238 = vector.shape_cast %get3A_237 : vector<1x16xf32> to vector<16xf32>
        %swap3A_239 = arith.index_cast %scan3A_173 : i32 to index
        %swap3A_240 = arith.constant 112 : index
        %swap3A_241 = tpu.vector_load %arg12[%swap3A_239, %swap3A_240] {strides = array<i32>} : memref<128x128xf32, #tpu.memory_space<vmem>>, vector<1x16xf32>,
        %swap3A_242 = vector.shape_cast %swap3A_241 : vector<1x16xf32> to vector<16xf32>
        %swap3A_243 = vector.shape_cast %get3A_238 : vector<16xf32> to vector<1x16xf32>
        tpu.vector_store %arg12[%swap3A_239, %swap3A_240], %swap3A_243 {add = true, strides = array<i32>} : memref<128x128xf32, #tpu.memory_space<vmem>>, vector<1x16xf32>,
      }
      %scan3A_161 = arith.constant 128 : i32
      %mul3A_162 = arith.constant 32 : i32
      %mul3A_163 = arith.muli %mul3A_162, %add3A_127 : i32
      %add3A_164 = arith.addi %add3A, %mul3A_163 : i32
      %min3A_165 = arith.constant 1249 : i32
      %min3A_166 = arith.minsi %add3A_164, %min3A_165 : i32
      %mul3A_167 = arith.constant 128 : i32
      %mul3A_168 = arith.muli %min3A_166, %mul3A_167 : i32
      %dma_start3A_169 = arith.constant 0 : i32
      %dma_start3A_170 = tpu.memref_slice %arg6[%mul3A_168, %dma_start3A_169] : memref<160000x128xf32, #tpu.memory_space<hbm>> -> memref<128x128xf32, #tpu.memory_space<hbm>>
      %dma_start3A_171 = arith.constant 0 : i32
      %dma_start3A_172 = tpu.memref_slice %arg6[%mul3A_168, %dma_start3A_171] : memref<160000x128xf32, #tpu.memory_space<hbm>> -> memref<128x128xf32, #tpu.memory_space<hbm>>
      tpu.enqueue_dma source(%arg12 : memref<128x128xf32, #tpu.memory_space<vmem>>) target(%dma_start3A_172 : memref<128x128xf32, #tpu.memory_space<hbm>>) target_semaphore(%arg20 : memref<!tpu.dma_semaphore, #tpu.memory_space<semaphore_mem>>)
    }
    %scan3A_57 = arith.constant 20 : i32
    %add3A_58 = arith.constant 1216 : i32
    %add3A_59 = arith.addi %add3A, %add3A_58 : i32
    %min3A_60 = arith.constant 1249 : i32
    %min3A_61 = arith.minsi %add3A_59, %min3A_60 : i32
    %mul3A_62 = arith.constant 128 : i32
    %mul3A_63 = arith.muli %min3A_61, %mul3A_62 : i32
    %dma_wait3A = arith.constant 0 : i32
    %dma_wait3A_64 = tpu.memref_slice %arg6[%mul3A_63, %dma_wait3A] : memref<160000x128xf32, #tpu.memory_space<hbm>> -> memref<128x128xf32, #tpu.memory_space<hbm>>
    %dma_wait3A_65 = arith.constant 0 : i32
    %dma_wait3A_66 = tpu.memref_slice %arg6[%mul3A_63, %dma_wait3A_65] : memref<160000x128xf32, #tpu.memory_space<hbm>> -> memref<128x128xf32, #tpu.memory_space<hbm>>
    tpu.wait_dma2 semaphore(%arg19 : memref<!tpu.dma_semaphore, #tpu.memory_space<semaphore_mem>>) src(%arg11 : memref<128x128xf32, #tpu.memory_space<vmem>>) dst(%dma_wait3A_66 : memref<128x128xf32, #tpu.memory_space<hbm>>)
    %add3A_67 = arith.constant 1248 : i32
    %add3A_68 = arith.addi %add3A, %add3A_67 : i32
    %min3A_69 = arith.constant 1249 : i32
    %min3A_70 = arith.minsi %add3A_68, %min3A_69 : i32
    %mul3A_71 = arith.constant 128 : i32
    %mul3A_72 = arith.muli %min3A_70, %mul3A_71 : i32
    %dma_wait3A_73 = arith.constant 0 : i32
    %dma_wait3A_74 = tpu.memref_slice %arg6[%mul3A_72, %dma_wait3A_73] : memref<160000x128xf32, #tpu.memory_space<hbm>> -> memref<128x128xf32, #tpu.memory_space<hbm>>
    %dma_wait3A_75 = arith.constant 0 : i32
    %dma_wait3A_76 = tpu.memref_slice %arg6[%mul3A_72, %dma_wait3A_75] : memref<160000x128xf32, #tpu.memory_space<hbm>> -> memref<128x128xf32, #tpu.memory_space<hbm>>
    tpu.wait_dma2 semaphore(%arg20 : memref<!tpu.dma_semaphore, #tpu.memory_space<semaphore_mem>>) src(%arg12 : memref<128x128xf32, #tpu.memory_space<vmem>>) dst(%dma_wait3A_76 : memref<128x128xf32, #tpu.memory_space<hbm>>)
    return
  }
}

module attributes {stable_mosaic.version = 14 : i64} {
  func.func @_node_body(%arg0: memref<20000x128xf32, #tpu.memory_space<vmem>>, %arg1: memref<10000x128xf32, #tpu.memory_space<vmem>>, %arg2: memref<128x128xf32, #tpu.memory_space<vmem>>, %arg3: memref<128x128xf32, #tpu.memory_space<vmem>>, %arg4: memref<1x128xf32, #tpu.memory_space<vmem>>, %arg5: memref<1x128xf32, #tpu.memory_space<vmem>>, %arg6: memref<1x128xf32, #tpu.memory_space<vmem>>, %arg7: memref<128x128xf32, #tpu.memory_space<vmem>>, %arg8: memref<1x128xf32, #tpu.memory_space<vmem>>, %arg9: memref<1x128xf32, #tpu.memory_space<vmem>>, %arg10: memref<1x128xf32, #tpu.memory_space<vmem>>, %arg11: memref<128x128xf32, #tpu.memory_space<vmem>>, %arg12: memref<128x128xf32, #tpu.memory_space<vmem>>, %arg13: memref<10000x128xf32, #tpu.memory_space<vmem>>, %arg14: memref<10000x128xf32, #tpu.memory_space<vmem>>, %arg15: memref<10000x128xf32, #tpu.memory_space<vmem>>) attributes {dimension_semantics = [], scalar_prefetch = 0 : i64, scratch_operands = 0 : i64, tpu.core_type = #tpu.core_type<tc>} {
    %get3A = arith.constant 0 : index
    %get3A_0 = arith.constant 0 : index
    %get3A_1 = vector.load %arg0[%get3A, %get3A_0] : memref<20000x128xf32, #tpu.memory_space<vmem>>, vector<10000x128xf32>
    %get3A_2 = arith.constant 10000 : index
    %get3A_3 = arith.constant 0 : index
    %get3A_4 = vector.load %arg0[%get3A_2, %get3A_3] : memref<20000x128xf32, #tpu.memory_space<vmem>>, vector<10000x128xf32>
    %add3A = arith.addf %get3A_1, %get3A_4 : vector<10000x128xf32>
    %get3A_5 = arith.constant 0 : index
    %get3A_6 = arith.constant 0 : index
    %get3A_7 = vector.load %arg1[%get3A_5, %get3A_6] : memref<10000x128xf32, #tpu.memory_space<vmem>>, vector<10000x128xf32>
    %get3A_8 = arith.constant 0 : index
    %get3A_9 = arith.constant 0 : index
    %get3A_10 = vector.load %arg2[%get3A_8, %get3A_9] : memref<128x128xf32, #tpu.memory_space<vmem>>, vector<128x128xf32>
    %dot_general3A = arith.constant dense<0.000000e+00> : vector<10000x128xf32>
    %dot_general3A_11 = tpu.matmul %get3A_7, %get3A_10, %dot_general3A {dimension_numbers = #tpu.dot_dimension_numbers<[1], [0], [0], [1], [0, 0, 1, 1], [], []>, transpose_lhs_hint = false} : vector<10000x128xf32>, vector<128x128xf32>, vector<10000x128xf32> -> vector<10000x128xf32>
    %get3A_12 = arith.constant 0 : index
    %get3A_13 = arith.constant 0 : index
    %get3A_14 = vector.load %arg3[%get3A_12, %get3A_13] : memref<128x128xf32, #tpu.memory_space<vmem>>, vector<128x128xf32>
    %dot_general3A_15 = arith.constant dense<0.000000e+00> : vector<10000x128xf32>
    %dot_general3A_16 = tpu.matmul %add3A, %get3A_14, %dot_general3A_15 {dimension_numbers = #tpu.dot_dimension_numbers<[1], [0], [0], [1], [0, 0, 1, 1], [], []>, transpose_lhs_hint = false} : vector<10000x128xf32>, vector<128x128xf32>, vector<10000x128xf32> -> vector<10000x128xf32>
    %add3A_17 = arith.addf %dot_general3A_11, %dot_general3A_16 : vector<10000x128xf32>
    %get3A_18 = arith.constant 0 : index
    %get3A_19 = arith.constant 0 : index
    %get3A_20 = vector.load %arg4[%get3A_18, %get3A_19] : memref<1x128xf32, #tpu.memory_space<vmem>>, vector<1x128xf32>
    %add3A_21 = vector.broadcast %get3A_20 : vector<1x128xf32> to vector<10000x128xf32>
    %add3A_22 = arith.addf %add3A_17, %add3A_21 : vector<10000x128xf32>
    %get3A_23 = arith.constant 0 : index
    %get3A_24 = arith.constant 0 : index
    %get3A_25 = vector.load %arg5[%get3A_23, %get3A_24] : memref<1x128xf32, #tpu.memory_space<vmem>>, vector<1x128xf32>
    %get3A_26 = arith.constant 0 : index
    %get3A_27 = arith.constant 0 : index
    %get3A_28 = vector.load %arg6[%get3A_26, %get3A_27] : memref<1x128xf32, #tpu.memory_space<vmem>>, vector<1x128xf32>
    %reduce_sum3A = arith.constant dense<0.000000e+00> : vector<10000xf32>
    %reduce_sum3A_29 = vector.multi_reduction <add>, %add3A_22, %reduce_sum3A [1] : vector<10000x128xf32> to vector<10000xf32>
    %broadcast_in_dim3A = vector.shape_cast %reduce_sum3A_29 : vector<10000xf32> to vector<10000x1xf32>
    %div3A = arith.constant 1.280000e+02 : f32
    %div3A_30 = vector.broadcast %div3A : f32 to vector<10000x1xf32>
    %div3A_31 = arith.divf %broadcast_in_dim3A, %div3A_30 : vector<10000x1xf32>
    %sub3A = vector.broadcast %div3A_31 : vector<10000x1xf32> to vector<10000x128xf32>
    %sub3A_32 = arith.subf %add3A_22, %sub3A : vector<10000x128xf32>
    %mul3A = arith.mulf %sub3A_32, %sub3A_32 : vector<10000x128xf32>
    %reduce_sum3A_33 = arith.constant dense<0.000000e+00> : vector<10000xf32>
    %reduce_sum3A_34 = vector.multi_reduction <add>, %mul3A, %reduce_sum3A_33 [1] : vector<10000x128xf32> to vector<10000xf32>
    %broadcast_in_dim3A_35 = vector.shape_cast %reduce_sum3A_34 : vector<10000xf32> to vector<10000x1xf32>
    %div3A_36 = arith.constant 1.280000e+02 : f32
    %div3A_37 = vector.broadcast %div3A_36 : f32 to vector<10000x1xf32>
    %div3A_38 = arith.divf %broadcast_in_dim3A_35, %div3A_37 : vector<10000x1xf32>
    %add3A_39 = arith.constant 9.99999974E-6 : f32
    %add3A_40 = vector.broadcast %add3A_39 : f32 to vector<10000x1xf32>
    %add3A_41 = arith.addf %div3A_38, %add3A_40 : vector<10000x1xf32>
    %rsqrt3A = math.rsqrt %add3A_41 : vector<10000x1xf32>
    %mul3A_42 = vector.broadcast %rsqrt3A : vector<10000x1xf32> to vector<10000x128xf32>
    %mul3A_43 = arith.mulf %sub3A_32, %mul3A_42 : vector<10000x128xf32>
    %mul3A_44 = vector.broadcast %get3A_25 : vector<1x128xf32> to vector<10000x128xf32>
    %mul3A_45 = arith.mulf %mul3A_43, %mul3A_44 : vector<10000x128xf32>
    %add3A_46 = vector.broadcast %get3A_28 : vector<1x128xf32> to vector<10000x128xf32>
    %add3A_47 = arith.addf %mul3A_45, %add3A_46 : vector<10000x128xf32>
    %logistic3A = arith.negf %add3A_47 : vector<10000x128xf32>
    %logistic3A_48 = math.exp %logistic3A : vector<10000x128xf32>
    %logistic3A_49 = arith.constant 1.000000e+00 : f32
    %logistic3A_50 = vector.broadcast %logistic3A_49 : f32 to vector<10000x128xf32>
    %logistic3A_51 = arith.addf %logistic3A_50, %logistic3A_48 : vector<10000x128xf32>
    %logistic3A_52 = arith.divf %logistic3A_50, %logistic3A_51 : vector<10000x128xf32>
    %mul3A_53 = arith.mulf %add3A_47, %logistic3A_52 : vector<10000x128xf32>
    %get3A_54 = arith.constant 0 : index
    %get3A_55 = arith.constant 0 : index
    %get3A_56 = vector.load %arg7[%get3A_54, %get3A_55] : memref<128x128xf32, #tpu.memory_space<vmem>>, vector<128x128xf32>
    %dot_general3A_57 = arith.constant dense<0.000000e+00> : vector<10000x128xf32>
    %dot_general3A_58 = tpu.matmul %mul3A_53, %get3A_56, %dot_general3A_57 {dimension_numbers = #tpu.dot_dimension_numbers<[1], [0], [0], [1], [0, 0, 1, 1], [], []>, transpose_lhs_hint = false} : vector<10000x128xf32>, vector<128x128xf32>, vector<10000x128xf32> -> vector<10000x128xf32>
    %get3A_59 = arith.constant 0 : index
    %get3A_60 = arith.constant 0 : index
    %get3A_61 = vector.load %arg8[%get3A_59, %get3A_60] : memref<1x128xf32, #tpu.memory_space<vmem>>, vector<1x128xf32>
    %add3A_62 = vector.broadcast %get3A_61 : vector<1x128xf32> to vector<10000x128xf32>
    %add3A_63 = arith.addf %dot_general3A_58, %add3A_62 : vector<10000x128xf32>
    %get3A_64 = arith.constant 0 : index
    %get3A_65 = arith.constant 0 : index
    %get3A_66 = vector.load %arg9[%get3A_64, %get3A_65] : memref<1x128xf32, #tpu.memory_space<vmem>>, vector<1x128xf32>
    %get3A_67 = arith.constant 0 : index
    %get3A_68 = arith.constant 0 : index
    %get3A_69 = vector.load %arg10[%get3A_67, %get3A_68] : memref<1x128xf32, #tpu.memory_space<vmem>>, vector<1x128xf32>
    %reduce_sum3A_70 = arith.constant dense<0.000000e+00> : vector<10000xf32>
    %reduce_sum3A_71 = vector.multi_reduction <add>, %add3A_63, %reduce_sum3A_70 [1] : vector<10000x128xf32> to vector<10000xf32>
    %broadcast_in_dim3A_72 = vector.shape_cast %reduce_sum3A_71 : vector<10000xf32> to vector<10000x1xf32>
    %div3A_73 = arith.constant 1.280000e+02 : f32
    %div3A_74 = vector.broadcast %div3A_73 : f32 to vector<10000x1xf32>
    %div3A_75 = arith.divf %broadcast_in_dim3A_72, %div3A_74 : vector<10000x1xf32>
    %sub3A_76 = vector.broadcast %div3A_75 : vector<10000x1xf32> to vector<10000x128xf32>
    %sub3A_77 = arith.subf %add3A_63, %sub3A_76 : vector<10000x128xf32>
    %mul3A_78 = arith.mulf %sub3A_77, %sub3A_77 : vector<10000x128xf32>
    %reduce_sum3A_79 = arith.constant dense<0.000000e+00> : vector<10000xf32>
    %reduce_sum3A_80 = vector.multi_reduction <add>, %mul3A_78, %reduce_sum3A_79 [1] : vector<10000x128xf32> to vector<10000xf32>
    %broadcast_in_dim3A_81 = vector.shape_cast %reduce_sum3A_80 : vector<10000xf32> to vector<10000x1xf32>
    %div3A_82 = arith.constant 1.280000e+02 : f32
    %div3A_83 = vector.broadcast %div3A_82 : f32 to vector<10000x1xf32>
    %div3A_84 = arith.divf %broadcast_in_dim3A_81, %div3A_83 : vector<10000x1xf32>
    %add3A_85 = arith.constant 9.99999974E-6 : f32
    %add3A_86 = vector.broadcast %add3A_85 : f32 to vector<10000x1xf32>
    %add3A_87 = arith.addf %div3A_84, %add3A_86 : vector<10000x1xf32>
    %rsqrt3A_88 = math.rsqrt %add3A_87 : vector<10000x1xf32>
    %mul3A_89 = vector.broadcast %rsqrt3A_88 : vector<10000x1xf32> to vector<10000x128xf32>
    %mul3A_90 = arith.mulf %sub3A_77, %mul3A_89 : vector<10000x128xf32>
    %mul3A_91 = vector.broadcast %get3A_66 : vector<1x128xf32> to vector<10000x128xf32>
    %mul3A_92 = arith.mulf %mul3A_90, %mul3A_91 : vector<10000x128xf32>
    %add3A_93 = vector.broadcast %get3A_69 : vector<1x128xf32> to vector<10000x128xf32>
    %add3A_94 = arith.addf %mul3A_92, %add3A_93 : vector<10000x128xf32>
    %logistic3A_95 = arith.negf %add3A_94 : vector<10000x128xf32>
    %logistic3A_96 = math.exp %logistic3A_95 : vector<10000x128xf32>
    %logistic3A_97 = arith.constant 1.000000e+00 : f32
    %logistic3A_98 = vector.broadcast %logistic3A_97 : f32 to vector<10000x128xf32>
    %logistic3A_99 = arith.addf %logistic3A_98, %logistic3A_96 : vector<10000x128xf32>
    %logistic3A_100 = arith.divf %logistic3A_98, %logistic3A_99 : vector<10000x128xf32>
    %mul3A_101 = arith.mulf %add3A_94, %logistic3A_100 : vector<10000x128xf32>
    %add3A_102 = arith.addf %mul3A_101, %get3A_7 : vector<10000x128xf32>
    %swap3A = arith.constant 0 : index
    %swap3A_103 = arith.constant 0 : index
    %swap3A_104 = vector.load %arg13[%swap3A, %swap3A_103] : memref<10000x128xf32, #tpu.memory_space<vmem>>, vector<10000x128xf32>
    tpu.vector_store %arg13[%swap3A, %swap3A_103], %add3A_102 {strides = array<i32>} : memref<10000x128xf32, #tpu.memory_space<vmem>>, vector<10000x128xf32>,
    %get3A_105 = arith.constant 0 : index
    %get3A_106 = arith.constant 0 : index
    %get3A_107 = vector.load %arg11[%get3A_105, %get3A_106] : memref<128x128xf32, #tpu.memory_space<vmem>>, vector<128x128xf32>
    %dot_general3A_108 = arith.constant dense<0.000000e+00> : vector<10000x128xf32>
    %dot_general3A_109 = tpu.matmul %add3A_102, %get3A_107, %dot_general3A_108 {dimension_numbers = #tpu.dot_dimension_numbers<[1], [0], [0], [1], [0, 0, 1, 1], [], []>, transpose_lhs_hint = false} : vector<10000x128xf32>, vector<128x128xf32>, vector<10000x128xf32> -> vector<10000x128xf32>
    %swap3A_110 = arith.constant 0 : index
    %swap3A_111 = arith.constant 0 : index
    %swap3A_112 = vector.load %arg14[%swap3A_110, %swap3A_111] : memref<10000x128xf32, #tpu.memory_space<vmem>>, vector<10000x128xf32>
    tpu.vector_store %arg14[%swap3A_110, %swap3A_111], %dot_general3A_109 {strides = array<i32>} : memref<10000x128xf32, #tpu.memory_space<vmem>>, vector<10000x128xf32>,
    %get3A_113 = arith.constant 0 : index
    %get3A_114 = arith.constant 0 : index
    %get3A_115 = vector.load %arg12[%get3A_113, %get3A_114] : memref<128x128xf32, #tpu.memory_space<vmem>>, vector<128x128xf32>
    %dot_general3A_116 = arith.constant dense<0.000000e+00> : vector<10000x128xf32>
    %dot_general3A_117 = tpu.matmul %add3A_102, %get3A_115, %dot_general3A_116 {dimension_numbers = #tpu.dot_dimension_numbers<[1], [0], [0], [1], [0, 0, 1, 1], [], []>, transpose_lhs_hint = false} : vector<10000x128xf32>, vector<128x128xf32>, vector<10000x128xf32> -> vector<10000x128xf32>
    %swap3A_118 = arith.constant 0 : index
    %swap3A_119 = arith.constant 0 : index
    %swap3A_120 = vector.load %arg15[%swap3A_118, %swap3A_119] : memref<10000x128xf32, #tpu.memory_space<vmem>>, vector<10000x128xf32>
    tpu.vector_store %arg15[%swap3A_118, %swap3A_119], %dot_general3A_117 {strides = array<i32>} : memref<10000x128xf32, #tpu.memory_space<vmem>>, vector<10000x128xf32>,
    return
  }
}

module attributes {stable_mosaic.version = 14 : i64} {
  func.func @_edge_body(%arg0: i32, %arg1: memref<2000x128xf32, #tpu.memory_space<vmem>>, %arg2: memref<2000x128xf32, #tpu.memory_space<vmem>>, %arg3: memref<128x128xf32, #tpu.memory_space<vmem>>, %arg4: memref<1x128xf32, #tpu.memory_space<vmem>>, %arg5: memref<1x128xf32, #tpu.memory_space<vmem>>, %arg6: memref<1x128xf32, #tpu.memory_space<vmem>>, %arg7: memref<128x128xf32, #tpu.memory_space<vmem>>, %arg8: memref<1x128xf32, #tpu.memory_space<vmem>>, %arg9: memref<1x128xf32, #tpu.memory_space<vmem>>, %arg10: memref<1x128xf32, #tpu.memory_space<vmem>>, %arg11: memref<2000x128xf32, #tpu.memory_space<vmem>>) attributes {dimension_semantics = [#tpu.dimension_semantics<arbitrary>], iteration_bounds = array<i64: 80>, scalar_prefetch = 0 : i64, scratch_operands = 0 : i64, tpu.core_type = #tpu.core_type<tc>, window_params = [{transform_indices = @transform_0, window_bounds = array<i64: 2000, 128>}, {transform_indices = @transform_1, window_bounds = array<i64: 2000, 128>}, {pipeline_mode = #tpu.pipeline_mode<synchronous>, transform_indices = @transform_2, window_bounds = array<i64: 128, 128>}, {pipeline_mode = #tpu.pipeline_mode<synchronous>, transform_indices = @transform_3, window_bounds = array<i64: 1, 128>}, {pipeline_mode = #tpu.pipeline_mode<synchronous>, transform_indices = @transform_4, window_bounds = array<i64: 1, 128>}, {pipeline_mode = #tpu.pipeline_mode<synchronous>, transform_indices = @transform_5, window_bounds = array<i64: 1, 128>}, {pipeline_mode = #tpu.pipeline_mode<synchronous>, transform_indices = @transform_6, window_bounds = array<i64: 128, 128>}, {pipeline_mode = #tpu.pipeline_mode<synchronous>, transform_indices = @transform_7, window_bounds = array<i64: 1, 128>}, {pipeline_mode = #tpu.pipeline_mode<synchronous>, transform_indices = @transform_8, window_bounds = array<i64: 1, 128>}, {pipeline_mode = #tpu.pipeline_mode<synchronous>, transform_indices = @transform_9, window_bounds = array<i64: 1, 128>}, {transform_indices = @transform_10, window_bounds = array<i64: 2000, 128>}]} {
    %get3A = arith.constant 0 : index
    %get3A_0 = arith.constant 0 : index
    %get3A_1 = vector.load %arg2[%get3A, %get3A_0] : memref<2000x128xf32, #tpu.memory_space<vmem>>, vector<2000x128xf32>
    %get3A_2 = arith.constant 0 : index
    %get3A_3 = arith.constant 0 : index
    %get3A_4 = vector.load %arg1[%get3A_2, %get3A_3] : memref<2000x128xf32, #tpu.memory_space<vmem>>, vector<2000x128xf32>
    %get3A_5 = arith.constant 0 : index
    %get3A_6 = arith.constant 0 : index
    %get3A_7 = vector.load %arg3[%get3A_5, %get3A_6] : memref<128x128xf32, #tpu.memory_space<vmem>>, vector<128x128xf32>
    %dot_general3A = arith.constant dense<0.000000e+00> : vector<2000x128xf32>
    %dot_general3A_8 = tpu.matmul %get3A_1, %get3A_7, %dot_general3A {dimension_numbers = #tpu.dot_dimension_numbers<[1], [0], [0], [1], [0, 0, 1, 1], [], []>, transpose_lhs_hint = false} : vector<2000x128xf32>, vector<128x128xf32>, vector<2000x128xf32> -> vector<2000x128xf32>
    %add3A = arith.addf %get3A_4, %dot_general3A_8 : vector<2000x128xf32>
    %get3A_9 = arith.constant 0 : index
    %get3A_10 = arith.constant 0 : index
    %get3A_11 = vector.load %arg4[%get3A_9, %get3A_10] : memref<1x128xf32, #tpu.memory_space<vmem>>, vector<1x128xf32>
    %add3A_12 = vector.broadcast %get3A_11 : vector<1x128xf32> to vector<2000x128xf32>
    %add3A_13 = arith.addf %add3A, %add3A_12 : vector<2000x128xf32>
    %get3A_14 = arith.constant 0 : index
    %get3A_15 = arith.constant 0 : index
    %get3A_16 = vector.load %arg5[%get3A_14, %get3A_15] : memref<1x128xf32, #tpu.memory_space<vmem>>, vector<1x128xf32>
    %get3A_17 = arith.constant 0 : index
    %get3A_18 = arith.constant 0 : index
    %get3A_19 = vector.load %arg6[%get3A_17, %get3A_18] : memref<1x128xf32, #tpu.memory_space<vmem>>, vector<1x128xf32>
    %reduce_sum3A = arith.constant dense<0.000000e+00> : vector<2000xf32>
    %reduce_sum3A_20 = vector.multi_reduction <add>, %add3A_13, %reduce_sum3A [1] : vector<2000x128xf32> to vector<2000xf32>
    %broadcast_in_dim3A = vector.shape_cast %reduce_sum3A_20 : vector<2000xf32> to vector<2000x1xf32>
    %div3A = arith.constant 1.280000e+02 : f32
    %div3A_21 = vector.broadcast %div3A : f32 to vector<2000x1xf32>
    %div3A_22 = arith.divf %broadcast_in_dim3A, %div3A_21 : vector<2000x1xf32>
    %sub3A = vector.broadcast %div3A_22 : vector<2000x1xf32> to vector<2000x128xf32>
    %sub3A_23 = arith.subf %add3A_13, %sub3A : vector<2000x128xf32>
    %mul3A = arith.mulf %sub3A_23, %sub3A_23 : vector<2000x128xf32>
    %reduce_sum3A_24 = arith.constant dense<0.000000e+00> : vector<2000xf32>
    %reduce_sum3A_25 = vector.multi_reduction <add>, %mul3A, %reduce_sum3A_24 [1] : vector<2000x128xf32> to vector<2000xf32>
    %broadcast_in_dim3A_26 = vector.shape_cast %reduce_sum3A_25 : vector<2000xf32> to vector<2000x1xf32>
    %div3A_27 = arith.constant 1.280000e+02 : f32
    %div3A_28 = vector.broadcast %div3A_27 : f32 to vector<2000x1xf32>
    %div3A_29 = arith.divf %broadcast_in_dim3A_26, %div3A_28 : vector<2000x1xf32>
    %add3A_30 = arith.constant 9.99999974E-6 : f32
    %add3A_31 = vector.broadcast %add3A_30 : f32 to vector<2000x1xf32>
    %add3A_32 = arith.addf %div3A_29, %add3A_31 : vector<2000x1xf32>
    %rsqrt3A = math.rsqrt %add3A_32 : vector<2000x1xf32>
    %mul3A_33 = vector.broadcast %rsqrt3A : vector<2000x1xf32> to vector<2000x128xf32>
    %mul3A_34 = arith.mulf %sub3A_23, %mul3A_33 : vector<2000x128xf32>
    %mul3A_35 = vector.broadcast %get3A_16 : vector<1x128xf32> to vector<2000x128xf32>
    %mul3A_36 = arith.mulf %mul3A_34, %mul3A_35 : vector<2000x128xf32>
    %add3A_37 = vector.broadcast %get3A_19 : vector<1x128xf32> to vector<2000x128xf32>
    %add3A_38 = arith.addf %mul3A_36, %add3A_37 : vector<2000x128xf32>
    %logistic3A = arith.negf %add3A_38 : vector<2000x128xf32>
    %logistic3A_39 = math.exp %logistic3A : vector<2000x128xf32>
    %logistic3A_40 = arith.constant 1.000000e+00 : f32
    %logistic3A_41 = vector.broadcast %logistic3A_40 : f32 to vector<2000x128xf32>
    %logistic3A_42 = arith.addf %logistic3A_41, %logistic3A_39 : vector<2000x128xf32>
    %logistic3A_43 = arith.divf %logistic3A_41, %logistic3A_42 : vector<2000x128xf32>
    %mul3A_44 = arith.mulf %add3A_38, %logistic3A_43 : vector<2000x128xf32>
    %get3A_45 = arith.constant 0 : index
    %get3A_46 = arith.constant 0 : index
    %get3A_47 = vector.load %arg7[%get3A_45, %get3A_46] : memref<128x128xf32, #tpu.memory_space<vmem>>, vector<128x128xf32>
    %dot_general3A_48 = arith.constant dense<0.000000e+00> : vector<2000x128xf32>
    %dot_general3A_49 = tpu.matmul %mul3A_44, %get3A_47, %dot_general3A_48 {dimension_numbers = #tpu.dot_dimension_numbers<[1], [0], [0], [1], [0, 0, 1, 1], [], []>, transpose_lhs_hint = false} : vector<2000x128xf32>, vector<128x128xf32>, vector<2000x128xf32> -> vector<2000x128xf32>
    %get3A_50 = arith.constant 0 : index
    %get3A_51 = arith.constant 0 : index
    %get3A_52 = vector.load %arg8[%get3A_50, %get3A_51] : memref<1x128xf32, #tpu.memory_space<vmem>>, vector<1x128xf32>
    %add3A_53 = vector.broadcast %get3A_52 : vector<1x128xf32> to vector<2000x128xf32>
    %add3A_54 = arith.addf %dot_general3A_49, %add3A_53 : vector<2000x128xf32>
    %get3A_55 = arith.constant 0 : index
    %get3A_56 = arith.constant 0 : index
    %get3A_57 = vector.load %arg9[%get3A_55, %get3A_56] : memref<1x128xf32, #tpu.memory_space<vmem>>, vector<1x128xf32>
    %get3A_58 = arith.constant 0 : index
    %get3A_59 = arith.constant 0 : index
    %get3A_60 = vector.load %arg10[%get3A_58, %get3A_59] : memref<1x128xf32, #tpu.memory_space<vmem>>, vector<1x128xf32>
    %reduce_sum3A_61 = arith.constant dense<0.000000e+00> : vector<2000xf32>
    %reduce_sum3A_62 = vector.multi_reduction <add>, %add3A_54, %reduce_sum3A_61 [1] : vector<2000x128xf32> to vector<2000xf32>
    %broadcast_in_dim3A_63 = vector.shape_cast %reduce_sum3A_62 : vector<2000xf32> to vector<2000x1xf32>
    %div3A_64 = arith.constant 1.280000e+02 : f32
    %div3A_65 = vector.broadcast %div3A_64 : f32 to vector<2000x1xf32>
    %div3A_66 = arith.divf %broadcast_in_dim3A_63, %div3A_65 : vector<2000x1xf32>
    %sub3A_67 = vector.broadcast %div3A_66 : vector<2000x1xf32> to vector<2000x128xf32>
    %sub3A_68 = arith.subf %add3A_54, %sub3A_67 : vector<2000x128xf32>
    %mul3A_69 = arith.mulf %sub3A_68, %sub3A_68 : vector<2000x128xf32>
    %reduce_sum3A_70 = arith.constant dense<0.000000e+00> : vector<2000xf32>
    %reduce_sum3A_71 = vector.multi_reduction <add>, %mul3A_69, %reduce_sum3A_70 [1] : vector<2000x128xf32> to vector<2000xf32>
    %broadcast_in_dim3A_72 = vector.shape_cast %reduce_sum3A_71 : vector<2000xf32> to vector<2000x1xf32>
    %div3A_73 = arith.constant 1.280000e+02 : f32
    %div3A_74 = vector.broadcast %div3A_73 : f32 to vector<2000x1xf32>
    %div3A_75 = arith.divf %broadcast_in_dim3A_72, %div3A_74 : vector<2000x1xf32>
    %add3A_76 = arith.constant 9.99999974E-6 : f32
    %add3A_77 = vector.broadcast %add3A_76 : f32 to vector<2000x1xf32>
    %add3A_78 = arith.addf %div3A_75, %add3A_77 : vector<2000x1xf32>
    %rsqrt3A_79 = math.rsqrt %add3A_78 : vector<2000x1xf32>
    %mul3A_80 = vector.broadcast %rsqrt3A_79 : vector<2000x1xf32> to vector<2000x128xf32>
    %mul3A_81 = arith.mulf %sub3A_68, %mul3A_80 : vector<2000x128xf32>
    %mul3A_82 = vector.broadcast %get3A_57 : vector<1x128xf32> to vector<2000x128xf32>
    %mul3A_83 = arith.mulf %mul3A_81, %mul3A_82 : vector<2000x128xf32>
    %add3A_84 = vector.broadcast %get3A_60 : vector<1x128xf32> to vector<2000x128xf32>
    %add3A_85 = arith.addf %mul3A_83, %add3A_84 : vector<2000x128xf32>
    %tanh3A = math.tanh %add3A_85 : vector<2000x128xf32>
    %add3A_86 = arith.addf %tanh3A, %get3A_1 : vector<2000x128xf32>
    %swap3A = arith.constant 0 : index
    %swap3A_87 = arith.constant 0 : index
    %swap3A_88 = vector.load %arg11[%swap3A, %swap3A_87] : memref<2000x128xf32, #tpu.memory_space<vmem>>, vector<2000x128xf32>
    tpu.vector_store %arg11[%swap3A, %swap3A_87], %add3A_86 {strides = array<i32>} : memref<2000x128xf32, #tpu.memory_space<vmem>>, vector<2000x128xf32>,
    return
  }
  func.func @transform_0(%arg0: i32) -> (i32, i32) {
    %c0_i32 = arith.constant 0 : i32
    %c0_i32_0 = arith.constant 0 : i32
    return %arg0, %c0_i32 : i32, i32
  }
  func.func @transform_1(%arg0: i32) -> (i32, i32) {
    %c0_i32 = arith.constant 0 : i32
    %c0_i32_0 = arith.constant 0 : i32
    return %arg0, %c0_i32 : i32, i32
  }
  func.func @transform_2(%arg0: i32) -> (i32, i32) {
    %c0_i32 = arith.constant 0 : i32
    %c0_i32_0 = arith.constant 0 : i32
    %c0_i32_1 = arith.constant 0 : i32
    return %c0_i32, %c0_i32_0 : i32, i32
  }
  func.func @transform_3(%arg0: i32) -> (i32, i32) {
    %c0_i32 = arith.constant 0 : i32
    %c0_i32_0 = arith.constant 0 : i32
    %c0_i32_1 = arith.constant 0 : i32
    return %c0_i32, %c0_i32_0 : i32, i32
  }
  func.func @transform_4(%arg0: i32) -> (i32, i32) {
    %c0_i32 = arith.constant 0 : i32
    %c0_i32_0 = arith.constant 0 : i32
    %c0_i32_1 = arith.constant 0 : i32
    return %c0_i32, %c0_i32_0 : i32, i32
  }
  func.func @transform_5(%arg0: i32) -> (i32, i32) {
    %c0_i32 = arith.constant 0 : i32
    %c0_i32_0 = arith.constant 0 : i32
    %c0_i32_1 = arith.constant 0 : i32
    return %c0_i32, %c0_i32_0 : i32, i32
  }
  func.func @transform_6(%arg0: i32) -> (i32, i32) {
    %c0_i32 = arith.constant 0 : i32
    %c0_i32_0 = arith.constant 0 : i32
    %c0_i32_1 = arith.constant 0 : i32
    return %c0_i32, %c0_i32_0 : i32, i32
  }
  func.func @transform_7(%arg0: i32) -> (i32, i32) {
    %c0_i32 = arith.constant 0 : i32
    %c0_i32_0 = arith.constant 0 : i32
    %c0_i32_1 = arith.constant 0 : i32
    return %c0_i32, %c0_i32_0 : i32, i32
  }
  func.func @transform_8(%arg0: i32) -> (i32, i32) {
    %c0_i32 = arith.constant 0 : i32
    %c0_i32_0 = arith.constant 0 : i32
    %c0_i32_1 = arith.constant 0 : i32
    return %c0_i32, %c0_i32_0 : i32, i32
  }
  func.func @transform_9(%arg0: i32) -> (i32, i32) {
    %c0_i32 = arith.constant 0 : i32
    %c0_i32_0 = arith.constant 0 : i32
    %c0_i32_1 = arith.constant 0 : i32
    return %c0_i32, %c0_i32_0 : i32, i32
  }
  func.func @transform_10(%arg0: i32) -> (i32, i32) {
    %c0_i32 = arith.constant 0 : i32
    %c0_i32_0 = arith.constant 0 : i32
    return %arg0, %c0_i32 : i32, i32
  }
}

module attributes {stable_mosaic.version = 14 : i64} {
  func.func @_edge_body2(%arg0: i32, %arg1: memref<320000x128xf32, #tpu.memory_space<any>>, %arg2: memref<2000x128xf32, #tpu.memory_space<vmem>>, %arg3: memref<2000x128xf32, #tpu.memory_space<vmem>>, %arg4: memref<128x128xf32, #tpu.memory_space<vmem>>, %arg5: memref<1x128xf32, #tpu.memory_space<vmem>>, %arg6: memref<1x128xf32, #tpu.memory_space<vmem>>, %arg7: memref<1x128xf32, #tpu.memory_space<vmem>>, %arg8: memref<128x128xf32, #tpu.memory_space<vmem>>, %arg9: memref<1x128xf32, #tpu.memory_space<vmem>>, %arg10: memref<1x128xf32, #tpu.memory_space<vmem>>, %arg11: memref<1x128xf32, #tpu.memory_space<vmem>>, %arg12: memref<2000x128xf32, #tpu.memory_space<vmem>>) attributes {dimension_semantics = [#tpu.dimension_semantics<arbitrary>], iteration_bounds = array<i64: 80>, scalar_prefetch = 0 : i64, scratch_operands = 0 : i64, tpu.core_type = #tpu.core_type<tc>, window_params = [{}, {transform_indices = @transform_1, window_bounds = array<i64: 2000, 128>}, {transform_indices = @transform_2, window_bounds = array<i64: 2000, 128>}, {pipeline_mode = #tpu.pipeline_mode<synchronous>, transform_indices = @transform_3, window_bounds = array<i64: 128, 128>}, {pipeline_mode = #tpu.pipeline_mode<synchronous>, transform_indices = @transform_4, window_bounds = array<i64: 1, 128>}, {pipeline_mode = #tpu.pipeline_mode<synchronous>, transform_indices = @transform_5, window_bounds = array<i64: 1, 128>}, {pipeline_mode = #tpu.pipeline_mode<synchronous>, transform_indices = @transform_6, window_bounds = array<i64: 1, 128>}, {pipeline_mode = #tpu.pipeline_mode<synchronous>, transform_indices = @transform_7, window_bounds = array<i64: 128, 128>}, {pipeline_mode = #tpu.pipeline_mode<synchronous>, transform_indices = @transform_8, window_bounds = array<i64: 1, 128>}, {pipeline_mode = #tpu.pipeline_mode<synchronous>, transform_indices = @transform_9, window_bounds = array<i64: 1, 128>}, {pipeline_mode = #tpu.pipeline_mode<synchronous>, transform_indices = @transform_10, window_bounds = array<i64: 1, 128>}, {transform_indices = @transform_11, window_bounds = array<i64: 2000, 128>}]} {
    %get3A = arith.constant 0 : index
    %get3A_0 = arith.constant 0 : index
    %get3A_1 = vector.load %arg3[%get3A, %get3A_0] : memref<2000x128xf32, #tpu.memory_space<vmem>>, vector<2000x128xf32>
    %get3A_2 = arith.constant 0 : index
    %get3A_3 = arith.constant 0 : index
    %get3A_4 = vector.load %arg2[%get3A_2, %get3A_3] : memref<2000x128xf32, #tpu.memory_space<vmem>>, vector<2000x128xf32>
    %get3A_5 = arith.constant 0 : index
    %get3A_6 = arith.constant 0 : index
    %get3A_7 = vector.load %arg4[%get3A_5, %get3A_6] : memref<128x128xf32, #tpu.memory_space<vmem>>, vector<128x128xf32>
    %dot_general3A = arith.constant dense<0.000000e+00> : vector<2000x128xf32>
    %dot_general3A_8 = tpu.matmul %get3A_1, %get3A_7, %dot_general3A {dimension_numbers = #tpu.dot_dimension_numbers<[1], [0], [0], [1], [0, 0, 1, 1], [], []>, transpose_lhs_hint = false} : vector<2000x128xf32>, vector<128x128xf32>, vector<2000x128xf32> -> vector<2000x128xf32>
    %add3A = arith.addf %get3A_4, %dot_general3A_8 : vector<2000x128xf32>
    %get3A_9 = arith.constant 0 : index
    %get3A_10 = arith.constant 0 : index
    %get3A_11 = vector.load %arg5[%get3A_9, %get3A_10] : memref<1x128xf32, #tpu.memory_space<vmem>>, vector<1x128xf32>
    %add3A_12 = vector.broadcast %get3A_11 : vector<1x128xf32> to vector<2000x128xf32>
    %add3A_13 = arith.addf %add3A, %add3A_12 : vector<2000x128xf32>
    %get3A_14 = arith.constant 0 : index
    %get3A_15 = arith.constant 0 : index
    %get3A_16 = vector.load %arg6[%get3A_14, %get3A_15] : memref<1x128xf32, #tpu.memory_space<vmem>>, vector<1x128xf32>
    %get3A_17 = arith.constant 0 : index
    %get3A_18 = arith.constant 0 : index
    %get3A_19 = vector.load %arg7[%get3A_17, %get3A_18] : memref<1x128xf32, #tpu.memory_space<vmem>>, vector<1x128xf32>
    %reduce_sum3A = arith.constant dense<0.000000e+00> : vector<2000xf32>
    %reduce_sum3A_20 = vector.multi_reduction <add>, %add3A_13, %reduce_sum3A [1] : vector<2000x128xf32> to vector<2000xf32>
    %broadcast_in_dim3A = vector.shape_cast %reduce_sum3A_20 : vector<2000xf32> to vector<2000x1xf32>
    %div3A = arith.constant 1.280000e+02 : f32
    %div3A_21 = vector.broadcast %div3A : f32 to vector<2000x1xf32>
    %div3A_22 = arith.divf %broadcast_in_dim3A, %div3A_21 : vector<2000x1xf32>
    %sub3A = vector.broadcast %div3A_22 : vector<2000x1xf32> to vector<2000x128xf32>
    %sub3A_23 = arith.subf %add3A_13, %sub3A : vector<2000x128xf32>
    %mul3A = arith.mulf %sub3A_23, %sub3A_23 : vector<2000x128xf32>
    %reduce_sum3A_24 = arith.constant dense<0.000000e+00> : vector<2000xf32>
    %reduce_sum3A_25 = vector.multi_reduction <add>, %mul3A, %reduce_sum3A_24 [1] : vector<2000x128xf32> to vector<2000xf32>
    %broadcast_in_dim3A_26 = vector.shape_cast %reduce_sum3A_25 : vector<2000xf32> to vector<2000x1xf32>
    %div3A_27 = arith.constant 1.280000e+02 : f32
    %div3A_28 = vector.broadcast %div3A_27 : f32 to vector<2000x1xf32>
    %div3A_29 = arith.divf %broadcast_in_dim3A_26, %div3A_28 : vector<2000x1xf32>
    %add3A_30 = arith.constant 9.99999974E-6 : f32
    %add3A_31 = vector.broadcast %add3A_30 : f32 to vector<2000x1xf32>
    %add3A_32 = arith.addf %div3A_29, %add3A_31 : vector<2000x1xf32>
    %rsqrt3A = math.rsqrt %add3A_32 : vector<2000x1xf32>
    %mul3A_33 = vector.broadcast %rsqrt3A : vector<2000x1xf32> to vector<2000x128xf32>
    %mul3A_34 = arith.mulf %sub3A_23, %mul3A_33 : vector<2000x128xf32>
    %mul3A_35 = vector.broadcast %get3A_16 : vector<1x128xf32> to vector<2000x128xf32>
    %mul3A_36 = arith.mulf %mul3A_34, %mul3A_35 : vector<2000x128xf32>
    %add3A_37 = vector.broadcast %get3A_19 : vector<1x128xf32> to vector<2000x128xf32>
    %add3A_38 = arith.addf %mul3A_36, %add3A_37 : vector<2000x128xf32>
    %logistic3A = arith.negf %add3A_38 : vector<2000x128xf32>
    %logistic3A_39 = math.exp %logistic3A : vector<2000x128xf32>
    %logistic3A_40 = arith.constant 1.000000e+00 : f32
    %logistic3A_41 = vector.broadcast %logistic3A_40 : f32 to vector<2000x128xf32>
    %logistic3A_42 = arith.addf %logistic3A_41, %logistic3A_39 : vector<2000x128xf32>
    %logistic3A_43 = arith.divf %logistic3A_41, %logistic3A_42 : vector<2000x128xf32>
    %mul3A_44 = arith.mulf %add3A_38, %logistic3A_43 : vector<2000x128xf32>
    %get3A_45 = arith.constant 0 : index
    %get3A_46 = arith.constant 0 : index
    %get3A_47 = vector.load %arg8[%get3A_45, %get3A_46] : memref<128x128xf32, #tpu.memory_space<vmem>>, vector<128x128xf32>
    %dot_general3A_48 = arith.constant dense<0.000000e+00> : vector<2000x128xf32>
    %dot_general3A_49 = tpu.matmul %mul3A_44, %get3A_47, %dot_general3A_48 {dimension_numbers = #tpu.dot_dimension_numbers<[1], [0], [0], [1], [0, 0, 1, 1], [], []>, transpose_lhs_hint = false} : vector<2000x128xf32>, vector<128x128xf32>, vector<2000x128xf32> -> vector<2000x128xf32>
    %get3A_50 = arith.constant 0 : index
    %get3A_51 = arith.constant 0 : index
    %get3A_52 = vector.load %arg9[%get3A_50, %get3A_51] : memref<1x128xf32, #tpu.memory_space<vmem>>, vector<1x128xf32>
    %add3A_53 = vector.broadcast %get3A_52 : vector<1x128xf32> to vector<2000x128xf32>
    %add3A_54 = arith.addf %dot_general3A_49, %add3A_53 : vector<2000x128xf32>
    %get3A_55 = arith.constant 0 : index
    %get3A_56 = arith.constant 0 : index
    %get3A_57 = vector.load %arg10[%get3A_55, %get3A_56] : memref<1x128xf32, #tpu.memory_space<vmem>>, vector<1x128xf32>
    %get3A_58 = arith.constant 0 : index
    %get3A_59 = arith.constant 0 : index
    %get3A_60 = vector.load %arg11[%get3A_58, %get3A_59] : memref<1x128xf32, #tpu.memory_space<vmem>>, vector<1x128xf32>
    %reduce_sum3A_61 = arith.constant dense<0.000000e+00> : vector<2000xf32>
    %reduce_sum3A_62 = vector.multi_reduction <add>, %add3A_54, %reduce_sum3A_61 [1] : vector<2000x128xf32> to vector<2000xf32>
    %broadcast_in_dim3A_63 = vector.shape_cast %reduce_sum3A_62 : vector<2000xf32> to vector<2000x1xf32>
    %div3A_64 = arith.constant 1.280000e+02 : f32
    %div3A_65 = vector.broadcast %div3A_64 : f32 to vector<2000x1xf32>
    %div3A_66 = arith.divf %broadcast_in_dim3A_63, %div3A_65 : vector<2000x1xf32>
    %sub3A_67 = vector.broadcast %div3A_66 : vector<2000x1xf32> to vector<2000x128xf32>
    %sub3A_68 = arith.subf %add3A_54, %sub3A_67 : vector<2000x128xf32>
    %mul3A_69 = arith.mulf %sub3A_68, %sub3A_68 : vector<2000x128xf32>
    %reduce_sum3A_70 = arith.constant dense<0.000000e+00> : vector<2000xf32>
    %reduce_sum3A_71 = vector.multi_reduction <add>, %mul3A_69, %reduce_sum3A_70 [1] : vector<2000x128xf32> to vector<2000xf32>
    %broadcast_in_dim3A_72 = vector.shape_cast %reduce_sum3A_71 : vector<2000xf32> to vector<2000x1xf32>
    %div3A_73 = arith.constant 1.280000e+02 : f32
    %div3A_74 = vector.broadcast %div3A_73 : f32 to vector<2000x1xf32>
    %div3A_75 = arith.divf %broadcast_in_dim3A_72, %div3A_74 : vector<2000x1xf32>
    %add3A_76 = arith.constant 9.99999974E-6 : f32
    %add3A_77 = vector.broadcast %add3A_76 : f32 to vector<2000x1xf32>
    %add3A_78 = arith.addf %div3A_75, %add3A_77 : vector<2000x1xf32>
    %rsqrt3A_79 = math.rsqrt %add3A_78 : vector<2000x1xf32>
    %mul3A_80 = vector.broadcast %rsqrt3A_79 : vector<2000x1xf32> to vector<2000x128xf32>
    %mul3A_81 = arith.mulf %sub3A_68, %mul3A_80 : vector<2000x128xf32>
    %mul3A_82 = vector.broadcast %get3A_57 : vector<1x128xf32> to vector<2000x128xf32>
    %mul3A_83 = arith.mulf %mul3A_81, %mul3A_82 : vector<2000x128xf32>
    %add3A_84 = vector.broadcast %get3A_60 : vector<1x128xf32> to vector<2000x128xf32>
    %add3A_85 = arith.addf %mul3A_83, %add3A_84 : vector<2000x128xf32>
    %tanh3A = math.tanh %add3A_85 : vector<2000x128xf32>
    %add3A_86 = arith.addf %tanh3A, %get3A_1 : vector<2000x128xf32>
    %swap3A = arith.constant 0 : index
    %swap3A_87 = arith.constant 0 : index
    %swap3A_88 = vector.load %arg12[%swap3A, %swap3A_87] : memref<2000x128xf32, #tpu.memory_space<vmem>>, vector<2000x128xf32>
    tpu.vector_store %arg12[%swap3A, %swap3A_87], %add3A_86 {strides = array<i32>} : memref<2000x128xf32, #tpu.memory_space<vmem>>, vector<2000x128xf32>,
    return
  }
  func.func @transform_1(%arg0: i32) -> (i32, i32) {
    %c0_i32 = arith.constant 0 : i32
    %c0_i32_0 = arith.constant 0 : i32
    return %arg0, %c0_i32 : i32, i32
  }
  func.func @transform_2(%arg0: i32) -> (i32, i32) {
    %add3A = arith.constant 80 : i32
    %add3A_0 = arith.addi %arg0, %add3A : i32
    %c0_i32 = arith.constant 0 : i32
    %c0_i32_1 = arith.constant 0 : i32
    return %add3A_0, %c0_i32 : i32, i32
  }
  func.func @transform_3(%arg0: i32) -> (i32, i32) {
    %c0_i32 = arith.constant 0 : i32
    %c0_i32_0 = arith.constant 0 : i32
    %c0_i32_1 = arith.constant 0 : i32
    return %c0_i32, %c0_i32_0 : i32, i32
  }
  func.func @transform_4(%arg0: i32) -> (i32, i32) {
    %c0_i32 = arith.constant 0 : i32
    %c0_i32_0 = arith.constant 0 : i32
    %c0_i32_1 = arith.constant 0 : i32
    return %c0_i32, %c0_i32_0 : i32, i32
  }
  func.func @transform_5(%arg0: i32) -> (i32, i32) {
    %c0_i32 = arith.constant 0 : i32
    %c0_i32_0 = arith.constant 0 : i32
    %c0_i32_1 = arith.constant 0 : i32
    return %c0_i32, %c0_i32_0 : i32, i32
  }
  func.func @transform_6(%arg0: i32) -> (i32, i32) {
    %c0_i32 = arith.constant 0 : i32
    %c0_i32_0 = arith.constant 0 : i32
    %c0_i32_1 = arith.constant 0 : i32
    return %c0_i32, %c0_i32_0 : i32, i32
  }
  func.func @transform_7(%arg0: i32) -> (i32, i32) {
    %c0_i32 = arith.constant 0 : i32
    %c0_i32_0 = arith.constant 0 : i32
    %c0_i32_1 = arith.constant 0 : i32
    return %c0_i32, %c0_i32_0 : i32, i32
  }
  func.func @transform_8(%arg0: i32) -> (i32, i32) {
    %c0_i32 = arith.constant 0 : i32
    %c0_i32_0 = arith.constant 0 : i32
    %c0_i32_1 = arith.constant 0 : i32
    return %c0_i32, %c0_i32_0 : i32, i32
  }
  func.func @transform_9(%arg0: i32) -> (i32, i32) {
    %c0_i32 = arith.constant 0 : i32
    %c0_i32_0 = arith.constant 0 : i32
    %c0_i32_1 = arith.constant 0 : i32
    return %c0_i32, %c0_i32_0 : i32, i32
  }
  func.func @transform_10(%arg0: i32) -> (i32, i32) {
    %c0_i32 = arith.constant 0 : i32
    %c0_i32_0 = arith.constant 0 : i32
    %c0_i32_1 = arith.constant 0 : i32
    return %c0_i32, %c0_i32_0 : i32, i32
  }
  func.func @transform_11(%arg0: i32) -> (i32, i32) {
    %add3A = arith.constant 80 : i32
    %add3A_0 = arith.addi %arg0, %add3A : i32
    %c0_i32 = arith.constant 0 : i32
    %c0_i32_1 = arith.constant 0 : i32
    return %add3A_0, %c0_i32 : i32, i32
  }
}

</mosaic_0001>

<sc_bundles>
// kernel: kernel.11.cloned.1.call-start
scs
__scs_entry_jumppad:
0x0: {  	(pc) =	sbr.rel $0x88, $3  }
0x1: {  	(tag) =	ssettag $0x0;
	lr =	simm.s32 $0x1  }
0x2: {  	[smem:$0x3F8E] =	sst lr;
	_ =	strace $0xD0000000  }
0x3: {  	_ = 	snop  }
0x4: {  	_ = 	snop  }
0x5: {  	_ = 	snop  }
0x6: {  	_ = 	snop  }
0x7: {  	_ = 	snop  }
__scs_overlays_trampoline_lowered:
0x8: {  	[smem:$0x3F9D] =	sst s0  }
0x9: {  	[smem:$0x3F9E] =	sst s1  }
0xa: {  	[smem:$0x3F9F] =	sst s2  }
0xb: {  	[smem:$0x3FA0] =	sst s3  }
0xc: {  	[smem:$0x3FA1] =	sst s4  }
0xd: {  	[smem:$0x3FA2] =	sst s5  }
0xe: {  	[smem:$0x3FA3] =	sst s6  }
0xf: {  	[smem:$0x3FA4] =	sst s7  }
0x10: {  	[smem:$0x3FA5] =	sst s8  }
0x11: {  	[smem:$0x3FA6] =	sst s9;
	s0 =	simm.s32 @!p0 $0x0  }
0x12: {  	s1 =	sld [smem:$0x3F8C];
	s0 =	simm.s32 @p0 $0x1  }
0x13: {  	[smem:$0x3FA7] =	sst s0;
	s0 =	simm.s32 @!p1 $0x0  }
0x14: {  	s2 =	sld [smem:$0x3F8B];
	s0 =	simm.s32 @p1 $0x1  }
0x15: {  	[smem:$0x3FA8] =	sst s0;
	s0 =	simm.s32 @!p2 $0x0  }
0x16: {  	s3 =	sld [smem:$0x3FDB];
	s0 =	simm.s32 @p2 $0x1  }
0x17: {  	s4 =	simm.s32 $0x1BF5;
	[smem:$0x3FAA] =	sst s0  }
0x18: {  	s0 =	sld [smem:$0x3F8D];
	_ =	swait.ge [sflag:s4], $0x0  }
0x19: {  	s7 =	sld [smem:$0x3F8E]  }
0x1a: {  	s8 =	sadd.s32 $0xFFFFE003, lr  }
0x1b: {  	s9 =	sadd.s32 $0xFFFFFEF7, lr;
	s5 =	simm.s32 $0xFFFFFFFF;
	p2 =	slt.u32 s8, $0xFFFFF086  }
0x1c: {  	p1 =	slt.u32 s9, $0xF7A;
	s5 =	simm.s32 @!p2 $0x0  }
0x1d: {  	s5 =	simm.s32 @p1 $0x1;
	p0 =	seq.s32 s7, s2  }
0x1e: {  	s7 =	smul.u32 @!p0 $0xF7A, s2;
	p2 =	seq.s32 @!p0 s5, $0x0  }
0x1f: {  	s9 =	smul.u32 $0xF7A, s1;
	s8 =	simm.s32 @!p0 $0x1BF5;
	p2 =	por !p2, p0  }
0x20: {  	[sflag:s8] =	ssyncset.s32 @!p0 $0xFFFFF086;
	s6 =	sadd.s32 @!p0 s3, s7;
	s7 =	simm.s32 @!p0 $0x108  }
0x21: {  	s3 =	sadd.s32 s3, s9;
	s6 =	sadd.s32 @!p0 $0x88, s6;
	s7 =	simm.s32 @p2 $0x1082  }
0x22: {  	[simem:s7], [sflag:s8] =	dma.local @!p0 [hbm:s6], $0xF7A  }
0x23: {  	s9 =	sor.u32 $0xD0000000, s2;
	s6 =	simm.s32 $0x108;
	_ =	swait.ge @!p0 [sflag:s8], $0x0  }
0x24: {  	s3 =	sadd.s32 $0x88, s3;
	s6 =	simm.s32 @!p1 $0x1082;
	[sflag:s4] =	ssyncset.s32 $0xFFFFF086  }
0x25: {  	[simem:s6], [sflag:s4] =	dma.local [hbm:s3], $0xF7A  }
0x26: {  	[smem:$0x3F8E] =	sst s1;
	(tag) =	ssettag s2;
	_ =	strace s9  }
0x27: {  	s1 =	sld [smem:$0x3F9E]  }
0x28: {  	s2 =	sld [smem:$0x3F9F]  }
0x29: {  	s4 =	sld [smem:$0x3FA1]  }
0x2a: {  	p0 =	seq.s32 s5, $0x0;
	s5 =	sld [smem:$0x3FA2]  }
0x2b: {  	s6 =	sld [smem:$0x3FA3]  }
0x2c: {  	s7 =	sld [smem:$0x3FA4]  }
0x2d: {  	s3 =	simm.s32 $0x108;
	s8 =	sld [smem:$0x3FA5]  }
0x2e: {  	s3 =	simm.s32 @!p0 $0x1082;
	s9 =	sld [smem:$0x3FA6]  }
0x2f: {  	lr =	sadd.s32 s0, s3;
	s0 =	sld [smem:$0x3F9D]  }
0x30: {  	s3 =	sld [smem:$0x3FA0]  }
0x31: {  	[smem:$0x3FA9] =	sst s10  }
0x32: {  	s10 =	sld [smem:$0x3FA7];
	_ =	sdelay $0x3  }
0x33: {  	p0 =	seq.s32 s10, $0x1;
	s10 =	sld [smem:$0x3FA9];
	_ =	sdelay $0x3  }
0x34: {  	[smem:$0x3FA9] =	sst s10  }
0x35: {  	s10 =	sld [smem:$0x3FA8];
	_ =	sdelay $0x3  }
0x36: {  	p1 =	seq.s32 s10, $0x1;
	s10 =	sld [smem:$0x3FA9];
	_ =	sdelay $0x3  }
0x37: {  	[smem:$0x3FA9] =	sst s10  }
0x38: {  	s10 =	sld [smem:$0x3FAA]  }
0x39: {  	_ = 	snop;
	(pc) =	sbr.ind lr, $3  }
0x3a: {  	_ = 	snop  }
0x3b: {  	_ = 	snop  }
0x3c: {  	p2 =	seq.s32 s10, $0x1;
	s10 =	sld [smem:$0x3FA9]  }
0x3d: {  	_ =	shalt  }
0x3e: {  	_ =	shalt  }
0x3f: {  	_ =	shalt  }
0x40: {  	_ =	shalt  }
0x41: {  	_ =	shalt  }
0x42: {  	_ =	shalt  }
0x43: {  	_ =	shalt  }
0x44: {  	_ =	shalt  }
0x45: {  	_ =	shalt  }
0x46: {  	_ =	shalt  }
0x47: {  	_ =	shalt  }
0x48: {  	_ =	shalt  }
0x49: {  	_ =	shalt  }
0x4a: {  	_ =	shalt  }
0x4b: {  	_ =	shalt  }
0x4c: {  	_ =	shalt  }
0x4d: {  	_ =	shalt  }
0x4e: {  	_ =	shalt  }
0x4f: {  	_ =	shalt  }
0x50: {  	_ =	shalt  }
0x51: {  	_ =	shalt  }
0x52: {  	_ =	shalt  }
0x53: {  	_ =	shalt  }
0x54: {  	_ =	shalt  }
0x55: {  	_ =	shalt  }
0x56: {  	_ =	shalt  }
0x57: {  	_ =	shalt  }
0x58: {  	_ =	shalt  }
0x59: {  	_ =	shalt  }
0x5a: {  	_ =	shalt  }
0x5b: {  	_ =	shalt  }
0x5c: {  	_ =	shalt  }
0x5d: {  	_ =	shalt  }
0x5e: {  	_ =	shalt  }
0x5f: {  	_ =	shalt  }
0x60: {  	_ =	shalt  }
0x61: {  	_ =	shalt  }
0x62: {  	_ =	shalt  }
0x63: {  	_ =	shalt  }
0x64: {  	_ =	shalt  }
0x65: {  	_ =	shalt  }
0x66: {  	_ =	shalt  }
0x67: {  	_ =	shalt  }
0x68: {  	_ =	shalt  }
0x69: {  	_ =	shalt  }
0x6a: {  	_ =	shalt  }
0x6b: {  	_ =	shalt  }
0x6c: {  	_ =	shalt  }
0x6d: {  	_ =	shalt  }
0x6e: {  	_ =	shalt  }
0x6f: {  	_ =	shalt  }
0x70: {  	_ =	shalt  }
0x71: {  	_ =	shalt  }
0x72: {  	_ =	shalt  }
0x73: {  	_ =	shalt  }
0x74: {  	_ =	shalt  }
0x75: {  	_ =	shalt  }
0x76: {  	_ =	shalt  }
0x77: {  	_ =	shalt  }
0x78: {  	_ =	shalt  }
0x79: {  	_ =	shalt  }
0x7a: {  	_ =	shalt  }
0x7b: {  	_ =	shalt  }
0x7c: {  	_ =	shalt  }
0x7d: {  	_ =	shalt  }
0x7e: {  	_ =	shalt  }
0x7f: {  	_ =	shalt  }
0x80: {  	_ =	shalt  }
0x81: {  	_ =	shalt  }
0x82: {  	_ =	shalt  }
0x83: {  	_ =	shalt  }
0x84: {  	_ =	shalt  }
0x85: {  	_ =	shalt  }
0x86: {  	_ =	shalt  }
0x87: {  	_ =	shalt  }
.Lfunc_end0:
.L_simem_size_0:
called_computation.1_lowered:
.L_overlay_start_0:
0x88: {  	s2 =	sld [smem:$0x3FD9]  }
0x89: {  	s3 =	sld [smem:$0x3FFE];
	_ =	sdelay $0x1  }
0x8a: {  	s1 =	srdreg.scid  }
0x8b: {  	s0 =	sand.u32 $0x1, s1  }
0x8c: {  	s16 =	sshll.u32 s0, $0xA;
	s2 =	sadd.s32 s3, s2  }
0x8d: {  	s2 =	sadd.s32 s2, s16  }
0x8e: {  	[smem:$0x3FB5] =	sst s2  }
0x8f: {  	_ = 	snop  }
0x90: {  	(tm) =	ssettm $0x1  }
0x91: {  	s17 =	sld [smem:$0x3FFB];
	_ =	sdelay $0x3  }
0x92: {  	_ =	strace s17  }
0x93: {  	s2 =	sld [smem:$0x3FFC];
	_ =	sdelay $0x3  }
0x94: {  	_ =	strace s2  }
0x95: {  	s2 =	sld [smem:$0x3FFD];
	_ =	sdelay $0x3  }
0x96: {  	_ =	strace s2  }
0x97: {  	_ =	strace $0x8FFFFFFF  }
0x98: {  	s18 =	sld [smem:$0x3FDB];
	_ =	sdelay $0x1  }
0x99: {  	s19 =	simm.s32 $_scs_section_size  }
0x9a: {  	s4 =	simm.s32 $_size__tile_overlayer_lowered;
	s5 =	simm.s32 $_tile_overlayer_lowered  }
0x9b: {  	s22 =	simm.s32 $0x1BFF;
	s21 =	sshll.u32 s5, $0x1;
	s2 =	sadd.s32 s19, s18  }
0x9c: {  	s6 =	simm.s32 $0x0;
	s20 =	sshll.u32 s4, $0x1;
	s4 =	sadd.s32 s21, s2  }
0x9d: {  	[timem:s6], [sflag:s22] =	dma.local [hbm:s4], s20  }
0x9e: {  	_ =	swait.ge [sflag:s22], s20  }
0x9f: {  	s3 =	ssub.s32 $0x0, s20;
	[sflag:s22] =	ssyncset.done $0x0  }
0xa0: {  	[sflag:s22] =	ssyncadd.s32 s3;
	_ =	sdelay $0x1  }
0xa1: {  	s23 =	simm.s32 $0x1B8B  }
0xa2: {  	_ =	swait.ge [sflag:s23], $0x1  }
0xa3: {  	[sflag:s23] =	ssyncset.done $0x0  }
0xa4: {  	s25 =	simm.s32 $0x1B8E;
	s24 =	sld [smem:$0x3FFE];
	[sflag:s23] =	ssyncadd.s32 $0xFFFFFFFF  }
0xa5: {  	s26 =	simm.s32 $execute0_lowered;
	[smem:$0x3FD2] =	sst s25  }
0xa6: {  	s4 =	sshll.u32 s26, $0x1;
	_ =	strace $0x80000049;
	[dreg:$0x1] =	wrdreg $0xFFFFFFFF  }
0xa7: {  	s28 =	simm.s32 $_size_execute0_lowered;
	s2 =	sadd.s32 s2, s4;
	[dreg:$0x0] =	wrdreg $0x0  }
0xa8: {  	s4 =	sshll.u32 s28, $0x1;
	[dreg:$0x2] =	wrdreg s2  }
0xa9: {  	[dreg:$0x3] =	wrdreg s4  }
0xaa: {  	[dreg:$0x4] =	wrdreg $0xC0  }
0xab: {  	_ =	task [dreg:s6], $0x5FFFF  }
0xac: {  	[dreg:$0x1] =	wrdreg $0xFFFFFFFF  }
0xad: {  	[dreg:$0x0] =	wrdreg $0x60  }
0xae: {  	[dreg:$0x2] =	wrdreg s24  }
0xaf: {  	[dreg:$0x3] =	wrdreg $0x9  }
0xb0: {  	_ =	task.clear_ibuf [dreg:s6], $0x4FFFF;
	_ =	strace $0x90000049  }
0xb1: {  	s29 =	simm.s32 $0x9;
	_ =	strace $0x8000004B  }
0xb2: {  	_ =	swait.ge [sflag:s29], $0x1  }
0xb3: {  	[sflag:s29] =	ssyncadd.s32 $0xFFFFFFFF  }
0xb4: {  	_ =	strace $0x9000004B  }
0xb5: {  	_ =	sfence  }
0xb6: {  	s30 =	sld [smem:$0x0];
	_ =	sdelay $0x2  }
0xb7: {  	s31 =	sshll.u32 s1, $0xD;
	s1 =	sshrl.u32 s1, $0x2  }
0xb8: {  	s3 =	sand.u32 $0x4000, s31;
	s1 =	sadd.s32 s1, s30  }
0xb9: {  	s0 =	sor.u32 s3, s0;
	s1 =	sshll.u32 s1, $0x11  }
0xba: {  	s0 =	sor.u32 s1, s0  }
0xbb: {  	s0 =	sadd.s32 $0x8F2B, s0  }
0xbc: {  	[sflag:s0] =	ssyncadd.remote.s32 $0x1  }
0xbd: {  	_ =	sfence.sel $0xFFFF  }
0xbe: {  	[dreg:$0x0] =	wrdreg $0xFFFFFFFF;
	(pc) =	sbr.abs _section_cstart, $3  }
0xbf: {  	[dreg:$0x1] =	wrdreg $0xFFFFFFFF  }
0xc0: {  	_ =	task.clear_ibuf [dreg:s6], $0x2FFFF;
	_ =	strace $0x9FFFFFFF  }
0xc1: {  	(tm) =	ssettm $0x7FFFFFFF  }
tec
execute0_lowered:
.L_overlay_start_1:
0x0: {  	(tag) =	ssettag $0x1  }
0x1: {  	s0 =	rddreg [dreg:$0x0]  }
0x2: {  	s1 =	simm.s32 $0x0;
	s2 =	srdreg.scid;
	s5 =	stileid.u32  }
0x3: {  	s16 =	simm.s32 $0xB;
	s18 =	simm.s32 $0x80;
	s19 =	simm.s32 $0x200  }
0x4: {  	s28 =	simm.s32 $0xC200;
	s29 =	simm.s32 $0x2;
	s30 =	simm.s32 $0x4  }
0x5: {  	s31 =	simm.s32 $0x5;
	[smem:$0x7FF] =	sst s1;
	s3 =	sadd.s32 $0x17E00, s0  }
0x6: {  	s4 =	sadd.s32 $0x3F000, s0;
	s2 =	sand.u32 $0x1, s2;
	s6 =	sshll.u32 s5, $0x1  }
0x7: {  	s5 =	sadd.s32 $0x3A00, s0;
	s7 =	sadd.s32 $0xD800, s0;
	s8 =	sadd.s32 $0x66200, s0  }
0x8: {  	_ =	strace $0x8000004A;
	s9 =	ssub.s32 $0x2, s2;
	s6 =	sor.u32 s2, s6  }
0x9: {  	s21 =	sshrl.u32 s9, $0x1;
	s10 =	sshll.u32 s6, $0x4;
	s13 =	sor.u32 $0x40, s6  }
0xa: {  	s14 =	sor.u32 $0x60, s6;
	s22 =	ssub.s32 s9, s21;
	s24 =	sadd.s32 s5, s10  }
0xb: {  	s23 =	sor.u32 $0x200, s10;
	s25 =	sadd.s32 s7, s10;
	[dreg:$0x2] =	wrdreg s24  }
0xc: {  	s21 =	simm.s32 $0x180;
	[dreg:$0x3] =	wrdreg s25;
	s26 =	sadd.s32 s5, s23  }
0xd: {  	s2 =	sadd.s32 s7, s23;
	s0 =	smax.u32 s22, $0x1;
	[dreg:$0x4] =	wrdreg s26  }
0xe: {  	s22 =	simm.s32 $0x1;
	s23 =	simm.s32 $0x3;
	[dreg:$0x5] =	wrdreg s2  }
0xf: {  	s24 =	simm.s32 $0x8;
	s25 =	simm.s32 $0xA;
	[dreg:$0x6] =	wrdreg s0  }
0x10: {  	s26 =	simm.s32 $0x4200;
	s0 =	simm.s32 $0x6;
	s2 =	simm.s32 $0x0  }
.LBB2_1:
0x11: {  	s9 =	rddreg [dreg:$0x2]  }
0x12: {  	[tilespmem:s1], [sflag:$0xB] =	stream.linear.gather [hbm4b:s9+s1], $0x80, $0x38;
	[tilespmem:$0x10200] =	vst v63  }
0x13: {  	_ =	swait.ge [sflag:s16], $0x80  }
0x14: {  	[sflag:s16] =	ssyncset.done $0x0  }
0x15: {  	s10 =	simm.s32 $0x100;
	s12 =	rddreg [dreg:$0x3];
	[sflag:s16] =	ssyncadd.s32 $0xFFFFFF80  }
0x16: {  	[tilespmem:s10], [sflag:$0xB] =	stream.linear.gather [hbm4b:s12+s1], $0x80, $0x38;
	[tilespmem:$0x10200] =	vst v63  }
0x17: {  	_ =	swait.ge [sflag:s16], $0x80  }
0x18: {  	[sflag:s16] =	ssyncset.done $0x0  }
0x19: {  	[sflag:s16] =	ssyncadd.s32 $0xFFFFFF80  }
0x1a: {  	[tilespmem:s19], [sflag:$0x1] =	stream.indirect.gather [hbm4b:s3+s18], $0x80, s1, s18, $0xb8;
	[tilespmem:$0x10200] =	vst v63  }
0x1b: {  	s15 =	simm.s32 $0x8200  }
0x1c: {  	[tilespmem:s15], [sflag:$0x3] =	stream.indirect.gather [hbm4b:s4+s18], $0x80, s10, s18, $0xb8;
	[tilespmem:$0x10200] =	vst v63  }
0x1d: {  	s17 =	rddreg [dreg:$0x4]  }
0x1e: {  	[tilespmem:s18], [sflag:$0x8] =	stream.linear.gather [hbm4b:s17+s1], $0x80, $0x38;
	[tilespmem:$0x10200] =	vst v63  }
0x1f: {  	s20 =	rddreg [dreg:$0x5]  }
0x20: {  	[tilespmem:s21], [sflag:$0xA] =	stream.linear.gather [hbm4b:s20+s1], $0x80, $0x38;
	[tilespmem:$0x10200] =	vst v63  }
0x21: {  	s20 =	simm.s32 $0x0  }
.LBB2_2:
0x22: {  	_ =	swait.ge [sflag:s22], $0x4000  }
0x23: {  	[sflag:s22] =	ssyncset.done $0x0  }
0x24: {  	[sflag:s22] =	ssyncadd.s32 $0xFFFFC000  }
0x25: {  	_ =	swait.ge [sflag:s23], $0x4000  }
0x26: {  	p0 =	seq.s32 s20, $0x0;
	[sflag:s23] =	ssyncset.done $0x0  }
0x27: {  	s9 =	simm.s32 @!p0 $0x6;
	[sflag:s23] =	ssyncadd.s32 $0xFFFFC000  }
0x28: {  	_ =	swait.ge @!p0 [sflag:s9], $0x4000  }
0x29: {  	[sflag:s9] =	ssyncset.done @!p0 $0x0  }
0x2a: {  	[sflag:s9] =	ssyncadd.s32 @!p0 $0xFFFFC000  }
0x2b: {  	_ =	swait.ge [sflag:s24], $0x80  }
0x2c: {  	[sflag:s24] =	ssyncset.done $0x0  }
0x2d: {  	[sflag:s24] =	ssyncadd.s32 $0xFFFFFF80  }
0x2e: {  	s9 =	sshll.u32 s20, $0x6;
	p0 =	seq.s32 s20, $0x13;
	_ =	swait.ge [sflag:s25], $0x80  }
0x2f: {  	s10 =	sadd.s32 @!p0 s13, s9;
	[sflag:s25] =	ssyncset.done $0x0  }
0x30: {  	s10 =	smin.u32 @!p0 s10, $0x4E1;
	[sflag:s25] =	ssyncadd.s32 $0xFFFFFF80  }
0x31: {  	[tilespmem:s26], [sflag:$0x2] =	stream.indirect.gather [hbm4b:s3+s18], $0x80, s18, s18, $0xb8;
	[tilespmem:$0x10200] =	vst v63  }
0x32: {  	s10 =	sshll.u32 @!p0 s10, $0x4  }
0x33: {  	[tilespmem:s28], [sflag:$0x4] =	stream.indirect.gather [hbm4b:s4+s18], $0x80, s21, s18, $0xb8;
	[tilespmem:$0x10200] =	vst v63  }
0x34: {  	s12 =	simm.s32 @!p0 $0x0;
	s11 =	sadd.s32 @!p0 s5, s10  }
0x35: {  	[tilespmem:s12], [sflag:$0x7] =	stream.linear.gather @!p0 [hbm4b:s11+s12], $0x80, $0x38;
	[tilespmem:$0x10200] =	vst v63  }
0x36: {  	s10 =	sadd.s32 @!p0 s7, s10;
	s11 =	simm.s32 @!p0 $0x100  }
0x37: {  	[tilespmem:s11], [sflag:$0x9] =	stream.linear.gather @!p0 [hbm4b:s10+s12], $0x80, $0x38;
	[tilespmem:$0x10200] =	vst v63  }
0x38: {  	s11 =	simm.s32 $0x0;
	s10 =	simm.s32 $0x200  }
.LBB2_3:
0x39: {  	p1 =	sne.s32 s10, $0xFE00;
	v0 =	vld [tilespmem:s11+$0x8270]  }
0x3a: {  	v1 =	vld [tilespmem:s11+$0x8200]  }
0x3b: {  	v2 =	vld [tilespmem:s11+$0x8210]  }
0x3c: {  	v3 =	vld [tilespmem:s11+$0x8220]  }
0x3d: {  	v4 =	vld [tilespmem:s11+$0x8230]  }
0x3e: {  	[tilespmem:s11+$0x270] =	vst.add.f32.msk $0xffff, v0  }
0x3f: {  	v0 =	vld [tilespmem:s11+$0x8240]  }
0x40: {  	v5 =	vld [tilespmem:s11+$0x8250]  }
0x41: {  	v6 =	vld [tilespmem:s11+$0x8260]  }
0x42: {  	[tilespmem:s11+$0x200] =	vst.add.f32.msk $0xffff, v1  }
0x43: {  	[tilespmem:s11+$0x210] =	vst.add.f32.msk $0xffff, v2  }
.Ltmp0:
0x44: {  	[tilespmem:s11+$0x220] =	vst.add.f32.msk $0xffff, v3;
	(pc) =	sbr.rel @p1 .LBB2_3-.Ltmp0, $4  }
0x45: {  	[tilespmem:s11+$0x230] =	vst.add.f32.msk $0xffff, v4  }
0x46: {  	[tilespmem:s11+$0x240] =	vst.add.f32.msk $0xffff, v0  }
0x47: {  	[tilespmem:s11+$0x250] =	vst.add.f32.msk $0xffff, v5  }
0x48: {  	[tilespmem:s11+$0x260] =	vst.add.f32.msk $0xffff, v6;
	s11 =	sshra.s32 s10, $0x2;
	s10 =	sadd.s32 $0x200, s10  }
0x49: {  	v0 =	vld [tilespmem:s11+$0x8270]  }
0x4a: {  	v1 =	vld [tilespmem:s11+$0x8200]  }
0x4b: {  	v2 =	vld [tilespmem:s11+$0x8210]  }
0x4c: {  	v3 =	vld [tilespmem:s11+$0x8220]  }
0x4d: {  	v4 =	vld [tilespmem:s11+$0x8230]  }
0x4e: {  	v63 =	vld [tilespmem:s11+$0x8240]  }
0x4f: {  	v5 =	vld [tilespmem:s11+$0x8250]  }
0x50: {  	v6 =	vld [tilespmem:s11+$0x8260]  }
0x51: {  	[tilespmem:s11+$0x270] =	vst.add.f32.msk $0xffff, v0  }
0x52: {  	[tilespmem:s11+$0x200] =	vst.add.f32.msk $0xffff, v1  }
0x53: {  	[tilespmem:s11+$0x210] =	vst.add.f32.msk $0xffff, v2  }
0x54: {  	[tilespmem:s11+$0x220] =	vst.add.f32.msk $0xffff, v3  }
0x55: {  	[tilespmem:s11+$0x230] =	vst.add.f32.msk $0xffff, v4  }
0x56: {  	s10 =	sor.u32 s6, s9;
	[tilespmem:s11+$0x240] =	vst.add.f32.msk $0xffff, v63  }
0x57: {  	s12 =	sshll.u32 s10, $0xB;
	[tilespmem:s11+$0x250] =	vst.add.f32.msk $0xffff, v5  }
0x58: {  	s17 =	sadd.s32 s8, s12;
	[tilespmem:s11+$0x260] =	vst.add.f32.msk $0xffff, v6  }
0x59: {  	[hbm4b:s17+s1] =	stream.linear.scatter [tilespmem:s19], [sflag:$0x5], $0x4000, $0x38;
	[tilespmem:$0x10200] =	vst v63  }
0x5a: {  	_ =	swait.ge [sflag:s29], $0x4000  }
0x5b: {  	[sflag:s29] =	ssyncset.done $0x0  }
0x5c: {  	[sflag:s29] =	ssyncadd.s32 $0xFFFFC000  }
0x5d: {  	_ =	swait.ge [sflag:s30], $0x4000  }
0x5e: {  	[sflag:s30] =	ssyncset.done $0x0  }
0x5f: {  	s11 =	simm.s32 @!p0 $0x5;
	[sflag:s30] =	ssyncadd.s32 $0xFFFFC000  }
0x60: {  	_ =	swait.ge @!p0 [sflag:s11], $0x4000  }
0x61: {  	[sflag:s11] =	ssyncset.done @!p0 $0x0  }
0x62: {  	[sflag:s11] =	ssyncadd.s32 @!p0 $0xFFFFC000;
	s11 =	simm.s32 @!p0 $0x7  }
0x63: {  	_ =	swait.ge @!p0 [sflag:s11], $0x80  }
0x64: {  	[sflag:s11] =	ssyncset.done @!p0 $0x0  }
0x65: {  	[sflag:s11] =	ssyncadd.s32 @!p0 $0xFFFFFF80;
	s11 =	simm.s32 @!p0 $0x9  }
0x66: {  	s9 =	sadd.s32 @!p0 s14, s9;
	_ =	swait.ge @!p0 [sflag:s11], $0x80  }
0x67: {  	s9 =	smin.u32 @!p0 s9, $0x4E1;
	s12 =	simm.s32 @!p0 $0x0;
	[sflag:s11] =	ssyncset.done @!p0 $0x0  }
0x68: {  	s17 =	simm.s32 @!p0 $0x200;
	[sflag:s11] =	ssyncadd.s32 @!p0 $0xFFFFFF80;
	s11 =	simm.s32 @!p0 $0x80  }
0x69: {  	[tilespmem:s17], [sflag:$0x1] =	stream.indirect.gather @!p0 [hbm4b:s3+s11], $0x80, s12, s11, $0xb8;
	[tilespmem:$0x10200] =	vst v63  }
0x6a: {  	s15 =	simm.s32 @!p0 $0x8200;
	s9 =	sshll.u32 @!p0 s9, $0x4;
	s17 =	simm.s32 @!p0 $0x100  }
0x6b: {  	[tilespmem:s15], [sflag:$0x3] =	stream.indirect.gather @!p0 [hbm4b:s4+s11], $0x80, s17, s11, $0xb8;
	[tilespmem:$0x10200] =	vst v63  }
0x6c: {  	s15 =	sadd.s32 @!p0 s5, s9  }
0x6d: {  	[tilespmem:s11], [sflag:$0x8] =	stream.linear.gather @!p0 [hbm4b:s15+s12], $0x80, $0x38;
	[tilespmem:$0x10200] =	vst v63  }
0x6e: {  	s9 =	sadd.s32 @!p0 s7, s9;
	s11 =	simm.s32 @!p0 $0x180  }
0x6f: {  	[tilespmem:s11], [sflag:$0xA] =	stream.linear.gather @!p0 [hbm4b:s9+s12], $0x80, $0x38;
	[tilespmem:$0x10200] =	vst v63  }
0x70: {  	s9 =	simm.s32 $0x0;
	s11 =	simm.s32 $0x200  }
.LBB2_5:
0x71: {  	p0 =	sne.s32 s11, $0xFE00;
	v0 =	vld [tilespmem:s9+$0xC270]  }
0x72: {  	v1 =	vld [tilespmem:s9+$0xC200]  }
0x73: {  	v2 =	vld [tilespmem:s9+$0xC210]  }
0x74: {  	v3 =	vld [tilespmem:s9+$0xC220]  }
0x75: {  	v4 =	vld [tilespmem:s9+$0xC230]  }
0x76: {  	[tilespmem:s9+$0x4270] =	vst.add.f32.msk $0xffff, v0  }
0x77: {  	v0 =	vld [tilespmem:s9+$0xC240]  }
0x78: {  	v5 =	vld [tilespmem:s9+$0xC250]  }
0x79: {  	v6 =	vld [tilespmem:s9+$0xC260]  }
0x7a: {  	[tilespmem:s9+$0x4200] =	vst.add.f32.msk $0xffff, v1  }
0x7b: {  	[tilespmem:s9+$0x4210] =	vst.add.f32.msk $0xffff, v2  }
.Ltmp1:
0x7c: {  	[tilespmem:s9+$0x4220] =	vst.add.f32.msk $0xffff, v3;
	(pc) =	sbr.rel @p0 .LBB2_5-.Ltmp1, $4  }
0x7d: {  	[tilespmem:s9+$0x4230] =	vst.add.f32.msk $0xffff, v4  }
0x7e: {  	[tilespmem:s9+$0x4240] =	vst.add.f32.msk $0xffff, v0  }
0x7f: {  	[tilespmem:s9+$0x4250] =	vst.add.f32.msk $0xffff, v5  }
0x80: {  	[tilespmem:s9+$0x4260] =	vst.add.f32.msk $0xffff, v6;
	s9 =	sshra.s32 s11, $0x2;
	s11 =	sadd.s32 $0x200, s11  }
0x81: {  	v0 =	vld [tilespmem:s9+$0xC270]  }
0x82: {  	v1 =	vld [tilespmem:s9+$0xC200]  }
0x83: {  	v2 =	vld [tilespmem:s9+$0xC210]  }
0x84: {  	v3 =	vld [tilespmem:s9+$0xC220]  }
0x85: {  	v4 =	vld [tilespmem:s9+$0xC230]  }
0x86: {  	v63 =	vld [tilespmem:s9+$0xC240]  }
0x87: {  	v5 =	vld [tilespmem:s9+$0xC250]  }
0x88: {  	v6 =	vld [tilespmem:s9+$0xC260]  }
0x89: {  	[tilespmem:s9+$0x4270] =	vst.add.f32.msk $0xffff, v0  }
0x8a: {  	[tilespmem:s9+$0x4200] =	vst.add.f32.msk $0xffff, v1  }
0x8b: {  	s20 =	sadd.s32 $0x1, s20;
	[tilespmem:s9+$0x4210] =	vst.add.f32.msk $0xffff, v2  }
0x8c: {  	p0 =	sne.s32 s20, $0x14;
	[tilespmem:s9+$0x4220] =	vst.add.f32.msk $0xffff, v3  }
.Ltmp2:
0x8d: {  	s10 =	sor.u32 $0x20, s10;
	[tilespmem:s9+$0x4230] =	vst.add.f32.msk $0xffff, v4;
	(pc) =	sbr.rel @p0 .LBB2_2-.Ltmp2, $4  }
0x8e: {  	s10 =	smin.u32 s10, $0x4E1;
	[tilespmem:s9+$0x4240] =	vst.add.f32.msk $0xffff, v63  }
0x8f: {  	s10 =	sshll.u32 s10, $0xB;
	[tilespmem:s9+$0x4250] =	vst.add.f32.msk $0xffff, v5  }
0x90: {  	s17 =	sadd.s32 s8, s10;
	[tilespmem:s9+$0x4260] =	vst.add.f32.msk $0xffff, v6  }
0x91: {  	[hbm4b:s17+s1] =	stream.linear.scatter [tilespmem:s26], [sflag:$0x6], $0x4000, $0x38;
	[tilespmem:$0x10200] =	vst v63  }
0x92: {  	_ =	swait.ge [sflag:s31], $0x4000  }
0x93: {  	[sflag:s31] =	ssyncset.done $0x0  }
0x94: {  	[sflag:s31] =	ssyncadd.s32 $0xFFFFC000  }
0x95: {  	_ =	swait.ge [sflag:s0], $0x4000  }
0x96: {  	s2 =	sadd.s32 $0x1, s2;
	s9 =	rddreg [dreg:$0x6]  }
0x97: {  	p0 =	sne.s32 s2, s9  }
.Ltmp3:
0x98: {  	_ = 	snop;
	(pc) =	sbr.rel @p0 .LBB2_1-.Ltmp3, $3  }
0x99: {  	_ =	sdelay $0x1  }
0x9a: {  	[sflag:s0] =	ssyncset.done $0x0  }
0x9b: {  	[sflag:s0] =	ssyncadd.s32 $0xFFFFC000  }
0x9c: {  	_ =	sfence.sel $0x180000  }
0x9d: {  	[bflag:$0x0] =	sbarrier.arrive $0xFFFF  }
0x9e: {  	_ =	strace $0x9000004A  }
0x9f: {  	s0 =	stileid.u32;
	[bflag:$0x2] =	sbarrier.arrive $0xFFFF  }
0xa0: {  	p0 =	sne.s32 s0, $0x0;
	s0 =	rddreg [dreg:$0x1]  }
0xa1: {  	s0 =	sadd.s32 @!p0 $0x100000, s0  }
0xa2: {  	[sflag:s0] =	ssyncadd.tile.s32 @!p0 $0x1;
	_ =	shalt  }
.Lfunc_end2:
_tile_overlayer_lowered:
.L_overlay_start_2:
0xa3: {  	(tag) =	ssettag $0x2  }
0xa4: {  	s0 =	rddreg [dreg:$0x0];
	s2 =	stileid.u32  }
0xa5: {  	s1 =	rddreg [dreg:$0x1];
	p0 =	sne.s32 s2, $0x0  }
0xa6: {  	s3 =	rddreg [dreg:$0x2];
	[bflag:$0x3] =	sbarrier.arrive $0xFFFF;
	s2 =	simm.s32 @!p0 $0x1C0B  }
0xa7: {  	[timem:s3], [sflag:s2] =	dma.local @!p0 [hbm:s0], s1  }
0xa8: {  	s0 =	simm.s32 @!p0 $0xB  }
0xa9: {  	_ =	swait.ge @!p0 [sflag:s0], s1  }
0xaa: {  	s1 =	ssub.s32 @!p0 $0x0, s1;
	[sflag:s0] =	ssyncset.done @!p0 $0x0  }
0xab: {  	[sflag:s0] =	ssyncadd.s32 @!p0 s1  }
0xac: {  	[bflag:$0x3] =	sbarrier.arrive $0xFFFF  }
0xad: {  	_ =	shalt  }

// kernel: kernel.14.cloned.1.call-start
scs
__scs_entry_jumppad:
0x0: {  	(pc) =	sbr.rel $0x88, $3  }
0x1: {  	(tag) =	ssettag $0x0;
	lr =	simm.s32 $0x1  }
0x2: {  	[smem:$0x3F8E] =	sst lr;
	_ =	strace $0xD0000000  }
0x3: {  	_ = 	snop  }
0x4: {  	_ = 	snop  }
0x5: {  	_ = 	snop  }
0x6: {  	_ = 	snop  }
0x7: {  	_ = 	snop  }
__scs_overlays_trampoline_lowered:
0x8: {  	[smem:$0x3F9D] =	sst s0  }
0x9: {  	[smem:$0x3F9E] =	sst s1  }
0xa: {  	[smem:$0x3F9F] =	sst s2  }
0xb: {  	[smem:$0x3FA0] =	sst s3  }
0xc: {  	[smem:$0x3FA1] =	sst s4  }
0xd: {  	[smem:$0x3FA2] =	sst s5  }
0xe: {  	[smem:$0x3FA3] =	sst s6  }
0xf: {  	[smem:$0x3FA4] =	sst s7  }
0x10: {  	[smem:$0x3FA5] =	sst s8  }
0x11: {  	[smem:$0x3FA6] =	sst s9;
	s0 =	simm.s32 @!p0 $0x0  }
0x12: {  	s1 =	sld [smem:$0x3F8C];
	s0 =	simm.s32 @p0 $0x1  }
0x13: {  	[smem:$0x3FA7] =	sst s0;
	s0 =	simm.s32 @!p1 $0x0  }
0x14: {  	s2 =	sld [smem:$0x3F8B];
	s0 =	simm.s32 @p1 $0x1  }
0x15: {  	[smem:$0x3FA8] =	sst s0;
	s0 =	simm.s32 @!p2 $0x0  }
0x16: {  	s3 =	sld [smem:$0x3FDB];
	s0 =	simm.s32 @p2 $0x1  }
0x17: {  	s4 =	simm.s32 $0x1BF5;
	[smem:$0x3FAA] =	sst s0  }
0x18: {  	s0 =	sld [smem:$0x3F8D];
	_ =	swait.ge [sflag:s4], $0x0  }
0x19: {  	s7 =	sld [smem:$0x3F8E]  }
0x1a: {  	s8 =	sadd.s32 $0xFFFFE003, lr  }
0x1b: {  	s9 =	sadd.s32 $0xFFFFFEF7, lr;
	s5 =	simm.s32 $0xFFFFFFFF;
	p2 =	slt.u32 s8, $0xFFFFF086  }
0x1c: {  	p1 =	slt.u32 s9, $0xF7A;
	s5 =	simm.s32 @!p2 $0x0  }
0x1d: {  	s5 =	simm.s32 @p1 $0x1;
	p0 =	seq.s32 s7, s2  }
0x1e: {  	s7 =	smul.u32 @!p0 $0xF7A, s2;
	p2 =	seq.s32 @!p0 s5, $0x0  }
0x1f: {  	s9 =	smul.u32 $0xF7A, s1;
	s8 =	simm.s32 @!p0 $0x1BF5;
	p2 =	por !p2, p0  }
0x20: {  	[sflag:s8] =	ssyncset.s32 @!p0 $0xFFFFF086;
	s6 =	sadd.s32 @!p0 s3, s7;
	s7 =	simm.s32 @!p0 $0x108  }
0x21: {  	s3 =	sadd.s32 s3, s9;
	s6 =	sadd.s32 @!p0 $0x88, s6;
	s7 =	simm.s32 @p2 $0x1082  }
0x22: {  	[simem:s7], [sflag:s8] =	dma.local @!p0 [hbm:s6], $0xF7A  }
0x23: {  	s9 =	sor.u32 $0xD0000000, s2;
	s6 =	simm.s32 $0x108;
	_ =	swait.ge @!p0 [sflag:s8], $0x0  }
0x24: {  	s3 =	sadd.s32 $0x88, s3;
	s6 =	simm.s32 @!p1 $0x1082;
	[sflag:s4] =	ssyncset.s32 $0xFFFFF086  }
0x25: {  	[simem:s6], [sflag:s4] =	dma.local [hbm:s3], $0xF7A  }
0x26: {  	[smem:$0x3F8E] =	sst s1;
	(tag) =	ssettag s2;
	_ =	strace s9  }
0x27: {  	s1 =	sld [smem:$0x3F9E]  }
0x28: {  	s2 =	sld [smem:$0x3F9F]  }
0x29: {  	s4 =	sld [smem:$0x3FA1]  }
0x2a: {  	p0 =	seq.s32 s5, $0x0;
	s5 =	sld [smem:$0x3FA2]  }
0x2b: {  	s6 =	sld [smem:$0x3FA3]  }
0x2c: {  	s7 =	sld [smem:$0x3FA4]  }
0x2d: {  	s3 =	simm.s32 $0x108;
	s8 =	sld [smem:$0x3FA5]  }
0x2e: {  	s3 =	simm.s32 @!p0 $0x1082;
	s9 =	sld [smem:$0x3FA6]  }
0x2f: {  	lr =	sadd.s32 s0, s3;
	s0 =	sld [smem:$0x3F9D]  }
0x30: {  	s3 =	sld [smem:$0x3FA0]  }
0x31: {  	[smem:$0x3FA9] =	sst s10  }
0x32: {  	s10 =	sld [smem:$0x3FA7];
	_ =	sdelay $0x3  }
0x33: {  	p0 =	seq.s32 s10, $0x1;
	s10 =	sld [smem:$0x3FA9];
	_ =	sdelay $0x3  }
0x34: {  	[smem:$0x3FA9] =	sst s10  }
0x35: {  	s10 =	sld [smem:$0x3FA8];
	_ =	sdelay $0x3  }
0x36: {  	p1 =	seq.s32 s10, $0x1;
	s10 =	sld [smem:$0x3FA9];
	_ =	sdelay $0x3  }
0x37: {  	[smem:$0x3FA9] =	sst s10  }
0x38: {  	s10 =	sld [smem:$0x3FAA]  }
0x39: {  	_ = 	snop;
	(pc) =	sbr.ind lr, $3  }
0x3a: {  	_ = 	snop  }
0x3b: {  	_ = 	snop  }
0x3c: {  	p2 =	seq.s32 s10, $0x1;
	s10 =	sld [smem:$0x3FA9]  }
0x3d: {  	_ =	shalt  }
0x3e: {  	_ =	shalt  }
0x3f: {  	_ =	shalt  }
0x40: {  	_ =	shalt  }
0x41: {  	_ =	shalt  }
0x42: {  	_ =	shalt  }
0x43: {  	_ =	shalt  }
0x44: {  	_ =	shalt  }
0x45: {  	_ =	shalt  }
0x46: {  	_ =	shalt  }
0x47: {  	_ =	shalt  }
0x48: {  	_ =	shalt  }
0x49: {  	_ =	shalt  }
0x4a: {  	_ =	shalt  }
0x4b: {  	_ =	shalt  }
0x4c: {  	_ =	shalt  }
0x4d: {  	_ =	shalt  }
0x4e: {  	_ =	shalt  }
0x4f: {  	_ =	shalt  }
0x50: {  	_ =	shalt  }
0x51: {  	_ =	shalt  }
0x52: {  	_ =	shalt  }
0x53: {  	_ =	shalt  }
0x54: {  	_ =	shalt  }
0x55: {  	_ =	shalt  }
0x56: {  	_ =	shalt  }
0x57: {  	_ =	shalt  }
0x58: {  	_ =	shalt  }
0x59: {  	_ =	shalt  }
0x5a: {  	_ =	shalt  }
0x5b: {  	_ =	shalt  }
0x5c: {  	_ =	shalt  }
0x5d: {  	_ =	shalt  }
0x5e: {  	_ =	shalt  }
0x5f: {  	_ =	shalt  }
0x60: {  	_ =	shalt  }
0x61: {  	_ =	shalt  }
0x62: {  	_ =	shalt  }
0x63: {  	_ =	shalt  }
0x64: {  	_ =	shalt  }
0x65: {  	_ =	shalt  }
0x66: {  	_ =	shalt  }
0x67: {  	_ =	shalt  }
0x68: {  	_ =	shalt  }
0x69: {  	_ =	shalt  }
0x6a: {  	_ =	shalt  }
0x6b: {  	_ =	shalt  }
0x6c: {  	_ =	shalt  }
0x6d: {  	_ =	shalt  }
0x6e: {  	_ =	shalt  }
0x6f: {  	_ =	shalt  }
0x70: {  	_ =	shalt  }
0x71: {  	_ =	shalt  }
0x72: {  	_ =	shalt  }
0x73: {  	_ =	shalt  }
0x74: {  	_ =	shalt  }
0x75: {  	_ =	shalt  }
0x76: {  	_ =	shalt  }
0x77: {  	_ =	shalt  }
0x78: {  	_ =	shalt  }
0x79: {  	_ =	shalt  }
0x7a: {  	_ =	shalt  }
0x7b: {  	_ =	shalt  }
0x7c: {  	_ =	shalt  }
0x7d: {  	_ =	shalt  }
0x7e: {  	_ =	shalt  }
0x7f: {  	_ =	shalt  }
0x80: {  	_ =	shalt  }
0x81: {  	_ =	shalt  }
0x82: {  	_ =	shalt  }
0x83: {  	_ =	shalt  }
0x84: {  	_ =	shalt  }
0x85: {  	_ =	shalt  }
0x86: {  	_ =	shalt  }
0x87: {  	_ =	shalt  }
.Lfunc_end0:
.L_simem_size_0:
called_computation.2_lowered:
.L_overlay_start_0:
0x88: {  	s2 =	sld [smem:$0x3FD9]  }
0x89: {  	s3 =	sld [smem:$0x3FFE];
	_ =	sdelay $0x1  }
0x8a: {  	s1 =	srdreg.scid  }
0x8b: {  	s0 =	sand.u32 $0x1, s1  }
0x8c: {  	s17 =	sshll.u32 s0, $0xA;
	s2 =	sadd.s32 s3, s2  }
0x8d: {  	s2 =	sadd.s32 s2, s17  }
0x8e: {  	[smem:$0x3FB5] =	sst s2  }
0x8f: {  	_ = 	snop  }
0x90: {  	(tm) =	ssettm $0x1  }
0x91: {  	s18 =	sld [smem:$0x3FFB];
	_ =	sdelay $0x3  }
0x92: {  	_ =	strace s18  }
0x93: {  	s2 =	sld [smem:$0x3FFC];
	_ =	sdelay $0x3  }
0x94: {  	_ =	strace s2  }
0x95: {  	s2 =	sld [smem:$0x3FFD];
	_ =	sdelay $0x3  }
0x96: {  	_ =	strace s2  }
0x97: {  	_ =	strace $0x8FFFFFFF  }
0x98: {  	s19 =	sld [smem:$0x3FDB];
	_ =	sdelay $0x1  }
0x99: {  	s20 =	simm.s32 $_scs_section_size  }
0x9a: {  	s4 =	simm.s32 $_size__tile_overlayer_lowered;
	s5 =	simm.s32 $_tile_overlayer_lowered  }
0x9b: {  	s6 =	simm.s32 $0x1BFF;
	s21 =	sshll.u32 s5, $0x1;
	s3 =	sadd.s32 s20, s19  }
0x9c: {  	s22 =	simm.s32 $0x0;
	s4 =	sshll.u32 s4, $0x1;
	s5 =	sadd.s32 s21, s3  }
0x9d: {  	[timem:s22], [sflag:s6] =	dma.local [hbm:s5], s4  }
0x9e: {  	_ =	swait.ge [sflag:s6], s4  }
0x9f: {  	s4 =	ssub.s32 $0x0, s4;
	[sflag:s6] =	ssyncset.done $0x0  }
0xa0: {  	[sflag:s6] =	ssyncadd.s32 s4;
	_ =	sdelay $0x1  }
0xa1: {  	s23 =	simm.s32 $0x1B8B  }
0xa2: {  	_ =	swait.ge [sflag:s23], $0x1  }
0xa3: {  	[sflag:s23] =	ssyncset.done $0x0  }
0xa4: {  	[sflag:s23] =	ssyncadd.s32 $0xFFFFFFFF  }
0xa5: {  	s4 =	sld [smem:$0x0]  }
0xa6: {  	s5 =	sand.u32 $0xFFFFFFFE, s1  }
0xa7: {  	p0 =	sne.s32 s1, s5  }
0xa8: {  	s5 =	sshll.u32 @p0 s5, $0xE  }
0xa9: {  	s5 =	sadd.s32 @p0 $0x11B8D, s5;
	s6 =	sshll.u32 @p0 s4, $0x11  }
0xaa: {  	s5 =	sor.u32 @p0 s6, s5  }
0xab: {  	[sflag:s5] =	ssyncadd.remote.s32 @p0 $0x1;
	_ =	sdelay $0x1  }
0xac: {  	s5 =	simm.s32 @p0 $0x1B8D  }
0xad: {  	_ =	swait.eq @p0 [sflag:s5], $0x1  }
0xae: {  	[sflag:s5] =	ssyncadd.s32 @p0 $0xFFFFFFFF  }
0xaf: {  	s6 =	sshll.u32 @!p0 s1, $0xE  }
0xb0: {  	s6 =	sor.u32 @!p0 $0x4000, s6;
	s5 =	simm.s32 @!p0 $0x1B8D  }
0xb1: {  	s4 =	sshll.u32 @!p0 s4, $0x11;
	s6 =	sadd.s32 @!p0 $0x11B8D, s6;
	_ =	swait.eq @!p0 [sflag:s5], $0x1  }
0xb2: {  	s4 =	sor.u32 @!p0 s4, s6;
	[sflag:s5] =	ssyncadd.s32 @!p0 $0xFFFFFFFF  }
0xb3: {  	s25 =	simm.s32 $0x1B8E;
	s24 =	sld [smem:$0x3FFE];
	[sflag:s4] =	ssyncadd.remote.s32 @!p0 $0x1  }
0xb4: {  	s26 =	simm.s32 $execute0_lowered;
	[smem:$0x3FD2] =	sst s25  }
0xb5: {  	s5 =	sshll.u32 s26, $0x1;
	_ =	strace $0x8000004C;
	[dreg:$0x1] =	wrdreg $0xFFFFFFFF  }
0xb6: {  	s28 =	simm.s32 $_size_execute0_lowered;
	s3 =	sadd.s32 s3, s5;
	[dreg:$0x0] =	wrdreg $0x0  }
0xb7: {  	s5 =	sshll.u32 s28, $0x1;
	[dreg:$0x2] =	wrdreg s3  }
0xb8: {  	[dreg:$0x3] =	wrdreg s5  }
0xb9: {  	[dreg:$0x4] =	wrdreg $0xC0  }
0xba: {  	_ =	task [dreg:s22], $0x5FFFF  }
0xbb: {  	[dreg:$0x1] =	wrdreg $0xFFFFFFFF  }
0xbc: {  	[dreg:$0x0] =	wrdreg $0x60  }
0xbd: {  	[dreg:$0x2] =	wrdreg s24  }
0xbe: {  	[dreg:$0x3] =	wrdreg $0xA  }
0xbf: {  	_ =	task.clear_ibuf [dreg:s22], $0x4FFFF;
	_ =	strace $0x9000004C  }
0xc0: {  	s29 =	simm.s32 $0xA;
	_ =	strace $0x8000004E  }
0xc1: {  	_ =	swait.ge [sflag:s29], $0x1  }
0xc2: {  	[sflag:s29] =	ssyncadd.s32 $0xFFFFFFFF  }
0xc3: {  	_ =	strace $0x9000004E  }
0xc4: {  	_ =	sfence  }
0xc5: {  	s30 =	sld [smem:$0x0];
	_ =	sdelay $0x2  }
0xc6: {  	s31 =	sshll.u32 s1, $0xD;
	s1 =	sshrl.u32 s1, $0x2  }
0xc7: {  	s4 =	sand.u32 $0x4000, s31;
	s1 =	sadd.s32 s1, s30  }
0xc8: {  	s0 =	sor.u32 s4, s0;
	s1 =	sshll.u32 s1, $0x11  }
0xc9: {  	s0 =	sor.u32 s1, s0  }
0xca: {  	s0 =	sadd.s32 $0x8F2B, s0  }
0xcb: {  	[sflag:s0] =	ssyncadd.remote.s32 $0x1  }
0xcc: {  	_ =	sfence.sel $0xFFFF  }
0xcd: {  	[dreg:$0x0] =	wrdreg $0xFFFFFFFF;
	(pc) =	sbr.abs _section_cstart, $3  }
0xce: {  	[dreg:$0x1] =	wrdreg $0xFFFFFFFF  }
0xcf: {  	_ =	task.clear_ibuf [dreg:s22], $0x2FFFF;
	_ =	strace $0x9FFFFFFF  }
0xd0: {  	(tm) =	ssettm $0x7FFFFFFF  }
0xd1: {  	_ =	shalt  }
tec
execute0_lowered:
.L_overlay_start_1:
0x0: {  	(tag) =	ssettag $0x1  }
0x1: {  	s0 =	rddreg [dreg:$0x0];
	s1 =	simm.s32 $0x0  }
0x2: {  	s2 =	srdreg.scid;
	s6 =	stileid.u32;
	s16 =	simm.s32 $0xB  }
0x3: {  	s18 =	simm.s32 $0x80;
	s19 =	simm.s32 $0x200;
	s21 =	simm.s32 $0x180  }
0x4: {  	s22 =	simm.s32 $0x1;
	s23 =	simm.s32 $0x3;
	s28 =	simm.s32 $0xC200  }
0x5: {  	s29 =	simm.s32 $0x2;
	s30 =	simm.s32 $0x4;
	[smem:$0x7FF] =	sst s1  }
0x6: {  	s3 =	sadd.s32 $0x17E00, s0;
	s2 =	sand.u32 $0x1, s2;
	s7 =	sshll.u32 s6, $0x1  }
0x7: {  	s4 =	sadd.s32 $0x3F000, s0;
	s5 =	sadd.s32 $0x3A00, s0;
	s7 =	sor.u32 s2, s7  }
0x8: {  	s6 =	sadd.s32 $0xD800, s0;
	s9 =	ssub.s32 $0x2, s2;
	s2 =	sshll.u32 s7, $0x4  }
0x9: {  	s8 =	sadd.s32 $0x2D7200, s0;
	s24 =	sshrl.u32 s9, $0x1;
	s25 =	sadd.s32 $0x4E20, s2  }
0xa: {  	_ =	strace $0x8000004D;
	s0 =	ssub.s32 s9, s24;
	s10 =	sadd.s32 s5, s25  }
0xb: {  	s2 =	sadd.s32 $0x5020, s2;
	s9 =	sadd.s32 s6, s25;
	[dreg:$0x2] =	wrdreg s10  }
0xc: {  	s31 =	simm.s32 $0x5;
	s26 =	sadd.s32 s5, s2;
	[dreg:$0x3] =	wrdreg s9  }
0xd: {  	s13 =	sor.u32 $0x40, s7;
	s2 =	sadd.s32 s6, s2;
	[dreg:$0x4] =	wrdreg s26  }
0xe: {  	s14 =	sor.u32 $0x60, s7;
	s0 =	smax.u32 s0, $0x1;
	[dreg:$0x5] =	wrdreg s2  }
0xf: {  	s24 =	simm.s32 $0x8;
	s25 =	simm.s32 $0xA;
	[dreg:$0x6] =	wrdreg s0  }
0x10: {  	s26 =	simm.s32 $0x4200;
	s0 =	simm.s32 $0x6;
	s2 =	simm.s32 $0x0  }
.LBB2_1:
0x11: {  	s9 =	rddreg [dreg:$0x2]  }
0x12: {  	[tilespmem:s1], [sflag:$0xB] =	stream.linear.gather [hbm4b:s9+s1], $0x80, $0x38;
	[tilespmem:$0x10200] =	vst v63  }
0x13: {  	_ =	swait.ge [sflag:s16], $0x80  }
0x14: {  	[sflag:s16] =	ssyncset.done $0x0  }
0x15: {  	s10 =	simm.s32 $0x100;
	s12 =	rddreg [dreg:$0x3];
	[sflag:s16] =	ssyncadd.s32 $0xFFFFFF80  }
0x16: {  	[tilespmem:s10], [sflag:$0xB] =	stream.linear.gather [hbm4b:s12+s1], $0x80, $0x38;
	[tilespmem:$0x10200] =	vst v63  }
0x17: {  	_ =	swait.ge [sflag:s16], $0x80  }
0x18: {  	[sflag:s16] =	ssyncset.done $0x0  }
0x19: {  	[sflag:s16] =	ssyncadd.s32 $0xFFFFFF80  }
0x1a: {  	[tilespmem:s19], [sflag:$0x1] =	stream.indirect.gather [hbm4b:s3+s18], $0x80, s1, s18, $0xb8;
	[tilespmem:$0x10200] =	vst v63  }
0x1b: {  	s15 =	simm.s32 $0x8200  }
0x1c: {  	[tilespmem:s15], [sflag:$0x3] =	stream.indirect.gather [hbm4b:s4+s18], $0x80, s10, s18, $0xb8;
	[tilespmem:$0x10200] =	vst v63  }
0x1d: {  	s17 =	rddreg [dreg:$0x4]  }
0x1e: {  	[tilespmem:s18], [sflag:$0x8] =	stream.linear.gather [hbm4b:s17+s1], $0x80, $0x38;
	[tilespmem:$0x10200] =	vst v63  }
0x1f: {  	s20 =	rddreg [dreg:$0x5]  }
0x20: {  	[tilespmem:s21], [sflag:$0xA] =	stream.linear.gather [hbm4b:s20+s1], $0x80, $0x38;
	[tilespmem:$0x10200] =	vst v63  }
0x21: {  	s20 =	simm.s32 $0x0  }
.LBB2_2:
0x22: {  	_ =	swait.ge [sflag:s22], $0x4000  }
0x23: {  	[sflag:s22] =	ssyncset.done $0x0  }
0x24: {  	[sflag:s22] =	ssyncadd.s32 $0xFFFFC000  }
0x25: {  	_ =	swait.ge [sflag:s23], $0x4000  }
0x26: {  	p0 =	seq.s32 s20, $0x0;
	[sflag:s23] =	ssyncset.done $0x0  }
0x27: {  	s9 =	simm.s32 @!p0 $0x6;
	[sflag:s23] =	ssyncadd.s32 $0xFFFFC000  }
0x28: {  	_ =	swait.ge @!p0 [sflag:s9], $0x4000  }
0x29: {  	[sflag:s9] =	ssyncset.done @!p0 $0x0  }
0x2a: {  	[sflag:s9] =	ssyncadd.s32 @!p0 $0xFFFFC000  }
0x2b: {  	_ =	swait.ge [sflag:s24], $0x80  }
0x2c: {  	[sflag:s24] =	ssyncset.done $0x0  }
0x2d: {  	s9 =	sshll.u32 s20, $0x6;
	p0 =	seq.s32 s20, $0x13;
	[sflag:s24] =	ssyncadd.s32 $0xFFFFFF80  }
0x2e: {  	s10 =	sadd.s32 @!p0 s13, s9;
	_ =	swait.ge [sflag:s25], $0x80  }
0x2f: {  	s10 =	smin.u32 @!p0 s10, $0x4E1;
	[sflag:s25] =	ssyncset.done $0x0  }
0x30: {  	s10 =	sshll.u32 @!p0 s10, $0x4;
	[sflag:s25] =	ssyncadd.s32 $0xFFFFFF80  }
0x31: {  	[tilespmem:s26], [sflag:$0x2] =	stream.indirect.gather [hbm4b:s3+s18], $0x80, s18, s18, $0xb8;
	[tilespmem:$0x10200] =	vst v63  }
0x32: {  	s10 =	sadd.s32 @!p0 $0x4E20, s10  }
0x33: {  	[tilespmem:s28], [sflag:$0x4] =	stream.indirect.gather [hbm4b:s4+s18], $0x80, s21, s18, $0xb8;
	[tilespmem:$0x10200] =	vst v63  }
0x34: {  	s12 =	simm.s32 @!p0 $0x0;
	s11 =	sadd.s32 @!p0 s5, s10  }
0x35: {  	[tilespmem:s12], [sflag:$0x7] =	stream.linear.gather @!p0 [hbm4b:s11+s12], $0x80, $0x38;
	[tilespmem:$0x10200] =	vst v63  }
0x36: {  	s10 =	sadd.s32 @!p0 s6, s10;
	s11 =	simm.s32 @!p0 $0x100  }
0x37: {  	[tilespmem:s11], [sflag:$0x9] =	stream.linear.gather @!p0 [hbm4b:s10+s12], $0x80, $0x38;
	[tilespmem:$0x10200] =	vst v63  }
0x38: {  	s11 =	simm.s32 $0x0;
	s10 =	simm.s32 $0x200  }
.LBB2_3:
0x39: {  	p1 =	sne.s32 s10, $0xFE00;
	v0 =	vld [tilespmem:s11+$0x8270]  }
0x3a: {  	v1 =	vld [tilespmem:s11+$0x8200]  }
0x3b: {  	v2 =	vld [tilespmem:s11+$0x8210]  }
0x3c: {  	v3 =	vld [tilespmem:s11+$0x8220]  }
0x3d: {  	v4 =	vld [tilespmem:s11+$0x8230]  }
0x3e: {  	[tilespmem:s11+$0x270] =	vst.add.f32.msk $0xffff, v0  }
0x3f: {  	v0 =	vld [tilespmem:s11+$0x8240]  }
0x40: {  	v5 =	vld [tilespmem:s11+$0x8250]  }
0x41: {  	v6 =	vld [tilespmem:s11+$0x8260]  }
0x42: {  	[tilespmem:s11+$0x200] =	vst.add.f32.msk $0xffff, v1  }
0x43: {  	[tilespmem:s11+$0x210] =	vst.add.f32.msk $0xffff, v2  }
.Ltmp0:
0x44: {  	[tilespmem:s11+$0x220] =	vst.add.f32.msk $0xffff, v3;
	(pc) =	sbr.rel @p1 .LBB2_3-.Ltmp0, $4  }
0x45: {  	[tilespmem:s11+$0x230] =	vst.add.f32.msk $0xffff, v4  }
0x46: {  	[tilespmem:s11+$0x240] =	vst.add.f32.msk $0xffff, v0  }
0x47: {  	[tilespmem:s11+$0x250] =	vst.add.f32.msk $0xffff, v5  }
0x48: {  	[tilespmem:s11+$0x260] =	vst.add.f32.msk $0xffff, v6;
	s11 =	sshra.s32 s10, $0x2;
	s10 =	sadd.s32 $0x200, s10  }
0x49: {  	v0 =	vld [tilespmem:s11+$0x8270]  }
0x4a: {  	v1 =	vld [tilespmem:s11+$0x8200]  }
0x4b: {  	v2 =	vld [tilespmem:s11+$0x8210]  }
0x4c: {  	v3 =	vld [tilespmem:s11+$0x8220]  }
0x4d: {  	v4 =	vld [tilespmem:s11+$0x8230]  }
0x4e: {  	v63 =	vld [tilespmem:s11+$0x8240]  }
0x4f: {  	v5 =	vld [tilespmem:s11+$0x8250]  }
0x50: {  	v6 =	vld [tilespmem:s11+$0x8260]  }
0x51: {  	[tilespmem:s11+$0x270] =	vst.add.f32.msk $0xffff, v0  }
0x52: {  	[tilespmem:s11+$0x200] =	vst.add.f32.msk $0xffff, v1  }
0x53: {  	[tilespmem:s11+$0x210] =	vst.add.f32.msk $0xffff, v2  }
0x54: {  	[tilespmem:s11+$0x220] =	vst.add.f32.msk $0xffff, v3  }
0x55: {  	[tilespmem:s11+$0x230] =	vst.add.f32.msk $0xffff, v4  }
0x56: {  	s10 =	sor.u32 s7, s9;
	[tilespmem:s11+$0x240] =	vst.add.f32.msk $0xffff, v63  }
0x57: {  	s12 =	sshll.u32 s10, $0xB;
	[tilespmem:s11+$0x250] =	vst.add.f32.msk $0xffff, v5  }
0x58: {  	s17 =	sadd.s32 s8, s12;
	[tilespmem:s11+$0x260] =	vst.add.f32.msk $0xffff, v6  }
0x59: {  	[hbm4b:s17+s1] =	stream.linear.scatter [tilespmem:s19], [sflag:$0x5], $0x4000, $0x38;
	[tilespmem:$0x10200] =	vst v63  }
0x5a: {  	_ =	swait.ge [sflag:s29], $0x4000  }
0x5b: {  	[sflag:s29] =	ssyncset.done $0x0  }
0x5c: {  	[sflag:s29] =	ssyncadd.s32 $0xFFFFC000  }
0x5d: {  	_ =	swait.ge [sflag:s30], $0x4000  }
0x5e: {  	[sflag:s30] =	ssyncset.done $0x0  }
0x5f: {  	s11 =	simm.s32 @!p0 $0x5;
	[sflag:s30] =	ssyncadd.s32 $0xFFFFC000  }
0x60: {  	_ =	swait.ge @!p0 [sflag:s11], $0x4000  }
0x61: {  	[sflag:s11] =	ssyncset.done @!p0 $0x0  }
0x62: {  	[sflag:s11] =	ssyncadd.s32 @!p0 $0xFFFFC000;
	s11 =	simm.s32 @!p0 $0x7  }
0x63: {  	_ =	swait.ge @!p0 [sflag:s11], $0x80  }
0x64: {  	[sflag:s11] =	ssyncset.done @!p0 $0x0  }
0x65: {  	s9 =	sadd.s32 @!p0 s14, s9;
	[sflag:s11] =	ssyncadd.s32 @!p0 $0xFFFFFF80;
	s11 =	simm.s32 @!p0 $0x9  }
0x66: {  	s9 =	smin.u32 @!p0 s9, $0x4E1;
	_ =	swait.ge @!p0 [sflag:s11], $0x80  }
0x67: {  	s12 =	simm.s32 @!p0 $0x0;
	s9 =	sshll.u32 @!p0 s9, $0x4;
	[sflag:s11] =	ssyncset.done @!p0 $0x0  }
0x68: {  	s17 =	simm.s32 @!p0 $0x200;
	[sflag:s11] =	ssyncadd.s32 @!p0 $0xFFFFFF80;
	s11 =	simm.s32 @!p0 $0x80  }
0x69: {  	[tilespmem:s17], [sflag:$0x1] =	stream.indirect.gather @!p0 [hbm4b:s3+s11], $0x80, s12, s11, $0xb8;
	[tilespmem:$0x10200] =	vst v63  }
0x6a: {  	s15 =	simm.s32 @!p0 $0x8200;
	s9 =	sadd.s32 @!p0 $0x4E20, s9;
	s17 =	simm.s32 @!p0 $0x100  }
0x6b: {  	[tilespmem:s15], [sflag:$0x3] =	stream.indirect.gather @!p0 [hbm4b:s4+s11], $0x80, s17, s11, $0xb8;
	[tilespmem:$0x10200] =	vst v63  }
0x6c: {  	s15 =	sadd.s32 @!p0 s5, s9  }
0x6d: {  	[tilespmem:s11], [sflag:$0x8] =	stream.linear.gather @!p0 [hbm4b:s15+s12], $0x80, $0x38;
	[tilespmem:$0x10200] =	vst v63  }
0x6e: {  	s9 =	sadd.s32 @!p0 s6, s9;
	s11 =	simm.s32 @!p0 $0x180  }
0x6f: {  	[tilespmem:s11], [sflag:$0xA] =	stream.linear.gather @!p0 [hbm4b:s9+s12], $0x80, $0x38;
	[tilespmem:$0x10200] =	vst v63  }
0x70: {  	s9 =	simm.s32 $0x0;
	s11 =	simm.s32 $0x200  }
.LBB2_5:
0x71: {  	p0 =	sne.s32 s11, $0xFE00;
	v0 =	vld [tilespmem:s9+$0xC270]  }
0x72: {  	v1 =	vld [tilespmem:s9+$0xC200]  }
0x73: {  	v2 =	vld [tilespmem:s9+$0xC210]  }
0x74: {  	v3 =	vld [tilespmem:s9+$0xC220]  }
0x75: {  	v4 =	vld [tilespmem:s9+$0xC230]  }
0x76: {  	[tilespmem:s9+$0x4270] =	vst.add.f32.msk $0xffff, v0  }
0x77: {  	v0 =	vld [tilespmem:s9+$0xC240]  }
0x78: {  	v5 =	vld [tilespmem:s9+$0xC250]  }
0x79: {  	v6 =	vld [tilespmem:s9+$0xC260]  }
0x7a: {  	[tilespmem:s9+$0x4200] =	vst.add.f32.msk $0xffff, v1  }
0x7b: {  	[tilespmem:s9+$0x4210] =	vst.add.f32.msk $0xffff, v2  }
.Ltmp1:
0x7c: {  	[tilespmem:s9+$0x4220] =	vst.add.f32.msk $0xffff, v3;
	(pc) =	sbr.rel @p0 .LBB2_5-.Ltmp1, $4  }
0x7d: {  	[tilespmem:s9+$0x4230] =	vst.add.f32.msk $0xffff, v4  }
0x7e: {  	[tilespmem:s9+$0x4240] =	vst.add.f32.msk $0xffff, v0  }
0x7f: {  	[tilespmem:s9+$0x4250] =	vst.add.f32.msk $0xffff, v5  }
0x80: {  	[tilespmem:s9+$0x4260] =	vst.add.f32.msk $0xffff, v6;
	s9 =	sshra.s32 s11, $0x2;
	s11 =	sadd.s32 $0x200, s11  }
0x81: {  	v0 =	vld [tilespmem:s9+$0xC270]  }
0x82: {  	v1 =	vld [tilespmem:s9+$0xC200]  }
0x83: {  	v2 =	vld [tilespmem:s9+$0xC210]  }
0x84: {  	v3 =	vld [tilespmem:s9+$0xC220]  }
0x85: {  	v4 =	vld [tilespmem:s9+$0xC230]  }
0x86: {  	v63 =	vld [tilespmem:s9+$0xC240]  }
0x87: {  	v5 =	vld [tilespmem:s9+$0xC250]  }
0x88: {  	v6 =	vld [tilespmem:s9+$0xC260]  }
0x89: {  	[tilespmem:s9+$0x4270] =	vst.add.f32.msk $0xffff, v0  }
0x8a: {  	[tilespmem:s9+$0x4200] =	vst.add.f32.msk $0xffff, v1  }
0x8b: {  	s20 =	sadd.s32 $0x1, s20;
	[tilespmem:s9+$0x4210] =	vst.add.f32.msk $0xffff, v2  }
0x8c: {  	p0 =	sne.s32 s20, $0x14;
	[tilespmem:s9+$0x4220] =	vst.add.f32.msk $0xffff, v3  }
.Ltmp2:
0x8d: {  	s10 =	sor.u32 $0x20, s10;
	[tilespmem:s9+$0x4230] =	vst.add.f32.msk $0xffff, v4;
	(pc) =	sbr.rel @p0 .LBB2_2-.Ltmp2, $4  }
0x8e: {  	s10 =	smin.u32 s10, $0x4E1;
	[tilespmem:s9+$0x4240] =	vst.add.f32.msk $0xffff, v63  }
0x8f: {  	s10 =	sshll.u32 s10, $0xB;
	[tilespmem:s9+$0x4250] =	vst.add.f32.msk $0xffff, v5  }
0x90: {  	s17 =	sadd.s32 s8, s10;
	[tilespmem:s9+$0x4260] =	vst.add.f32.msk $0xffff, v6  }
0x91: {  	[hbm4b:s17+s1] =	stream.linear.scatter [tilespmem:s26], [sflag:$0x6], $0x4000, $0x38;
	[tilespmem:$0x10200] =	vst v63  }
0x92: {  	_ =	swait.ge [sflag:s31], $0x4000  }
0x93: {  	[sflag:s31] =	ssyncset.done $0x0  }
0x94: {  	[sflag:s31] =	ssyncadd.s32 $0xFFFFC000  }
0x95: {  	_ =	swait.ge [sflag:s0], $0x4000  }
0x96: {  	s2 =	sadd.s32 $0x1, s2;
	s9 =	rddreg [dreg:$0x6]  }
0x97: {  	p0 =	sne.s32 s2, s9  }
.Ltmp3:
0x98: {  	_ = 	snop;
	(pc) =	sbr.rel @p0 .LBB2_1-.Ltmp3, $3  }
0x99: {  	_ =	sdelay $0x1  }
0x9a: {  	[sflag:s0] =	ssyncset.done $0x0  }
0x9b: {  	[sflag:s0] =	ssyncadd.s32 $0xFFFFC000  }
0x9c: {  	_ =	sfence.sel $0x180000  }
0x9d: {  	[bflag:$0x0] =	sbarrier.arrive $0xFFFF  }
0x9e: {  	_ =	strace $0x9000004D  }
0x9f: {  	s0 =	stileid.u32;
	[bflag:$0x2] =	sbarrier.arrive $0xFFFF  }
0xa0: {  	p0 =	sne.s32 s0, $0x0;
	s0 =	rddreg [dreg:$0x1]  }
0xa1: {  	s0 =	sadd.s32 @!p0 $0x100000, s0  }
0xa2: {  	[sflag:s0] =	ssyncadd.tile.s32 @!p0 $0x1;
	_ =	shalt  }
.Lfunc_end2:
_tile_overlayer_lowered:
.L_overlay_start_2:
0xa3: {  	(tag) =	ssettag $0x2  }
0xa4: {  	s0 =	rddreg [dreg:$0x0];
	s2 =	stileid.u32  }
0xa5: {  	s1 =	rddreg [dreg:$0x1];
	p0 =	sne.s32 s2, $0x0  }
0xa6: {  	s3 =	rddreg [dreg:$0x2];
	[bflag:$0x3] =	sbarrier.arrive $0xFFFF;
	s2 =	simm.s32 @!p0 $0x1C0B  }
0xa7: {  	[timem:s3], [sflag:s2] =	dma.local @!p0 [hbm:s0], s1  }
0xa8: {  	s0 =	simm.s32 @!p0 $0xB  }
0xa9: {  	_ =	swait.ge @!p0 [sflag:s0], s1  }
0xaa: {  	s1 =	ssub.s32 @!p0 $0x0, s1;
	[sflag:s0] =	ssyncset.done @!p0 $0x0  }
0xab: {  	[sflag:s0] =	ssyncadd.s32 @!p0 s1  }
0xac: {  	[bflag:$0x3] =	sbarrier.arrive $0xFFFF  }
0xad: {  	_ =	shalt  }

// kernel: kernel.8.cloned.1.call-start
scs
__scs_entry_jumppad:
0x0: {  	(pc) =	sbr.rel $0x88, $3  }
0x1: {  	(tag) =	ssettag $0x0;
	lr =	simm.s32 $0x1  }
0x2: {  	[smem:$0x3F8E] =	sst lr;
	_ =	strace $0xD0000000  }
0x3: {  	_ = 	snop  }
0x4: {  	_ = 	snop  }
0x5: {  	_ = 	snop  }
0x6: {  	_ = 	snop  }
0x7: {  	_ = 	snop  }
__scs_overlays_trampoline_lowered:
0x8: {  	[smem:$0x3F9D] =	sst s0  }
0x9: {  	[smem:$0x3F9E] =	sst s1  }
0xa: {  	[smem:$0x3F9F] =	sst s2  }
0xb: {  	[smem:$0x3FA0] =	sst s3  }
0xc: {  	[smem:$0x3FA1] =	sst s4  }
0xd: {  	[smem:$0x3FA2] =	sst s5  }
0xe: {  	[smem:$0x3FA3] =	sst s6  }
0xf: {  	[smem:$0x3FA4] =	sst s7  }
0x10: {  	[smem:$0x3FA5] =	sst s8  }
0x11: {  	[smem:$0x3FA6] =	sst s9;
	s0 =	simm.s32 @!p0 $0x0  }
0x12: {  	s1 =	sld [smem:$0x3F8C];
	s0 =	simm.s32 @p0 $0x1  }
0x13: {  	[smem:$0x3FA7] =	sst s0;
	s0 =	simm.s32 @!p1 $0x0  }
0x14: {  	s2 =	sld [smem:$0x3F8B];
	s0 =	simm.s32 @p1 $0x1  }
0x15: {  	[smem:$0x3FA8] =	sst s0;
	s0 =	simm.s32 @!p2 $0x0  }
0x16: {  	s3 =	sld [smem:$0x3FDB];
	s0 =	simm.s32 @p2 $0x1  }
0x17: {  	s4 =	simm.s32 $0x1BF5;
	[smem:$0x3FAA] =	sst s0  }
0x18: {  	s0 =	sld [smem:$0x3F8D];
	_ =	swait.ge [sflag:s4], $0x0  }
0x19: {  	s7 =	sld [smem:$0x3F8E]  }
0x1a: {  	s8 =	sadd.s32 $0xFFFFE003, lr  }
0x1b: {  	s9 =	sadd.s32 $0xFFFFFEF7, lr;
	s5 =	simm.s32 $0xFFFFFFFF;
	p2 =	slt.u32 s8, $0xFFFFF086  }
0x1c: {  	p1 =	slt.u32 s9, $0xF7A;
	s5 =	simm.s32 @!p2 $0x0  }
0x1d: {  	s5 =	simm.s32 @p1 $0x1;
	p0 =	seq.s32 s7, s2  }
0x1e: {  	s7 =	smul.u32 @!p0 $0xF7A, s2;
	p2 =	seq.s32 @!p0 s5, $0x0  }
0x1f: {  	s9 =	smul.u32 $0xF7A, s1;
	s8 =	simm.s32 @!p0 $0x1BF5;
	p2 =	por !p2, p0  }
0x20: {  	[sflag:s8] =	ssyncset.s32 @!p0 $0xFFFFF086;
	s6 =	sadd.s32 @!p0 s3, s7;
	s7 =	simm.s32 @!p0 $0x108  }
0x21: {  	s3 =	sadd.s32 s3, s9;
	s6 =	sadd.s32 @!p0 $0x88, s6;
	s7 =	simm.s32 @p2 $0x1082  }
0x22: {  	[simem:s7], [sflag:s8] =	dma.local @!p0 [hbm:s6], $0xF7A  }
0x23: {  	s9 =	sor.u32 $0xD0000000, s2;
	s6 =	simm.s32 $0x108;
	_ =	swait.ge @!p0 [sflag:s8], $0x0  }
0x24: {  	s3 =	sadd.s32 $0x88, s3;
	s6 =	simm.s32 @!p1 $0x1082;
	[sflag:s4] =	ssyncset.s32 $0xFFFFF086  }
0x25: {  	[simem:s6], [sflag:s4] =	dma.local [hbm:s3], $0xF7A  }
0x26: {  	[smem:$0x3F8E] =	sst s1;
	(tag) =	ssettag s2;
	_ =	strace s9  }
0x27: {  	s1 =	sld [smem:$0x3F9E]  }
0x28: {  	s2 =	sld [smem:$0x3F9F]  }
0x29: {  	s4 =	sld [smem:$0x3FA1]  }
0x2a: {  	p0 =	seq.s32 s5, $0x0;
	s5 =	sld [smem:$0x3FA2]  }
0x2b: {  	s6 =	sld [smem:$0x3FA3]  }
0x2c: {  	s7 =	sld [smem:$0x3FA4]  }
0x2d: {  	s3 =	simm.s32 $0x108;
	s8 =	sld [smem:$0x3FA5]  }
0x2e: {  	s3 =	simm.s32 @!p0 $0x1082;
	s9 =	sld [smem:$0x3FA6]  }
0x2f: {  	lr =	sadd.s32 s0, s3;
	s0 =	sld [smem:$0x3F9D]  }
0x30: {  	s3 =	sld [smem:$0x3FA0]  }
0x31: {  	[smem:$0x3FA9] =	sst s10  }
0x32: {  	s10 =	sld [smem:$0x3FA7];
	_ =	sdelay $0x3  }
0x33: {  	p0 =	seq.s32 s10, $0x1;
	s10 =	sld [smem:$0x3FA9];
	_ =	sdelay $0x3  }
0x34: {  	[smem:$0x3FA9] =	sst s10  }
0x35: {  	s10 =	sld [smem:$0x3FA8];
	_ =	sdelay $0x3  }
0x36: {  	p1 =	seq.s32 s10, $0x1;
	s10 =	sld [smem:$0x3FA9];
	_ =	sdelay $0x3  }
0x37: {  	[smem:$0x3FA9] =	sst s10  }
0x38: {  	s10 =	sld [smem:$0x3FAA]  }
0x39: {  	_ = 	snop;
	(pc) =	sbr.ind lr, $3  }
0x3a: {  	_ = 	snop  }
0x3b: {  	_ = 	snop  }
0x3c: {  	p2 =	seq.s32 s10, $0x1;
	s10 =	sld [smem:$0x3FA9]  }
0x3d: {  	_ =	shalt  }
0x3e: {  	_ =	shalt  }
0x3f: {  	_ =	shalt  }
0x40: {  	_ =	shalt  }
0x41: {  	_ =	shalt  }
0x42: {  	_ =	shalt  }
0x43: {  	_ =	shalt  }
0x44: {  	_ =	shalt  }
0x45: {  	_ =	shalt  }
0x46: {  	_ =	shalt  }
0x47: {  	_ =	shalt  }
0x48: {  	_ =	shalt  }
0x49: {  	_ =	shalt  }
0x4a: {  	_ =	shalt  }
0x4b: {  	_ =	shalt  }
0x4c: {  	_ =	shalt  }
0x4d: {  	_ =	shalt  }
0x4e: {  	_ =	shalt  }
0x4f: {  	_ =	shalt  }
0x50: {  	_ =	shalt  }
0x51: {  	_ =	shalt  }
0x52: {  	_ =	shalt  }
0x53: {  	_ =	shalt  }
0x54: {  	_ =	shalt  }
0x55: {  	_ =	shalt  }
0x56: {  	_ =	shalt  }
0x57: {  	_ =	shalt  }
0x58: {  	_ =	shalt  }
0x59: {  	_ =	shalt  }
0x5a: {  	_ =	shalt  }
0x5b: {  	_ =	shalt  }
0x5c: {  	_ =	shalt  }
0x5d: {  	_ =	shalt  }
0x5e: {  	_ =	shalt  }
0x5f: {  	_ =	shalt  }
0x60: {  	_ =	shalt  }
0x61: {  	_ =	shalt  }
0x62: {  	_ =	shalt  }
0x63: {  	_ =	shalt  }
0x64: {  	_ =	shalt  }
0x65: {  	_ =	shalt  }
0x66: {  	_ =	shalt  }
0x67: {  	_ =	shalt  }
0x68: {  	_ =	shalt  }
0x69: {  	_ =	shalt  }
0x6a: {  	_ =	shalt  }
0x6b: {  	_ =	shalt  }
0x6c: {  	_ =	shalt  }
0x6d: {  	_ =	shalt  }
0x6e: {  	_ =	shalt  }
0x6f: {  	_ =	shalt  }
0x70: {  	_ =	shalt  }
0x71: {  	_ =	shalt  }
0x72: {  	_ =	shalt  }
0x73: {  	_ =	shalt  }
0x74: {  	_ =	shalt  }
0x75: {  	_ =	shalt  }
0x76: {  	_ =	shalt  }
0x77: {  	_ =	shalt  }
0x78: {  	_ =	shalt  }
0x79: {  	_ =	shalt  }
0x7a: {  	_ =	shalt  }
0x7b: {  	_ =	shalt  }
0x7c: {  	_ =	shalt  }
0x7d: {  	_ =	shalt  }
0x7e: {  	_ =	shalt  }
0x7f: {  	_ =	shalt  }
0x80: {  	_ =	shalt  }
0x81: {  	_ =	shalt  }
0x82: {  	_ =	shalt  }
0x83: {  	_ =	shalt  }
0x84: {  	_ =	shalt  }
0x85: {  	_ =	shalt  }
0x86: {  	_ =	shalt  }
0x87: {  	_ =	shalt  }
.Lfunc_end0:
.L_simem_size_0:
called_computation_lowered:
.L_overlay_start_0:
0x88: {  	s2 =	sld [smem:$0x3FD9]  }
0x89: {  	s3 =	sld [smem:$0x3FFE];
	_ =	sdelay $0x1  }
0x8a: {  	s1 =	srdreg.scid  }
0x8b: {  	s0 =	sand.u32 $0x1, s1  }
0x8c: {  	s14 =	sshll.u32 s0, $0xA;
	s2 =	sadd.s32 s3, s2  }
0x8d: {  	s2 =	sadd.s32 s2, s14  }
0x8e: {  	[smem:$0x3FB5] =	sst s2  }
0x8f: {  	_ = 	snop  }
0x90: {  	s2 =	sld [smem:$0x3FD0];
	_ =	sdelay $0x2  }
0x91: {  	s4 =	simm.s32 $0xB;
	s5 =	simm.s32 $0x10;
	s15 =	sld [smem:$0x3FC8]  }
0x92: {  	[smem:s5], [sflag:s4] =	dma.local [hbm:s2], $0x1  }
0x93: {  	_ =	swait.eq [sflag:s4], $0x1  }
0x94: {  	[sflag:s4] =	ssyncset.done $0x0  }
0x95: {  	s16 =	sld [smem:$0x10];
	[sflag:s4] =	ssyncadd.s32 $0xFFFFFFFF  }
0x96: {  	s17 =	sld [smem:$0x11];
	(tm) =	ssettm $0x1  }
0x97: {  	s18 =	sld [smem:$0x3FFB];
	_ =	sdelay $0x3  }
0x98: {  	_ =	strace s18  }
0x99: {  	s5 =	sld [smem:$0x3FFC];
	_ =	sdelay $0x3  }
0x9a: {  	_ =	strace s5  }
0x9b: {  	s5 =	sld [smem:$0x3FFD];
	_ =	sdelay $0x3  }
0x9c: {  	_ =	strace s5  }
0x9d: {  	_ =	strace $0x8FFFFFFF  }
0x9e: {  	s19 =	sld [smem:$0x3FDB];
	_ =	sdelay $0x1  }
0x9f: {  	s6 =	simm.s32 $_scs_section_size  }
0xa0: {  	s7 =	simm.s32 $_size__tile_overlayer_lowered;
	s8 =	simm.s32 $_tile_overlayer_lowered  }
0xa1: {  	s22 =	simm.s32 $0x1BFF;
	s21 =	sshll.u32 s8, $0x1;
	s5 =	sadd.s32 s6, s19  }
0xa2: {  	s9 =	simm.s32 $0x0;
	s20 =	sshll.u32 s7, $0x1;
	s7 =	sadd.s32 s21, s5  }
0xa3: {  	[timem:s9], [sflag:s22] =	dma.local [hbm:s7], s20  }
0xa4: {  	_ =	swait.ge [sflag:s22], s20  }
0xa5: {  	s6 =	ssub.s32 $0x0, s20;
	[sflag:s22] =	ssyncset.done $0x0  }
0xa6: {  	[sflag:s22] =	ssyncadd.s32 s6;
	_ =	sdelay $0x1  }
0xa7: {  	s23 =	simm.s32 $0x1B8B  }
0xa8: {  	_ =	swait.ge [sflag:s23], $0x1  }
0xa9: {  	[sflag:s23] =	ssyncset.done $0x0  }
0xaa: {  	s25 =	simm.s32 $0x1B8E;
	s24 =	sld [smem:$0x3FFE];
	[sflag:s23] =	ssyncadd.s32 $0xFFFFFFFF  }
0xab: {  	s26 =	simm.s32 $execute0_lowered;
	[smem:$0x3FD2] =	sst s25  }
0xac: {  	s7 =	sshll.u32 s26, $0x1;
	_ =	strace $0x80000046;
	[dreg:$0x1] =	wrdreg $0xFFFFFFFF  }
0xad: {  	s28 =	simm.s32 $_size_execute0_lowered;
	s5 =	sadd.s32 s5, s7;
	[dreg:$0x0] =	wrdreg $0x0  }
0xae: {  	s7 =	sshll.u32 s28, $0x1;
	[dreg:$0x2] =	wrdreg s5  }
0xaf: {  	[dreg:$0x3] =	wrdreg s7  }
0xb0: {  	[dreg:$0x4] =	wrdreg $0xC0  }
0xb1: {  	_ =	task [dreg:s9], $0x5FFFF  }
0xb2: {  	[dreg:$0x1] =	wrdreg $0xFFFFFFFF  }
0xb3: {  	[dreg:$0x0] =	wrdreg $0x60  }
0xb4: {  	[dreg:$0x2] =	wrdreg s15  }
0xb5: {  	[dreg:$0x3] =	wrdreg s24  }
0xb6: {  	[dreg:$0x4] =	wrdreg s16  }
0xb7: {  	[dreg:$0x5] =	wrdreg s17  }
0xb8: {  	[dreg:$0x6] =	wrdreg $0x81000  }
0xb9: {  	[dreg:$0x7] =	wrdreg $0x9  }
0xba: {  	_ =	task.clear_ibuf [dreg:s9], $0x8FFFF;
	_ =	strace $0x90000046  }
0xbb: {  	s29 =	simm.s32 $0x9;
	_ =	strace $0x80000048  }
0xbc: {  	_ =	swait.ge [sflag:s29], $0x1  }
0xbd: {  	[sflag:s29] =	ssyncadd.s32 $0xFFFFFFFF  }
0xbe: {  	_ =	strace $0x90000048  }
0xbf: {  	_ =	sfence  }
0xc0: {  	s30 =	sld [smem:$0x0];
	_ =	sdelay $0x2  }
0xc1: {  	s31 =	sshll.u32 s1, $0xD;
	s1 =	sshrl.u32 s1, $0x2  }
0xc2: {  	s3 =	sand.u32 $0x4000, s31;
	s1 =	sadd.s32 s1, s30  }
0xc3: {  	s0 =	sor.u32 s3, s0;
	s1 =	sshll.u32 s1, $0x11  }
0xc4: {  	s0 =	sor.u32 s1, s0  }
0xc5: {  	s0 =	sadd.s32 $0x8F2B, s0  }
0xc6: {  	[sflag:s0] =	ssyncadd.remote.s32 $0x1  }
0xc7: {  	_ =	sfence.sel $0xFFFF  }
0xc8: {  	[dreg:$0x0] =	wrdreg $0xFFFFFFFF;
	(pc) =	sbr.abs _section_cstart, $3  }
0xc9: {  	[dreg:$0x1] =	wrdreg $0xFFFFFFFF  }
0xca: {  	_ =	task.clear_ibuf [dreg:s9], $0x2FFFF;
	_ =	strace $0x9FFFFFFF  }
0xcb: {  	(tm) =	ssettm $0x7FFFFFFF  }
tec
execute0_lowered:
.L_overlay_start_1:
0x0: {  	(tag) =	ssettag $0x1  }
0x1: {  	s0 =	rddreg [dreg:$0x0]  }
0x2: {  	s2 =	rddreg [dreg:$0x1]  }
0x3: {  	s7 =	rddreg [dreg:$0x2]  }
0x4: {  	s12 =	rddreg [dreg:$0x3]  }
0x5: {  	s1 =	rddreg [dreg:$0x4];
	s3 =	srdreg.scid  }
0x6: {  	s26 =	stileid.u32;
	s28 =	simm.s32 $0x3;
	s29 =	simm.s32 $0x0  }
0x7: {  	s17 =	sand.u32 $0x1, s3;
	s3 =	simm.s32 $0x0;
	s6 =	smul.u32 $0x4E000, s26  }
0x8: {  	s2 =	sadd.s32 $0xD800, s2;
	s21 =	sshll.u32 s26, $0x1;
	s10 =	smul.u32 $0x2700, s26  }
0x9: {  	s23 =	sshll.u32 s26, $0x6;
	s25 =	sadd.s32 $0x138000, s1;
	s19 =	sshll.u32 s26, $0x5  }
0xa: {  	s20 =	sshll.u32 s26, $0xC;
	p0 =	sne.s32 s26, $0xF;
	p2 =	sgt.u32 s26, $0x1  }
0xb: {  	s26 =	simm.s32 $0x2;
	s4 =	ssub.s32 $0x2, s17;
	s11 =	smul.u32 $0x27100, s17  }
0xc: {  	[smem:$0x7FF] =	sst s3;
	s14 =	sor.u32 s17, s21;
	s15 =	smul.u32 $0x138800, s17  }
0xd: {  	s31 =	sshll.u32 s17, $0x4;
	s17 =	sshll.u32 s17, $0xB;
	s21 =	simm.s32 $0x100  }
0xe: {  	s5 =	sshrl.u32 s4, $0x1;
	_ =	strace $0x80000047;
	s22 =	sshrl.u32 s6, $0x2  }
0xf: {  	s24 =	sadd.s32 s7, s10;
	[dreg:$0x7] =	wrdreg s25;
	s8 =	sshll.u32 s14, $0x4  }
0x10: {  	s7 =	sadd.s32 $0x27000, s7;
	s9 =	sshll.u32 s14, $0xB;
	s25 =	sor.u32 $0x9C0, s14  }
0x11: {  	s13 =	ssub.s32 s4, s5;
	s18 =	sadd.s32 s22, s1;
	[dreg:$0x6] =	wrdreg s24  }
0x12: {  	s5 =	sor.u32 $0x1C05, s23;
	s8 =	sadd.s32 s2, s8;
	s9 =	sadd.s32 s0, s9  }
0x13: {  	s11 =	sadd.s32 s10, s11;
	s15 =	sshrl.u32 s15, $0x3;
	s30 =	sshll.u32 s25, $0x4  }
0x14: {  	s16 =	sshll.u32 s25, $0xB;
	s22 =	simm.s32 $0x80;
	s23 =	simm.s32 $0x1  }
0x15: {  	s24 =	simm.s32 $0x4;
	p1 =	slt.u32 s25, $0x9C4;
	s25 =	simm.s32 $0x4100  }
0x16: {  	s10 =	sadd.s32 $0x200, s8;
	s11 =	sadd.s32 s12, s11;
	s12 =	sadd.s32 s12, s15  }
0x17: {  	s13 =	smax.u32 s13, $0x1;
	s14 =	sadd.s32 $0x4D0000, s9;
	s15 =	sadd.s32 s2, s30  }
0x18: {  	s16 =	sadd.s32 s0, s16;
	s2 =	sadd.s32 s19, s2;
	s0 =	sadd.s32 s20, s0  }
0x19: {  	s19 =	sshrl.u32 s18, $0x3;
	s20 =	simm.s32 $0x5;
	s2 =	sadd.s32 s31, s2  }
0x1a: {  	s12 =	sadd.s32 $0x27000, s12;
	s17 =	sadd.s32 s17, s0;
	s2 =	sadd.s32 $0x600, s2  }
.LBB2_1:
0x1b: {  	s0 =	rddreg [dreg:$0x6]  }
0x1c: {  	[spmem:s19], [sflag:s5] =	dma.local [hbm:s0], $0x2700  }
0x1d: {  	_ =	swait.ge [sflag:s20], $0x2700  }
0x1e: {  	[sflag:s20] =	ssyncset.done $0x0;
	s0 =	rddreg [dreg:$0x7]  }
0x1f: {  	[sflag:s20] =	ssyncadd.s32 $0xFFFFD900;
	s30 =	sshrl.u32 @!p0 s0, $0x3;
	s0 =	simm.s32 @!p0 $0x5  }
0x20: {  	[spmem:s30], [sflag:s5] =	dma.local @!p0 [hbm:s7], $0x100  }
0x21: {  	_ =	swait.ge @!p0 [sflag:s0], $0x100  }
0x22: {  	[sflag:s0] =	ssyncset.done @!p0 $0x0  }
0x23: {  	[sflag:s0] =	ssyncadd.s32 @!p0 $0xFFFFFF00  }
0x24: {  	[bflag:$0x0] =	sbarrier.arrive $0xFFFF  }
0x25: {  	[tilespmem:s3], [sflag:$0x5] =	stream.linear.gather [hbm4b:s8+s3], $0x80, $0x38;
	[tilespmem:$0x1B980] =	vst v63  }
0x26: {  	_ =	swait.ge [sflag:s20], $0x80  }
0x27: {  	[sflag:s20] =	ssyncset.done $0x0  }
0x28: {  	[sflag:s20] =	ssyncadd.s32 $0xFFFFFF80  }
0x29: {  	[tilespmem:s21], [sflag:$0x1] =	stream.linear.gather [hbm4b:s9+s3], $0x4000, $0x38;
	[tilespmem:$0x1B980] =	vst v63  }
0x2a: {  	_ = 	snop  }
0x2b: {  	[tilespmem:s22], [sflag:$0x4] =	stream.linear.gather [hbm4b:s10+s3], $0x80, $0x38;
	[tilespmem:$0x1B980] =	vst v63  }
0x2c: {  	_ =	swait.ge [sflag:s23], $0x4000  }
0x2d: {  	[sflag:s23] =	ssyncset.done $0x0  }
0x2e: {  	[sflag:s23] =	ssyncadd.s32 $0xFFFFC000  }
0x2f: {  	_ =	swait.ge [sflag:s24], $0x80  }
0x30: {  	s4 =	sadd.s32 $0x0, s17;
	[sflag:s24] =	ssyncset.done $0x0  }
0x31: {  	s18 =	sadd.s32 $0x10000, s4;
	[sflag:s24] =	ssyncadd.s32 $0xFFFFFF80  }
0x32: {  	[tilespmem:s25], [sflag:$0x2] =	stream.linear.gather [hbm4b:s18+s3], $0x4000, $0x38;
	[tilespmem:$0x1B980] =	vst v63  }
0x33: {  	_ = 	snop  }
0x34: {  	[spmem:s1] =	stream.indirect.scatter.add.f32 [tilespmem:s21], [sflag:$0x5], $0x80, s3, s22, $0xb8;
	[tilespmem:$0x1B980] =	vst v63  }
0x35: {  	_ =	swait.ge [sflag:s20], $0x4000  }
0x36: {  	[sflag:s20] =	ssyncset.done $0x0  }
0x37: {  	s6 =	sadd.s32 $0xFFFFFE00, s2;
	[sflag:s20] =	ssyncadd.s32 $0xFFFFC000  }
0x38: {  	[tilespmem:s3], [sflag:$0x3] =	stream.linear.gather [hbm4b:s6+s3], $0x80, $0x38;
	[tilespmem:$0x1B980] =	vst v63  }
0x39: {  	_ =	swait.ge [sflag:s26], $0x4000  }
0x3a: {  	[sflag:s26] =	ssyncset.done $0x0  }
0x3b: {  	[sflag:s26] =	ssyncadd.s32 $0xFFFFC000  }
0x3c: {  	_ =	swait.ge [sflag:s28], $0x80  }
0x3d: {  	[sflag:s28] =	ssyncset.done $0x0  }
0x3e: {  	s0 =	sadd.s32 $0x20000, s4;
	[sflag:s28] =	ssyncadd.s32 $0xFFFFFF80  }
0x3f: {  	[tilespmem:s21], [sflag:$0x1] =	stream.linear.gather [hbm4b:s0+s3], $0x4000, $0x38;
	[tilespmem:$0x1B980] =	vst v63  }
0x40: {  	_ = 	snop  }
0x41: {  	[spmem:s1] =	stream.indirect.scatter.add.f32 [tilespmem:s25], [sflag:$0x5], $0x80, s22, s22, $0xb8;
	[tilespmem:$0x1B980] =	vst v63  }
0x42: {  	_ =	swait.ge [sflag:s20], $0x4000  }
0x43: {  	s31 =	simm.s32 $0x20000;
	[sflag:s20] =	ssyncset.done $0x0  }
0x44: {  	s18 =	smov.u32 s2;
	s0 =	sadd.s32 $0x400, s2;
	[sflag:s20] =	ssyncadd.s32 $0xFFFFC000  }
.LBB2_2:
0x45: {  	[tilespmem:s22], [sflag:$0x4] =	stream.linear.gather [hbm4b:s18+s3], $0x80, $0x38;
	[tilespmem:$0x1B980] =	vst v63  }
0x46: {  	s4 =	smov.u32 s31;
	s18 =	smov.u32 s0  }
0x47: {  	p3 =	sne.s32 s31, $0x4A0000;
	s31 =	sadd.s32 $0x20000, s31;
	_ =	swait.ge [sflag:s23], $0x4000  }
0x48: {  	[sflag:s23] =	ssyncset.done $0x0  }
0x49: {  	[sflag:s23] =	ssyncadd.s32 $0xFFFFC000  }
0x4a: {  	_ =	swait.ge [sflag:s24], $0x80  }
0x4b: {  	s4 =	sadd.s32 s4, s17;
	[sflag:s24] =	ssyncset.done $0x0  }
0x4c: {  	s6 =	sadd.s32 $0x10000, s4;
	[sflag:s24] =	ssyncadd.s32 $0xFFFFFF80  }
0x4d: {  	[tilespmem:s25], [sflag:$0x2] =	stream.linear.gather [hbm4b:s6+s3], $0x4000, $0x38;
	[tilespmem:$0x1B980] =	vst v63  }
0x4e: {  	_ = 	snop  }
0x4f: {  	[spmem:s1] =	stream.indirect.scatter.add.f32 [tilespmem:s21], [sflag:$0x5], $0x80, s3, s22, $0xb8;
	[tilespmem:$0x1B980] =	vst v63  }
0x50: {  	_ =	swait.ge [sflag:s20], $0x4000  }
0x51: {  	[sflag:s20] =	ssyncset.done $0x0  }
0x52: {  	s6 =	sadd.s32 $0xFFFFFE00, s0;
	[sflag:s20] =	ssyncadd.s32 $0xFFFFC000  }
0x53: {  	[tilespmem:s3], [sflag:$0x3] =	stream.linear.gather [hbm4b:s6+s3], $0x80, $0x38;
	[tilespmem:$0x1B980] =	vst v63  }
0x54: {  	_ =	swait.ge [sflag:s26], $0x4000  }
0x55: {  	[sflag:s26] =	ssyncset.done $0x0  }
0x56: {  	[sflag:s26] =	ssyncadd.s32 $0xFFFFC000  }
0x57: {  	_ =	swait.ge [sflag:s28], $0x80  }
0x58: {  	[sflag:s28] =	ssyncset.done $0x0  }
0x59: {  	s4 =	sadd.s32 $0x20000, s4;
	[sflag:s28] =	ssyncadd.s32 $0xFFFFFF80  }
0x5a: {  	[tilespmem:s21], [sflag:$0x1] =	stream.linear.gather [hbm4b:s4+s3], $0x4000, $0x38;
	[tilespmem:$0x1B980] =	vst v63  }
.Ltmp0:
0x5b: {  	(pc) =	sbr.rel @p3 .LBB2_2-.Ltmp0, $4  }
0x5c: {  	[spmem:s1] =	stream.indirect.scatter.add.f32 [tilespmem:s25], [sflag:$0x5], $0x80, s22, s22, $0xb8;
	[tilespmem:$0x1B980] =	vst v63  }
0x5d: {  	_ =	swait.ge [sflag:s20], $0x4000  }
0x5e: {  	[sflag:s20] =	ssyncset.done $0x0  }
0x5f: {  	s0 =	sadd.s32 $0x400, s0;
	[sflag:s20] =	ssyncadd.s32 $0xFFFFC000  }
0x60: {  	[tilespmem:s22], [sflag:$0x4] =	stream.linear.gather [hbm4b:s18+s3], $0x80, $0x38;
	[tilespmem:$0x1B980] =	vst v63  }
0x61: {  	_ =	swait.ge [sflag:s23], $0x4000  }
0x62: {  	[sflag:s23] =	ssyncset.done $0x0  }
0x63: {  	[sflag:s23] =	ssyncadd.s32 $0xFFFFC000  }
0x64: {  	_ =	swait.ge [sflag:s24], $0x80  }
0x65: {  	[sflag:s24] =	ssyncset.done $0x0  }
0x66: {  	[sflag:s24] =	ssyncadd.s32 $0xFFFFFF80  }
0x67: {  	[tilespmem:s25], [sflag:$0x2] =	stream.linear.gather [hbm4b:s14+s3], $0x4000, $0x38;
	[tilespmem:$0x1B980] =	vst v63  }
0x68: {  	_ = 	snop  }
0x69: {  	[spmem:s1] =	stream.indirect.scatter.add.f32 [tilespmem:s21], [sflag:$0x5], $0x80, s3, s22, $0xb8;
	[tilespmem:$0x1B980] =	vst v63  }
0x6a: {  	_ =	swait.ge [sflag:s20], $0x4000  }
0x6b: {  	[sflag:s20] =	ssyncset.done $0x0  }
0x6c: {  	s0 =	simm.s32 @p1 $0x0;
	s4 =	simm.s32 @p1 $0x2;
	[sflag:s20] =	ssyncadd.s32 $0xFFFFC000  }
0x6d: {  	[tilespmem:s0], [sflag:$0x3] =	stream.linear.gather @p1 [hbm4b:s15+s0], $0x80, $0x38;
	[tilespmem:$0x1B980] =	vst v63  }
0x6e: {  	_ =	swait.ge @p1 [sflag:s4], $0x4000  }
0x6f: {  	[sflag:s4] =	ssyncset.done @p1 $0x0  }
0x70: {  	[sflag:s4] =	ssyncadd.s32 @p1 $0xFFFFC000;
	s4 =	simm.s32 @p1 $0x3  }
0x71: {  	_ =	swait.ge @p1 [sflag:s4], $0x80  }
0x72: {  	[sflag:s4] =	ssyncset.done @p1 $0x0  }
0x73: {  	[sflag:s4] =	ssyncadd.s32 @p1 $0xFFFFFF80;
	s4 =	simm.s32 @p1 $0x100  }
0x74: {  	[tilespmem:s4], [sflag:$0x1] =	stream.linear.gather @p1 [hbm4b:s16+s0], $0x4000, $0x38;
	[tilespmem:$0x1B980] =	vst v63  }
0x75: {  	s0 =	simm.s32 @!p1 $0x2  }
0x76: {  	_ =	swait.ge @!p1 [sflag:s0], $0x4000  }
0x77: {  	[sflag:s0] =	ssyncset.done @!p1 $0x0  }
0x78: {  	[sflag:s0] =	ssyncadd.s32 @!p1 $0xFFFFC000  }
0x79: {  	[spmem:s1] =	stream.indirect.scatter.add.f32 [tilespmem:s25], [sflag:$0x5], $0x80, s22, s22, $0xb8;
	[tilespmem:$0x1B980] =	vst v63  }
0x7a: {  	_ =	swait.ge [sflag:s20], $0x4000  }
0x7b: {  	[sflag:s20] =	ssyncset.done $0x0  }
0x7c: {  	s0 =	simm.s32 @!p2 $0x1;
	[sflag:s20] =	ssyncadd.s32 $0xFFFFC000  }
0x7d: {  	_ =	swait.ge @!p2 [sflag:s0], $0x4000  }
0x7e: {  	s6 =	simm.s32 @!p2 $0x100;
	[sflag:s0] =	ssyncset.done @!p2 $0x0  }
0x7f: {  	s4 =	simm.s32 @!p2 $0x0;
	[sflag:s0] =	ssyncadd.s32 @!p2 $0xFFFFC000;
	s0 =	simm.s32 @!p2 $0x80  }
0x80: {  	[spmem:s1] =	stream.indirect.scatter.add.f32 @!p2 [tilespmem:s6], [sflag:$0x5], $0x80, s4, s0, $0xb8;
	[tilespmem:$0x1B980] =	vst v63  }
0x81: {  	s0 =	simm.s32 @!p2 $0x5  }
0x82: {  	_ =	swait.ge @!p2 [sflag:s0], $0x4000  }
0x83: {  	[sflag:s0] =	ssyncset.done @!p2 $0x0  }
0x84: {  	[sflag:s0] =	ssyncadd.s32 @!p2 $0xFFFFC000  }
0x85: {  	[bflag:$0x0] =	sbarrier.arrive $0xFFFF  }
0x86: {  	[hbm:s11], [sflag:s5] =	dma.local [spmem:s19], $0x2700  }
0x87: {  	s29 =	sadd.s32 $0x1, s29;
	_ =	swait.ge [sflag:s20], $0x2700  }
0x88: {  	p3 =	sne.s32 s29, s13;
	[sflag:s20] =	ssyncset.done $0x0  }
.Ltmp1:
0x89: {  	s0 =	simm.s32 @!p0 $0x5;
	[sflag:s20] =	ssyncadd.s32 $0xFFFFD900;
	(pc) =	sbr.rel @p3 .LBB2_1-.Ltmp1, $4  }
0x8a: {  	[hbm:s12], [sflag:s5] =	dma.local @!p0 [spmem:s30], $0x100  }
0x8b: {  	_ =	swait.ge @!p0 [sflag:s0], $0x100  }
0x8c: {  	[sflag:s0] =	ssyncset.done @!p0 $0x0  }
0x8d: {  	[sflag:s0] =	ssyncadd.s32 @!p0 $0xFFFFFF00  }
0x8e: {  	_ =	sfence.sel $0x180000  }
0x8f: {  	[bflag:$0x0] =	sbarrier.arrive $0xFFFF  }
0x90: {  	_ =	strace $0x90000047  }
0x91: {  	s0 =	stileid.u32;
	[bflag:$0x2] =	sbarrier.arrive $0xFFFF  }
0x92: {  	p0 =	sne.s32 s0, $0x0;
	s0 =	rddreg [dreg:$0x5]  }
0x93: {  	s0 =	sadd.s32 @!p0 $0x100000, s0  }
0x94: {  	[sflag:s0] =	ssyncadd.tile.s32 @!p0 $0x1;
	_ =	shalt  }
.Lfunc_end2:
_tile_overlayer_lowered:
.L_overlay_start_2:
0x95: {  	(tag) =	ssettag $0x2  }
0x96: {  	s0 =	rddreg [dreg:$0x0];
	s2 =	stileid.u32  }
0x97: {  	s1 =	rddreg [dreg:$0x1];
	p0 =	sne.s32 s2, $0x0  }
0x98: {  	s3 =	rddreg [dreg:$0x2];
	[bflag:$0x3] =	sbarrier.arrive $0xFFFF;
	s2 =	simm.s32 @!p0 $0x1C05  }
0x99: {  	[timem:s3], [sflag:s2] =	dma.local @!p0 [hbm:s0], s1  }
0x9a: {  	s0 =	simm.s32 @!p0 $0x5  }
0x9b: {  	_ =	swait.ge @!p0 [sflag:s0], s1  }
0x9c: {  	s1 =	ssub.s32 @!p0 $0x0, s1;
	[sflag:s0] =	ssyncset.done @!p0 $0x0  }
0x9d: {  	[sflag:s0] =	ssyncadd.s32 @!p0 s1  }
0x9e: {  	[bflag:$0x3] =	sbarrier.arrive $0xFFFF  }
0x9f: {  	_ =	shalt  }

</sc_bundles>
